<compile_context>
chip_gen: v7x
topology: tpu7x:2x2x1
jax: 0.10.2.dev20260603
libtpu: 0.0.44.dev20260713+nightly
codegen_flags: <defaults>
</compile_context>

<pallas_src>
import functools

import jax
import jax.numpy as jnp
from jax import lax
from jax.experimental import pallas as pl
from jax.experimental.pallas import tpu as pltpu
from jax.experimental.pallas import tpu_sc as plsc

B_ = 16
D_ = 256
T_ = 4096
NUM_CODES = 8192
MARGIN = 0.2
STRIDE = 320

L_ = 16
NW_ = 32
C_ = 64
PER_W = (B_ * T_) // NW_
NCHUNK_ = PER_W // C_
G_ = C_ // L_
ACC_ = 4


def _sc_body(s_hbm, codes_hbm, neg_hbm, cb_hbm, posq_hbm, negq_hbm,
             idxp_all, idxn_all, s_v0, s_v1, rp0, rp1, rn0, rn1, row0_v,
             outp_all, outn_all,
             semp0, semp1, semn0, semn1, sems0, sems1):
    s_bufs = (s_v0, s_v1)
    rp = (rp0, rp1)
    rn = (rn0, rn1)
    semp = (semp0, semp1)
    semn = (semn0, semn1)
    sems = (sems0, sems1)
    cid = lax.axis_index("c")
    sid = lax.axis_index("s")
    wid = sid * 2 + cid
    b = wid // 2
    h = wid % 2
    t_base = h * (T_ // 2)
    stage = (
        pltpu.make_async_copy(cb_hbm.at[0], row0_v, semp0),
        pltpu.make_async_copy(codes_hbm.at[b, pl.ds(t_base, PER_W)],
                              idxp_all, semn0),
        pltpu.make_async_copy(neg_hbm.at[b, pl.ds(t_base, PER_W)],
                              idxn_all, sems0),
    )
    for cp in stage:
        cp.start()
    for cp in stage:
        cp.wait()
    lane = lax.iota(jnp.int32, L_)
    zeros = jnp.zeros((L_,), jnp.float32)

    def dmas(ci, k):
        off = ci * C_
        t0 = t_base + off
        return (
            pltpu.make_async_copy(cb_hbm.at[idxp_all.at[pl.ds(off, C_)]],
                                  rp[k], semp[k]),
            pltpu.make_async_copy(cb_hbm.at[idxn_all.at[pl.ds(off, C_)]],
                                  rn[k], semn[k]),
            pltpu.make_async_copy(
                s_hbm.at[b, :, t0 // 128, :, pl.ds(t0 % 128, C_)],
                s_bufs[k], sems[k]),
        )

    def start(ci, k):
        for d in dmas(ci, k):
            d.start()

    def waitall(ci, k):
        for d in dmas(ci, k):
            d.wait()

    def compute(ci, k):
        s_v = s_bufs[k]
        rowsp_v = rp[k]
        rowsn_v = rn[k]
        off = ci * C_
        for g in range(G_):
            row_idx = lane + g * L_

            def dbody2(j, acc):
                aps, ans = acc
                aps, ans = list(aps), list(ans)
                base = j * ACC_
                for k in range(ACC_):
                    dvec = (lane + (base + k)) & (D_ - 1)
                    sv = plsc.load_gather(
                        s_v, [dvec >> 3, dvec & 7, row_idx])
                    pv = plsc.load_gather(rowsp_v, [row_idx, dvec])
                    nv = plsc.load_gather(rowsn_v, [row_idx, dvec])
                    dp = sv - pv
                    dn = sv - nv
                    aps[k] = aps[k] + dp * dp
                    ans[k] = ans[k] + dn * dn
                return tuple(aps), tuple(ans)

            aps, ans = lax.fori_loop(0, D_ // ACC_, dbody2,
                                     ((zeros,) * ACC_, (zeros,) * ACC_))
            ap = sum(aps[1:], aps[0])
            an = sum(ans[1:], ans[0])
            outp_all[pl.ds(off + g * L_, L_)] = ap
            outn_all[pl.ds(off + g * L_, L_)] = an

        def edge_fix(g, lane_pick):
            row_idx = lane + g * L_

            def d0body(j, acc):
                acc = list(acc)
                base = j * ACC_
                for k in range(ACC_):
                    dvec = (lane + (base + k)) & (D_ - 1)
                    sv = plsc.load_gather(
                        s_v, [dvec >> 3, dvec & 7, row_idx])
                    c0 = plsc.load_gather(row0_v, [dvec])
                    d0 = sv - c0
                    acc[k] = acc[k] + d0 * d0
                return tuple(acc)

            a0s = lax.fori_loop(0, D_ // ACC_, d0body, (zeros,) * ACC_)
            a0 = sum(a0s[1:], a0s[0])
            ap0 = outp_all[pl.ds(off + g * L_, L_)]
            newp = jnp.where(lane == lane_pick, jnp.minimum(ap0, a0), ap0)
            outp_all[pl.ds(off + g * L_, L_)] = newp

        @pl.when((h == 0) & (ci == 0))
        def _():
            edge_fix(0, 0)

        @pl.when((h == 1) & (ci == NCHUNK_ - 1))
        def _():
            edge_fix(G_ - 1, L_ - 1)

    start(0, 0)

    def pair(i, carry):
        c0 = 2 * i
        start(c0 + 1, 1)
        waitall(c0, 0)
        compute(c0, 0)
        start(jnp.minimum(c0 + 2, NCHUNK_ - 1), 0)
        waitall(c0 + 1, 1)
        compute(c0 + 1, 1)
        return carry

    lax.fori_loop(0, NCHUNK_ // 2, pair, 0)
    waitall(NCHUNK_ - 1, 0)
    pltpu.sync_copy(outp_all, posq_hbm.at[b, pl.ds(t_base, PER_W)])
    pltpu.sync_copy(outn_all, negq_hbm.at[b, pl.ds(t_base, PER_W)])


def _distances_sc(s, codes, neg, cb):
    mesh = plsc.VectorSubcoreMesh(core_axis_name="c", subcore_axis_name="s",
                                  num_cores=2, num_subcores=16)
    f = pl.kernel(
        _sc_body,
        out_type=(jax.ShapeDtypeStruct((B_, T_), jnp.float32),
                  jax.ShapeDtypeStruct((B_, T_), jnp.float32)),
        mesh=mesh,
        scratch_types=[
            pltpu.VMEM((PER_W,), jnp.int32),
            pltpu.VMEM((PER_W,), jnp.int32),
            pltpu.VMEM((D_ // 8, 8, C_), jnp.float32),
            pltpu.VMEM((D_ // 8, 8, C_), jnp.float32),
            pltpu.VMEM((C_, D_), jnp.float32),
            pltpu.VMEM((C_, D_), jnp.float32),
            pltpu.VMEM((C_, D_), jnp.float32),
            pltpu.VMEM((C_, D_), jnp.float32),
            pltpu.VMEM((D_,), jnp.float32),
            pltpu.VMEM((PER_W,), jnp.float32),
            pltpu.VMEM((PER_W,), jnp.float32),
            pltpu.SemaphoreType.DMA,
            pltpu.SemaphoreType.DMA,
            pltpu.SemaphoreType.DMA,
            pltpu.SemaphoreType.DMA,
            pltpu.SemaphoreType.DMA,
            pltpu.SemaphoreType.DMA,
        ],
        compiler_params=pltpu.CompilerParams(use_tc_tiling_on_sc=False,
                                             needs_layout_passes=False,
                                             disable_bounds_checks=True),
    )
    return f(s, codes, neg, cb)


def _finalize_body(pos_ref, neg_ref, len_ref, out_ref):
    p = jnp.sqrt(pos_ref[...])
    n = jnp.sqrt(neg_ref[...])
    lens = len_ref[...]
    valid = jnp.minimum((lens + (STRIDE - 1)) // STRIDE, T_)
    tcol = lax.broadcasted_iota(jnp.int32, (B_, T_), 1)
    mask = (tcol < valid).astype(jnp.float32)
    tl = jnp.maximum(p - n + MARGIN, 0.0) * mask
    loss = jnp.sum(tl) / (jnp.sum(mask) + 1e-8)
    out_ref[...] = jnp.full((1, 1), loss, dtype=jnp.float32)


_finalize_tc = functools.partial(
    pl.pallas_call,
    out_shape=jax.ShapeDtypeStruct((1, 1), jnp.float32),
)(_finalize_body)


def kernel(student_features, teacher_codes, codebook, lengths):
    codes = teacher_codes.astype(jnp.int32)
    neg = jax.random.randint(jax.random.key(42), (B_, T_), 0,
                             NUM_CODES).astype(jnp.int32)
    s5 = student_features.reshape(B_, D_ // 8, 8, T_ // 128, 128)
    s5 = s5.transpose(0, 1, 3, 2, 4)
    posq, negq = _distances_sc(s5, codes, neg, codebook)
    out = _finalize_tc(posq, negq, lengths.reshape(B_, 1).astype(jnp.int32))
    return out[0, 0]

# --- scband reference (transcript-rebuilt; emitter-appended) ---
"""Pipeline reference for scband-frame-tolerant-triplet-loss-83537113907687 (READ-ONLY COPY).

The authoritative reference and input builder live on the scoring server;
editing this copy changes nothing except your own understanding.
"""

import jax, jax.numpy as jnp
import numpy as np

MARGIN = 0.2
STRIDE = 320
TOL = 1


def create_length_mask(lengths, max_audio_len, stride, T):
    valid = jnp.ceil(lengths.astype(jnp.float32) / stride).astype(jnp.int32)
    valid = jnp.minimum(valid, T)
    return (jnp.arange(T)[None, :] < valid[:, None]).astype(jnp.float32)


def setup_inputs(seed: int = 0) -> dict:
    key = jax.random.key(seed)
    k1, k2, k3, k4 = jax.random.split(key, 4)
    B, D, T = 16, 256, 4096
    num_codes = 8192
    student_features = jax.random.normal(k1, (B, D, T), dtype=jnp.float32)
    teacher_codes = jax.random.randint(k2, (B, T), 0, num_codes)
    codebook = jax.random.normal(k3, (num_codes, D), dtype=jnp.float32)
    lengths = jax.random.randint(k4, (B,), 1, T * STRIDE + 1)
    return {"student_features": student_features, "teacher_codes": teacher_codes, "codebook": codebook, "lengths": lengths}


def reference(student_features, teacher_codes, codebook, lengths):
    B, D, T = student_features.shape
    max_audio_len = T * STRIDE
    mask = create_length_mask(lengths, max_audio_len, STRIDE, T)
    s = jnp.transpose(student_features, (0, 2, 1))  # (B, T, D)
    best_pos_dist = jnp.full((B, T), jnp.inf, dtype=jnp.float32)
    best_codes = teacher_codes
    for offset in range(-TOL, TOL + 1):
        if offset < 0:
            codes_shifted = jnp.pad(teacher_codes[:, : T + offset], ((0, 0), (0, -offset)), constant_values=0)
        elif offset > 0:
            codes_shifted = jnp.pad(teacher_codes[:, offset:], ((0, 0), (offset, 0)), constant_values=0)
        else:
            codes_shifted = teacher_codes
        pos_embed = jnp.take(codebook, codes_shifted, axis=0)  # (B, T, D) gather
        pos_dist = ((s - pos_embed) ** 2).sum(axis=-1)
        better = pos_dist < best_pos_dist
        best_pos_dist = jnp.where(better, pos_dist, best_pos_dist)
        best_codes = jnp.where(better, codes_shifted, best_codes)
    pos_embed = jnp.take(codebook, best_codes, axis=0)
    pos_dist = jnp.sqrt(((s - pos_embed) ** 2).sum(axis=-1))
    neg_indices = jax.random.randint(jax.random.key(42), (B, T), 0, codebook.shape[0])
    neg_embed = jnp.take(codebook, neg_indices, axis=0)
    neg_dist = jnp.sqrt(((s - neg_embed) ** 2).sum(axis=-1))
    triplet_loss = jax.nn.relu(pos_dist - neg_dist + MARGIN)
    masked_loss = triplet_loss * mask
    loss = masked_loss.sum() / (mask.sum() + 1e-08)
    return loss

if __name__ == "__main__":
    import jax
    _d = setup_inputs()
    print(jax.jit(kernel)(*tuple(_d.values())))

</pallas_src>

<mosaic_0001>
#map = affine_map<(d0, d1) -> (0, 0, 0, 0, 0)>
#map1 = affine_map<(d0, d1) -> (0, 0)>
module attributes {stable_mosaic.version = 14 : i64} {
  func.func @_sc_body(%arg0: i32, %arg1: i32, %arg2: memref<16x32x32x8x128xf32, #tpu.memory_space<hbm>>, %arg3: memref<16x4096xi32, #tpu.memory_space<hbm>>, %arg4: memref<16x4096xi32, #tpu.memory_space<hbm>>, %arg5: memref<8192x256xf32, #tpu.memory_space<hbm>>, %arg6: memref<16x4096xf32, #tpu.memory_space<hbm>>, %arg7: memref<16x4096xf32, #tpu.memory_space<hbm>>, %arg8: memref<2048xi32, #tpu.memory_space<vmem>>, %arg9: memref<2048xi32, #tpu.memory_space<vmem>>, %arg10: memref<32x8x64xf32, #tpu.memory_space<vmem>>, %arg11: memref<32x8x64xf32, #tpu.memory_space<vmem>>, %arg12: memref<64x256xf32, #tpu.memory_space<vmem>>, %arg13: memref<64x256xf32, #tpu.memory_space<vmem>>, %arg14: memref<64x256xf32, #tpu.memory_space<vmem>>, %arg15: memref<64x256xf32, #tpu.memory_space<vmem>>, %arg16: memref<256xf32, #tpu.memory_space<vmem>>, %arg17: memref<2048xf32, #tpu.memory_space<vmem>>, %arg18: memref<2048xf32, #tpu.memory_space<vmem>>, %arg19: memref<!tpu.dma_semaphore, #tpu.memory_space<semaphore_mem>>, %arg20: memref<!tpu.dma_semaphore, #tpu.memory_space<semaphore_mem>>, %arg21: memref<!tpu.dma_semaphore, #tpu.memory_space<semaphore_mem>>, %arg22: memref<!tpu.dma_semaphore, #tpu.memory_space<semaphore_mem>>, %arg23: memref<!tpu.dma_semaphore, #tpu.memory_space<semaphore_mem>>, %arg24: memref<!tpu.dma_semaphore, #tpu.memory_space<semaphore_mem>>) attributes {dimension_semantics = [#tpu.dimension_semantics<core_parallel>, #tpu.dimension_semantics<subcore_parallel>], iteration_bounds = array<i64: 2, 16>, scalar_prefetch = 0 : i64, scratch_operands = 17 : i64, tpu.core_type = #tpu.core_type<sc_vector_subcore>, window_params = [{transform_indices = #map}, {transform_indices = #map1}, {transform_indices = #map1}, {transform_indices = #map1}, {transform_indices = #map1}, {transform_indices = #map1}]} {
    %mul3A = arith.constant 2 : i32
    %mul3A_0 = arith.muli %arg1, %mul3A : i32
    %add3A = arith.addi %mul3A_0, %arg0 : i32
    %jit3A = arith.constant 2 : i32
    %div3A = arith.divsi %add3A, %jit3A : i32
    %sign3A = arith.constant 0 : i32
    %sign3A_1 = arith.cmpi sgt, %add3A, %sign3A : i32
    %sign3A_2 = arith.extui %sign3A_1 : i1 to i32
    %sign3A_3 = arith.constant 0 : i32
    %sign3A_4 = arith.cmpi slt, %add3A, %sign3A_3 : i32
    %sign3A_5 = arith.extui %sign3A_4 : i1 to i32
    %sign3A_6 = arith.subi %sign3A_2, %sign3A_5 : i32
    %sign3A_7 = arith.constant 0 : i32
    %sign3A_8 = arith.cmpi sgt, %jit3A, %sign3A_7 : i32
    %sign3A_9 = arith.extui %sign3A_8 : i1 to i32
    %sign3A_10 = arith.constant 0 : i32
    %sign3A_11 = arith.cmpi slt, %jit3A, %sign3A_10 : i32
    %sign3A_12 = arith.extui %sign3A_11 : i1 to i32
    %sign3A_13 = arith.subi %sign3A_9, %sign3A_12 : i32
    %ne3A = arith.cmpi ne, %sign3A_6, %sign3A_13 : i32
    %rem3A = arith.remsi %add3A, %jit3A : i32
    %ne3A_14 = arith.constant 0 : i32
    %ne3A_15 = arith.cmpi ne, %rem3A, %ne3A_14 : i32
    %and3A = arith.andi %ne3A, %ne3A_15 : i1
    %sub3A = arith.constant 1 : i32
    %sub3A_16 = arith.subi %div3A, %sub3A : i32
    %select_n3A = arith.select %and3A, %sub3A_16, %div3A : i32
    %jit3A_17 = arith.constant 2 : i32
    %eq3A = arith.constant 0 : i32
    %eq3A_18 = arith.cmpi eq, %jit3A_17, %eq3A : i32
    %jit3A_19 = arith.constant 1 : i32
    %select_n3A_20 = arith.select %eq3A_18, %jit3A_19, %jit3A_17 : i32
    %rem3A_21 = arith.remsi %add3A, %select_n3A_20 : i32
    %ne3A_22 = arith.constant 0 : i32
    %ne3A_23 = arith.cmpi ne, %rem3A_21, %ne3A_22 : i32
    %lt3A = arith.constant 0 : i32
    %lt3A_24 = arith.cmpi slt, %rem3A_21, %lt3A : i32
    %lt3A_25 = arith.constant 0 : i32
    %lt3A_26 = arith.cmpi slt, %select_n3A_20, %lt3A_25 : i32
    %ne3A_27 = arith.xori %lt3A_24, %lt3A_26 : i1
    %and3A_28 = arith.andi %ne3A_27, %ne3A_23 : i1
    %add3A_29 = arith.addi %rem3A_21, %select_n3A_20 : i32
    %select_n3A_30 = arith.select %and3A_28, %add3A_29, %rem3A_21 : i32
    %mul3A_31 = arith.constant 2048 : i32
    %mul3A_32 = arith.muli %select_n3A_30, %mul3A_31 : i32
    %dma_start3A = arith.constant 0 : i32
    %dma_start3A_33 = arith.constant 0 : i32
    %dma_start3A_34 = tpu.memref_slice %arg5[%dma_start3A, %dma_start3A_33] : memref<8192x256xf32, #tpu.memory_space<hbm>> -> memref<1x256xf32, #tpu.memory_space<hbm>>
    %dma_start3A_35 = tpu.memref_squeeze %dma_start3A_34 : memref<1x256xf32, #tpu.memory_space<hbm>> -> memref<256xf32, #tpu.memory_space<hbm>>
    %dma_start3A_36 = arith.constant 0 : i32
    %dma_start3A_37 = tpu.memref_slice %arg5[%dma_start3A, %dma_start3A_36] : memref<8192x256xf32, #tpu.memory_space<hbm>> -> memref<1x256xf32, #tpu.memory_space<hbm>>
    %dma_start3A_38 = tpu.memref_squeeze %dma_start3A_37 : memref<1x256xf32, #tpu.memory_space<hbm>> -> memref<256xf32, #tpu.memory_space<hbm>>
    tpu.enqueue_dma source(%dma_start3A_38 : memref<256xf32, #tpu.memory_space<hbm>>) target(%arg16 : memref<256xf32, #tpu.memory_space<vmem>>) target_semaphore(%arg19 : memref<!tpu.dma_semaphore, #tpu.memory_space<semaphore_mem>>)
    %dma_start3A_39 = tpu.memref_slice %arg3[%select_n3A, %mul3A_32] : memref<16x4096xi32, #tpu.memory_space<hbm>> -> memref<1x2048xi32, #tpu.memory_space<hbm>>
    %dma_start3A_40 = tpu.memref_squeeze %dma_start3A_39 : memref<1x2048xi32, #tpu.memory_space<hbm>> -> memref<2048xi32, #tpu.memory_space<hbm>>
    %dma_start3A_41 = tpu.memref_slice %arg3[%select_n3A, %mul3A_32] : memref<16x4096xi32, #tpu.memory_space<hbm>> -> memref<1x2048xi32, #tpu.memory_space<hbm>>
    %dma_start3A_42 = tpu.memref_squeeze %dma_start3A_41 : memref<1x2048xi32, #tpu.memory_space<hbm>> -> memref<2048xi32, #tpu.memory_space<hbm>>
    tpu.enqueue_dma source(%dma_start3A_42 : memref<2048xi32, #tpu.memory_space<hbm>>) target(%arg8 : memref<2048xi32, #tpu.memory_space<vmem>>) target_semaphore(%arg21 : memref<!tpu.dma_semaphore, #tpu.memory_space<semaphore_mem>>)
    %dma_start3A_43 = tpu.memref_slice %arg4[%select_n3A, %mul3A_32] : memref<16x4096xi32, #tpu.memory_space<hbm>> -> memref<1x2048xi32, #tpu.memory_space<hbm>>
    %dma_start3A_44 = tpu.memref_squeeze %dma_start3A_43 : memref<1x2048xi32, #tpu.memory_space<hbm>> -> memref<2048xi32, #tpu.memory_space<hbm>>
    %dma_start3A_45 = tpu.memref_slice %arg4[%select_n3A, %mul3A_32] : memref<16x4096xi32, #tpu.memory_space<hbm>> -> memref<1x2048xi32, #tpu.memory_space<hbm>>
    %dma_start3A_46 = tpu.memref_squeeze %dma_start3A_45 : memref<1x2048xi32, #tpu.memory_space<hbm>> -> memref<2048xi32, #tpu.memory_space<hbm>>
    tpu.enqueue_dma source(%dma_start3A_46 : memref<2048xi32, #tpu.memory_space<hbm>>) target(%arg9 : memref<2048xi32, #tpu.memory_space<vmem>>) target_semaphore(%arg23 : memref<!tpu.dma_semaphore, #tpu.memory_space<semaphore_mem>>)
    %dma_wait3A = arith.constant 0 : i32
    %dma_wait3A_47 = arith.constant 0 : i32
    %dma_wait3A_48 = tpu.memref_slice %arg5[%dma_wait3A, %dma_wait3A_47] : memref<8192x256xf32, #tpu.memory_space<hbm>> -> memref<1x256xf32, #tpu.memory_space<hbm>>
    %dma_wait3A_49 = tpu.memref_squeeze %dma_wait3A_48 : memref<1x256xf32, #tpu.memory_space<hbm>> -> memref<256xf32, #tpu.memory_space<hbm>>
    %dma_wait3A_50 = arith.constant 0 : i32
    %dma_wait3A_51 = tpu.memref_slice %arg5[%dma_wait3A, %dma_wait3A_50] : memref<8192x256xf32, #tpu.memory_space<hbm>> -> memref<1x256xf32, #tpu.memory_space<hbm>>
    %dma_wait3A_52 = tpu.memref_squeeze %dma_wait3A_51 : memref<1x256xf32, #tpu.memory_space<hbm>> -> memref<256xf32, #tpu.memory_space<hbm>>
    tpu.wait_dma2 semaphore(%arg19 : memref<!tpu.dma_semaphore, #tpu.memory_space<semaphore_mem>>) src(%dma_wait3A_52 : memref<256xf32, #tpu.memory_space<hbm>>) dst(%arg16 : memref<256xf32, #tpu.memory_space<vmem>>)
    %dma_wait3A_53 = tpu.memref_slice %arg3[%select_n3A, %mul3A_32] : memref<16x4096xi32, #tpu.memory_space<hbm>> -> memref<1x2048xi32, #tpu.memory_space<hbm>>
    %dma_wait3A_54 = tpu.memref_squeeze %dma_wait3A_53 : memref<1x2048xi32, #tpu.memory_space<hbm>> -> memref<2048xi32, #tpu.memory_space<hbm>>
    %dma_wait3A_55 = tpu.memref_slice %arg3[%select_n3A, %mul3A_32] : memref<16x4096xi32, #tpu.memory_space<hbm>> -> memref<1x2048xi32, #tpu.memory_space<hbm>>
    %dma_wait3A_56 = tpu.memref_squeeze %dma_wait3A_55 : memref<1x2048xi32, #tpu.memory_space<hbm>> -> memref<2048xi32, #tpu.memory_space<hbm>>
    tpu.wait_dma2 semaphore(%arg21 : memref<!tpu.dma_semaphore, #tpu.memory_space<semaphore_mem>>) src(%dma_wait3A_56 : memref<2048xi32, #tpu.memory_space<hbm>>) dst(%arg8 : memref<2048xi32, #tpu.memory_space<vmem>>)
    %dma_wait3A_57 = tpu.memref_slice %arg4[%select_n3A, %mul3A_32] : memref<16x4096xi32, #tpu.memory_space<hbm>> -> memref<1x2048xi32, #tpu.memory_space<hbm>>
    %dma_wait3A_58 = tpu.memref_squeeze %dma_wait3A_57 : memref<1x2048xi32, #tpu.memory_space<hbm>> -> memref<2048xi32, #tpu.memory_space<hbm>>
    %dma_wait3A_59 = tpu.memref_slice %arg4[%select_n3A, %mul3A_32] : memref<16x4096xi32, #tpu.memory_space<hbm>> -> memref<1x2048xi32, #tpu.memory_space<hbm>>
    %dma_wait3A_60 = tpu.memref_squeeze %dma_wait3A_59 : memref<1x2048xi32, #tpu.memory_space<hbm>> -> memref<2048xi32, #tpu.memory_space<hbm>>
    tpu.wait_dma2 semaphore(%arg23 : memref<!tpu.dma_semaphore, #tpu.memory_space<semaphore_mem>>) src(%dma_wait3A_60 : memref<2048xi32, #tpu.memory_space<hbm>>) dst(%arg9 : memref<2048xi32, #tpu.memory_space<vmem>>)
    %iota3A = tpu.iota {dimensions = array<i32: 0>} : vector<16xi32>
    %broadcast_in_dim3A = arith.constant 0.000000e+00 : f32
    %broadcast_in_dim3A_61 = vector.broadcast %broadcast_in_dim3A : f32 to vector<16xf32>
    %add3A_62 = arith.constant 0 : i32
    %add3A_63 = arith.addi %mul3A_32, %add3A_62 : i32
    %jit3A_64 = arith.constant 128 : i32
    %div3A_65 = arith.divsi %add3A_63, %jit3A_64 : i32
    %sign3A_66 = arith.constant 0 : i32
    %sign3A_67 = arith.cmpi sgt, %add3A_63, %sign3A_66 : i32
    %sign3A_68 = arith.extui %sign3A_67 : i1 to i32
    %sign3A_69 = arith.constant 0 : i32
    %sign3A_70 = arith.cmpi slt, %add3A_63, %sign3A_69 : i32
    %sign3A_71 = arith.extui %sign3A_70 : i1 to i32
    %sign3A_72 = arith.subi %sign3A_68, %sign3A_71 : i32
    %sign3A_73 = arith.constant 0 : i32
    %sign3A_74 = arith.cmpi sgt, %jit3A_64, %sign3A_73 : i32
    %sign3A_75 = arith.extui %sign3A_74 : i1 to i32
    %sign3A_76 = arith.constant 0 : i32
    %sign3A_77 = arith.cmpi slt, %jit3A_64, %sign3A_76 : i32
    %sign3A_78 = arith.extui %sign3A_77 : i1 to i32
    %sign3A_79 = arith.subi %sign3A_75, %sign3A_78 : i32
    %ne3A_80 = arith.cmpi ne, %sign3A_72, %sign3A_79 : i32
    %rem3A_81 = arith.remsi %add3A_63, %jit3A_64 : i32
    %ne3A_82 = arith.constant 0 : i32
    %ne3A_83 = arith.cmpi ne, %rem3A_81, %ne3A_82 : i32
    %and3A_84 = arith.andi %ne3A_80, %ne3A_83 : i1
    %sub3A_85 = arith.constant 1 : i32
    %sub3A_86 = arith.subi %div3A_65, %sub3A_85 : i32
    %select_n3A_87 = arith.select %and3A_84, %sub3A_86, %div3A_65 : i32
    %jit3A_88 = arith.constant 128 : i32
    %eq3A_89 = arith.constant 0 : i32
    %eq3A_90 = arith.cmpi eq, %jit3A_88, %eq3A_89 : i32
    %jit3A_91 = arith.constant 1 : i32
    %select_n3A_92 = arith.select %eq3A_90, %jit3A_91, %jit3A_88 : i32
    %rem3A_93 = arith.remsi %add3A_63, %select_n3A_92 : i32
    %ne3A_94 = arith.constant 0 : i32
    %ne3A_95 = arith.cmpi ne, %rem3A_93, %ne3A_94 : i32
    %lt3A_96 = arith.constant 0 : i32
    %lt3A_97 = arith.cmpi slt, %rem3A_93, %lt3A_96 : i32
    %lt3A_98 = arith.constant 0 : i32
    %lt3A_99 = arith.cmpi slt, %select_n3A_92, %lt3A_98 : i32
    %ne3A_100 = arith.xori %lt3A_97, %lt3A_99 : i1
    %and3A_101 = arith.andi %ne3A_100, %ne3A_95 : i1
    %add3A_102 = arith.addi %rem3A_93, %select_n3A_92 : i32
    %select_n3A_103 = arith.select %and3A_101, %add3A_102, %rem3A_93 : i32
    %dma_start3A_104 = arith.constant 0 : i32
    %dma_start3A_105 = tpu.memref_slice %arg8[%dma_start3A_104] : memref<2048xi32, #tpu.memory_space<vmem>> -> memref<64xi32, #tpu.memory_space<vmem>>
    %dma_start3A_106 = arith.constant 0 : i32
    %dma_start3A_107 = arith.constant 0 : i32
    %dma_start3A_108 = tpu.memref_slice %arg5[%dma_start3A_106, %dma_start3A_107] : memref<8192x256xf32, #tpu.memory_space<hbm>> -> memref<8192x256xf32, #tpu.memory_space<hbm>>
    tpu.enqueue_indirect_dma source(%dma_start3A_108 : memref<8192x256xf32, #tpu.memory_space<hbm>>) target(%arg12 : memref<64x256xf32, #tpu.memory_space<vmem>>) offsets(%dma_start3A_105 : memref<64xi32, #tpu.memory_space<vmem>>) semaphore(%arg19 : memref<!tpu.dma_semaphore, #tpu.memory_space<semaphore_mem>>)
    %dma_start3A_109 = arith.constant 0 : i32
    %dma_start3A_110 = tpu.memref_slice %arg9[%dma_start3A_109] : memref<2048xi32, #tpu.memory_space<vmem>> -> memref<64xi32, #tpu.memory_space<vmem>>
    %dma_start3A_111 = arith.constant 0 : i32
    %dma_start3A_112 = arith.constant 0 : i32
    %dma_start3A_113 = tpu.memref_slice %arg5[%dma_start3A_111, %dma_start3A_112] : memref<8192x256xf32, #tpu.memory_space<hbm>> -> memref<8192x256xf32, #tpu.memory_space<hbm>>
    tpu.enqueue_indirect_dma source(%dma_start3A_113 : memref<8192x256xf32, #tpu.memory_space<hbm>>) target(%arg14 : memref<64x256xf32, #tpu.memory_space<vmem>>) offsets(%dma_start3A_110 : memref<64xi32, #tpu.memory_space<vmem>>) semaphore(%arg21 : memref<!tpu.dma_semaphore, #tpu.memory_space<semaphore_mem>>)
    %dma_start3A_114 = arith.constant 0 : i32
    %dma_start3A_115 = arith.constant 0 : i32
    %dma_start3A_116 = tpu.memref_slice %arg2[%select_n3A, %dma_start3A_114, %select_n3A_87, %dma_start3A_115, %select_n3A_103] : memref<16x32x32x8x128xf32, #tpu.memory_space<hbm>> -> memref<1x32x1x8x64xf32, #tpu.memory_space<hbm>>
    %dma_start3A_117 = tpu.memref_squeeze %dma_start3A_116 : memref<1x32x1x8x64xf32, #tpu.memory_space<hbm>> -> memref<32x8x64xf32, #tpu.memory_space<hbm>>
    %dma_start3A_118 = arith.constant 0 : i32
    %dma_start3A_119 = arith.constant 0 : i32
    %dma_start3A_120 = tpu.memref_slice %arg2[%select_n3A, %dma_start3A_118, %select_n3A_87, %dma_start3A_119, %select_n3A_103] : memref<16x32x32x8x128xf32, #tpu.memory_space<hbm>> -> memref<1x32x1x8x64xf32, #tpu.memory_space<hbm>>
    %dma_start3A_121 = tpu.memref_squeeze %dma_start3A_120 : memref<1x32x1x8x64xf32, #tpu.memory_space<hbm>> -> memref<32x8x64xf32, #tpu.memory_space<hbm>>
    tpu.enqueue_dma source(%dma_start3A_121 : memref<32x8x64xf32, #tpu.memory_space<hbm>>) target(%arg10 : memref<32x8x64xf32, #tpu.memory_space<vmem>>) target_semaphore(%arg23 : memref<!tpu.dma_semaphore, #tpu.memory_space<semaphore_mem>>)
    %scan3A = arith.constant 0 : i32
    %scan3A_122 = arith.constant 0 : i32
    %scan3A_123 = arith.constant 16 : i32
    %scan3A_124 = arith.addi %scan3A_122, %scan3A_123 : i32
    %scan3A_125 = arith.constant 1 : i32
    scf.for %scan3A_187 = %scan3A_122 to %scan3A_124 step %scan3A_125  : i32 {
      %mul3A_188 = arith.constant 2 : i32
      %mul3A_189 = arith.muli %mul3A_188, %scan3A_187 : i32
      %add3A_190 = arith.constant 1 : i32
      %add3A_191 = arith.addi %mul3A_189, %add3A_190 : i32
      %mul3A_192 = arith.constant 64 : i32
      %mul3A_193 = arith.muli %add3A_191, %mul3A_192 : i32
      %add3A_194 = arith.addi %mul3A_32, %mul3A_193 : i32
      %jit3A_195 = arith.constant 128 : i32
      %div3A_196 = arith.divsi %add3A_194, %jit3A_195 : i32
      %sign3A_197 = arith.constant 0 : i32
      %sign3A_198 = arith.cmpi sgt, %add3A_194, %sign3A_197 : i32
      %sign3A_199 = arith.extui %sign3A_198 : i1 to i32
      %sign3A_200 = arith.constant 0 : i32
      %sign3A_201 = arith.cmpi slt, %add3A_194, %sign3A_200 : i32
      %sign3A_202 = arith.extui %sign3A_201 : i1 to i32
      %sign3A_203 = arith.subi %sign3A_199, %sign3A_202 : i32
      %sign3A_204 = arith.constant 0 : i32
      %sign3A_205 = arith.cmpi sgt, %jit3A_195, %sign3A_204 : i32
      %sign3A_206 = arith.extui %sign3A_205 : i1 to i32
      %sign3A_207 = arith.constant 0 : i32
      %sign3A_208 = arith.cmpi slt, %jit3A_195, %sign3A_207 : i32
      %sign3A_209 = arith.extui %sign3A_208 : i1 to i32
      %sign3A_210 = arith.subi %sign3A_206, %sign3A_209 : i32
      %ne3A_211 = arith.cmpi ne, %sign3A_203, %sign3A_210 : i32
      %rem3A_212 = arith.remsi %add3A_194, %jit3A_195 : i32
      %ne3A_213 = arith.constant 0 : i32
      %ne3A_214 = arith.cmpi ne, %rem3A_212, %ne3A_213 : i32
      %and3A_215 = arith.andi %ne3A_211, %ne3A_214 : i1
      %sub3A_216 = arith.constant 1 : i32
      %sub3A_217 = arith.subi %div3A_196, %sub3A_216 : i32
      %select_n3A_218 = arith.select %and3A_215, %sub3A_217, %div3A_196 : i32
      %jit3A_219 = arith.constant 128 : i32
      %eq3A_220 = arith.constant 0 : i32
      %eq3A_221 = arith.cmpi eq, %jit3A_219, %eq3A_220 : i32
      %jit3A_222 = arith.constant 1 : i32
      %select_n3A_223 = arith.select %eq3A_221, %jit3A_222, %jit3A_219 : i32
      %rem3A_224 = arith.remsi %add3A_194, %select_n3A_223 : i32
      %ne3A_225 = arith.constant 0 : i32
      %ne3A_226 = arith.cmpi ne, %rem3A_224, %ne3A_225 : i32
      %lt3A_227 = arith.constant 0 : i32
      %lt3A_228 = arith.cmpi slt, %rem3A_224, %lt3A_227 : i32
      %lt3A_229 = arith.constant 0 : i32
      %lt3A_230 = arith.cmpi slt, %select_n3A_223, %lt3A_229 : i32
      %ne3A_231 = arith.xori %lt3A_228, %lt3A_230 : i1
      %and3A_232 = arith.andi %ne3A_231, %ne3A_226 : i1
      %add3A_233 = arith.addi %rem3A_224, %select_n3A_223 : i32
      %select_n3A_234 = arith.select %and3A_232, %add3A_233, %rem3A_224 : i32
      %dma_start3A_235 = tpu.memref_slice %arg8[%mul3A_193] : memref<2048xi32, #tpu.memory_space<vmem>> -> memref<64xi32, #tpu.memory_space<vmem>>
      %dma_start3A_236 = arith.constant 0 : i32
      %dma_start3A_237 = arith.constant 0 : i32
      %dma_start3A_238 = tpu.memref_slice %arg5[%dma_start3A_236, %dma_start3A_237] : memref<8192x256xf32, #tpu.memory_space<hbm>> -> memref<8192x256xf32, #tpu.memory_space<hbm>>
      tpu.enqueue_indirect_dma source(%dma_start3A_238 : memref<8192x256xf32, #tpu.memory_space<hbm>>) target(%arg13 : memref<64x256xf32, #tpu.memory_space<vmem>>) offsets(%dma_start3A_235 : memref<64xi32, #tpu.memory_space<vmem>>) semaphore(%arg20 : memref<!tpu.dma_semaphore, #tpu.memory_space<semaphore_mem>>)
      %dma_start3A_239 = tpu.memref_slice %arg9[%mul3A_193] : memref<2048xi32, #tpu.memory_space<vmem>> -> memref<64xi32, #tpu.memory_space<vmem>>
      %dma_start3A_240 = arith.constant 0 : i32
      %dma_start3A_241 = arith.constant 0 : i32
      %dma_start3A_242 = tpu.memref_slice %arg5[%dma_start3A_240, %dma_start3A_241] : memref<8192x256xf32, #tpu.memory_space<hbm>> -> memref<8192x256xf32, #tpu.memory_space<hbm>>
      tpu.enqueue_indirect_dma source(%dma_start3A_242 : memref<8192x256xf32, #tpu.memory_space<hbm>>) target(%arg15 : memref<64x256xf32, #tpu.memory_space<vmem>>) offsets(%dma_start3A_239 : memref<64xi32, #tpu.memory_space<vmem>>) semaphore(%arg22 : memref<!tpu.dma_semaphore, #tpu.memory_space<semaphore_mem>>)
      %dma_start3A_243 = arith.constant 0 : i32
      %dma_start3A_244 = arith.constant 0 : i32
      %dma_start3A_245 = tpu.memref_slice %arg2[%select_n3A, %dma_start3A_243, %select_n3A_218, %dma_start3A_244, %select_n3A_234] : memref<16x32x32x8x128xf32, #tpu.memory_space<hbm>> -> memref<1x32x1x8x64xf32, #tpu.memory_space<hbm>>
      %dma_start3A_246 = tpu.memref_squeeze %dma_start3A_245 : memref<1x32x1x8x64xf32, #tpu.memory_space<hbm>> -> memref<32x8x64xf32, #tpu.memory_space<hbm>>
      %dma_start3A_247 = arith.constant 0 : i32
      %dma_start3A_248 = arith.constant 0 : i32
      %dma_start3A_249 = tpu.memref_slice %arg2[%select_n3A, %dma_start3A_247, %select_n3A_218, %dma_start3A_248, %select_n3A_234] : memref<16x32x32x8x128xf32, #tpu.memory_space<hbm>> -> memref<1x32x1x8x64xf32, #tpu.memory_space<hbm>>
      %dma_start3A_250 = tpu.memref_squeeze %dma_start3A_249 : memref<1x32x1x8x64xf32, #tpu.memory_space<hbm>> -> memref<32x8x64xf32, #tpu.memory_space<hbm>>
      tpu.enqueue_dma source(%dma_start3A_250 : memref<32x8x64xf32, #tpu.memory_space<hbm>>) target(%arg11 : memref<32x8x64xf32, #tpu.memory_space<vmem>>) target_semaphore(%arg24 : memref<!tpu.dma_semaphore, #tpu.memory_space<semaphore_mem>>)
      %mul3A_251 = arith.constant 64 : i32
      %mul3A_252 = arith.muli %mul3A_189, %mul3A_251 : i32
      %add3A_253 = arith.addi %mul3A_32, %mul3A_252 : i32
      %jit3A_254 = arith.constant 128 : i32
      %div3A_255 = arith.divsi %add3A_253, %jit3A_254 : i32
      %sign3A_256 = arith.constant 0 : i32
      %sign3A_257 = arith.cmpi sgt, %add3A_253, %sign3A_256 : i32
      %sign3A_258 = arith.extui %sign3A_257 : i1 to i32
      %sign3A_259 = arith.constant 0 : i32
      %sign3A_260 = arith.cmpi slt, %add3A_253, %sign3A_259 : i32
      %sign3A_261 = arith.extui %sign3A_260 : i1 to i32
      %sign3A_262 = arith.subi %sign3A_258, %sign3A_261 : i32
      %sign3A_263 = arith.constant 0 : i32
      %sign3A_264 = arith.cmpi sgt, %jit3A_254, %sign3A_263 : i32
      %sign3A_265 = arith.extui %sign3A_264 : i1 to i32
      %sign3A_266 = arith.constant 0 : i32
      %sign3A_267 = arith.cmpi slt, %jit3A_254, %sign3A_266 : i32
      %sign3A_268 = arith.extui %sign3A_267 : i1 to i32
      %sign3A_269 = arith.subi %sign3A_265, %sign3A_268 : i32
      %ne3A_270 = arith.cmpi ne, %sign3A_262, %sign3A_269 : i32
      %rem3A_271 = arith.remsi %add3A_253, %jit3A_254 : i32
      %ne3A_272 = arith.constant 0 : i32
      %ne3A_273 = arith.cmpi ne, %rem3A_271, %ne3A_272 : i32
      %and3A_274 = arith.andi %ne3A_270, %ne3A_273 : i1
      %sub3A_275 = arith.constant 1 : i32
      %sub3A_276 = arith.subi %div3A_255, %sub3A_275 : i32
      %select_n3A_277 = arith.select %and3A_274, %sub3A_276, %div3A_255 : i32
      %jit3A_278 = arith.constant 128 : i32
      %eq3A_279 = arith.constant 0 : i32
      %eq3A_280 = arith.cmpi eq, %jit3A_278, %eq3A_279 : i32
      %jit3A_281 = arith.constant 1 : i32
      %select_n3A_282 = arith.select %eq3A_280, %jit3A_281, %jit3A_278 : i32
      %rem3A_283 = arith.remsi %add3A_253, %select_n3A_282 : i32
      %ne3A_284 = arith.constant 0 : i32
      %ne3A_285 = arith.cmpi ne, %rem3A_283, %ne3A_284 : i32
      %lt3A_286 = arith.constant 0 : i32
      %lt3A_287 = arith.cmpi slt, %rem3A_283, %lt3A_286 : i32
      %lt3A_288 = arith.constant 0 : i32
      %lt3A_289 = arith.cmpi slt, %select_n3A_282, %lt3A_288 : i32
      %ne3A_290 = arith.xori %lt3A_287, %lt3A_289 : i1
      %and3A_291 = arith.andi %ne3A_290, %ne3A_285 : i1
      %add3A_292 = arith.addi %rem3A_283, %select_n3A_282 : i32
      %select_n3A_293 = arith.select %and3A_291, %add3A_292, %rem3A_283 : i32
      %dma_wait3A_294 = tpu.memref_slice %arg8[%mul3A_252] : memref<2048xi32, #tpu.memory_space<vmem>> -> memref<64xi32, #tpu.memory_space<vmem>>
      %dma_wait3A_295 = arith.constant 0 : i32
      %dma_wait3A_296 = arith.constant 0 : i32
      %dma_wait3A_297 = tpu.memref_slice %arg5[%dma_wait3A_295, %dma_wait3A_296] : memref<8192x256xf32, #tpu.memory_space<hbm>> -> memref<8192x256xf32, #tpu.memory_space<hbm>>
      tpu.wait_indirect_dma semaphore(%arg19 : memref<!tpu.dma_semaphore, #tpu.memory_space<semaphore_mem>>) src(%dma_wait3A_297 : memref<8192x256xf32, #tpu.memory_space<hbm>>) dst(%arg12 : memref<64x256xf32, #tpu.memory_space<vmem>>)
      %dma_wait3A_298 = tpu.memref_slice %arg9[%mul3A_252] : memref<2048xi32, #tpu.memory_space<vmem>> -> memref<64xi32, #tpu.memory_space<vmem>>
      %dma_wait3A_299 = arith.constant 0 : i32
      %dma_wait3A_300 = arith.constant 0 : i32
      %dma_wait3A_301 = tpu.memref_slice %arg5[%dma_wait3A_299, %dma_wait3A_300] : memref<8192x256xf32, #tpu.memory_space<hbm>> -> memref<8192x256xf32, #tpu.memory_space<hbm>>
      tpu.wait_indirect_dma semaphore(%arg21 : memref<!tpu.dma_semaphore, #tpu.memory_space<semaphore_mem>>) src(%dma_wait3A_301 : memref<8192x256xf32, #tpu.memory_space<hbm>>) dst(%arg14 : memref<64x256xf32, #tpu.memory_space<vmem>>)
      %dma_wait3A_302 = arith.constant 0 : i32
      %dma_wait3A_303 = arith.constant 0 : i32
      %dma_wait3A_304 = tpu.memref_slice %arg2[%select_n3A, %dma_wait3A_302, %select_n3A_277, %dma_wait3A_303, %select_n3A_293] : memref<16x32x32x8x128xf32, #tpu.memory_space<hbm>> -> memref<1x32x1x8x64xf32, #tpu.memory_space<hbm>>
      %dma_wait3A_305 = tpu.memref_squeeze %dma_wait3A_304 : memref<1x32x1x8x64xf32, #tpu.memory_space<hbm>> -> memref<32x8x64xf32, #tpu.memory_space<hbm>>
      %dma_wait3A_306 = arith.constant 0 : i32
      %dma_wait3A_307 = arith.constant 0 : i32
      %dma_wait3A_308 = tpu.memref_slice %arg2[%select_n3A, %dma_wait3A_306, %select_n3A_277, %dma_wait3A_307, %select_n3A_293] : memref<16x32x32x8x128xf32, #tpu.memory_space<hbm>> -> memref<1x32x1x8x64xf32, #tpu.memory_space<hbm>>
      %dma_wait3A_309 = tpu.memref_squeeze %dma_wait3A_308 : memref<1x32x1x8x64xf32, #tpu.memory_space<hbm>> -> memref<32x8x64xf32, #tpu.memory_space<hbm>>
      tpu.wait_dma2 semaphore(%arg23 : memref<!tpu.dma_semaphore, #tpu.memory_space<semaphore_mem>>) src(%dma_wait3A_309 : memref<32x8x64xf32, #tpu.memory_space<hbm>>) dst(%arg10 : memref<32x8x64xf32, #tpu.memory_space<vmem>>)
      %mul3A_310 = arith.constant 64 : i32
      %mul3A_311 = arith.muli %mul3A_189, %mul3A_310 : i32
      %add3A_312 = arith.constant 0 : i32
      %add3A_313 = vector.broadcast %add3A_312 : i32 to vector<16xi32>
      %add3A_314 = arith.addi %iota3A, %add3A_313 : vector<16xi32>
      %scan3A_315 = arith.constant 0 : i32
      %scan3A_316 = arith.constant 64 : i32
      %scan3A_317 = arith.addi %scan3A_315, %scan3A_316 : i32
      %scan3A_318 = arith.constant 1 : i32
      %scan3A_319:8 = scf.for %scan3A_652 = %scan3A_315 to %scan3A_317 step %scan3A_318 iter_args(%scan3A_653 = %broadcast_in_dim3A_61, %scan3A_654 = %broadcast_in_dim3A_61, %scan3A_655 = %broadcast_in_dim3A_61, %scan3A_656 = %broadcast_in_dim3A_61, %scan3A_657 = %broadcast_in_dim3A_61, %scan3A_658 = %broadcast_in_dim3A_61, %scan3A_659 = %broadcast_in_dim3A_61, %scan3A_660 = %broadcast_in_dim3A_61) -> (vector<16xf32>, vector<16xf32>, vector<16xf32>, vector<16xf32>, vector<16xf32>, vector<16xf32>, vector<16xf32>, vector<16xf32>)  : i32 {
        %mul3A_661 = arith.constant 4 : i32
        %mul3A_662 = arith.muli %scan3A_652, %mul3A_661 : i32
        %add3A_663 = arith.constant 0 : i32
        %add3A_664 = arith.addi %mul3A_662, %add3A_663 : i32
        %add3A_665 = vector.broadcast %add3A_664 : i32 to vector<16xi32>
        %add3A_666 = arith.addi %iota3A, %add3A_665 : vector<16xi32>
        %and3A_667 = arith.constant 255 : i32
        %and3A_668 = vector.broadcast %and3A_667 : i32 to vector<16xi32>
        %and3A_669 = arith.andi %add3A_666, %and3A_668 : vector<16xi32>
        %shift_right_arithmetic3A = arith.constant 3 : i32
        %shift_right_arithmetic3A_670 = vector.broadcast %shift_right_arithmetic3A : i32 to vector<16xi32>
        %shift_right_arithmetic3A_671 = arith.shrsi %and3A_669, %shift_right_arithmetic3A_670 : vector<16xi32>
        %and3A_672 = arith.constant 7 : i32
        %and3A_673 = vector.broadcast %and3A_672 : i32 to vector<16xi32>
        %and3A_674 = arith.andi %and3A_669, %and3A_673 : vector<16xi32>
        %gather3A = tpu.vector_load_idx %arg10[%shift_right_arithmetic3A_671, %and3A_674, %add3A_314] : memref<32x8x64xf32, #tpu.memory_space<vmem>>[vector<16xi32>, vector<16xi32>, vector<16xi32>], vector<16xf32>,
        %gather3A_675 = tpu.vector_load_idx %arg12[%add3A_314, %and3A_669] : memref<64x256xf32, #tpu.memory_space<vmem>>[vector<16xi32>, vector<16xi32>], vector<16xf32>,
        %gather3A_676 = tpu.vector_load_idx %arg14[%add3A_314, %and3A_669] : memref<64x256xf32, #tpu.memory_space<vmem>>[vector<16xi32>, vector<16xi32>], vector<16xf32>,
        %sub3A_677 = arith.subf %gather3A, %gather3A_675 : vector<16xf32>
        %sub3A_678 = arith.subf %gather3A, %gather3A_676 : vector<16xf32>
        %mul3A_679 = arith.mulf %sub3A_677, %sub3A_677 : vector<16xf32>
        %add3A_680 = arith.addf %scan3A_653, %mul3A_679 : vector<16xf32>
        %mul3A_681 = arith.mulf %sub3A_678, %sub3A_678 : vector<16xf32>
        %add3A_682 = arith.addf %scan3A_657, %mul3A_681 : vector<16xf32>
        %add3A_683 = arith.constant 1 : i32
        %add3A_684 = arith.addi %mul3A_662, %add3A_683 : i32
        %add3A_685 = vector.broadcast %add3A_684 : i32 to vector<16xi32>
        %add3A_686 = arith.addi %iota3A, %add3A_685 : vector<16xi32>
        %and3A_687 = arith.constant 255 : i32
        %and3A_688 = vector.broadcast %and3A_687 : i32 to vector<16xi32>
        %and3A_689 = arith.andi %add3A_686, %and3A_688 : vector<16xi32>
        %shift_right_arithmetic3A_690 = arith.constant 3 : i32
        %shift_right_arithmetic3A_691 = vector.broadcast %shift_right_arithmetic3A_690 : i32 to vector<16xi32>
        %shift_right_arithmetic3A_692 = arith.shrsi %and3A_689, %shift_right_arithmetic3A_691 : vector<16xi32>
        %and3A_693 = arith.constant 7 : i32
        %and3A_694 = vector.broadcast %and3A_693 : i32 to vector<16xi32>
        %and3A_695 = arith.andi %and3A_689, %and3A_694 : vector<16xi32>
        %gather3A_696 = tpu.vector_load_idx %arg10[%shift_right_arithmetic3A_692, %and3A_695, %add3A_314] : memref<32x8x64xf32, #tpu.memory_space<vmem>>[vector<16xi32>, vector<16xi32>, vector<16xi32>], vector<16xf32>,
        %gather3A_697 = tpu.vector_load_idx %arg12[%add3A_314, %and3A_689] : memref<64x256xf32, #tpu.memory_space<vmem>>[vector<16xi32>, vector<16xi32>], vector<16xf32>,
        %gather3A_698 = tpu.vector_load_idx %arg14[%add3A_314, %and3A_689] : memref<64x256xf32, #tpu.memory_space<vmem>>[vector<16xi32>, vector<16xi32>], vector<16xf32>,
        %sub3A_699 = arith.subf %gather3A_696, %gather3A_697 : vector<16xf32>
        %sub3A_700 = arith.subf %gather3A_696, %gather3A_698 : vector<16xf32>
        %mul3A_701 = arith.mulf %sub3A_699, %sub3A_699 : vector<16xf32>
        %add3A_702 = arith.addf %scan3A_654, %mul3A_701 : vector<16xf32>
        %mul3A_703 = arith.mulf %sub3A_700, %sub3A_700 : vector<16xf32>
        %add3A_704 = arith.addf %scan3A_658, %mul3A_703 : vector<16xf32>
        %add3A_705 = arith.constant 2 : i32
        %add3A_706 = arith.addi %mul3A_662, %add3A_705 : i32
        %add3A_707 = vector.broadcast %add3A_706 : i32 to vector<16xi32>
        %add3A_708 = arith.addi %iota3A, %add3A_707 : vector<16xi32>
        %and3A_709 = arith.constant 255 : i32
        %and3A_710 = vector.broadcast %and3A_709 : i32 to vector<16xi32>
        %and3A_711 = arith.andi %add3A_708, %and3A_710 : vector<16xi32>
        %shift_right_arithmetic3A_712 = arith.constant 3 : i32
        %shift_right_arithmetic3A_713 = vector.broadcast %shift_right_arithmetic3A_712 : i32 to vector<16xi32>
        %shift_right_arithmetic3A_714 = arith.shrsi %and3A_711, %shift_right_arithmetic3A_713 : vector<16xi32>
        %and3A_715 = arith.constant 7 : i32
        %and3A_716 = vector.broadcast %and3A_715 : i32 to vector<16xi32>
        %and3A_717 = arith.andi %and3A_711, %and3A_716 : vector<16xi32>
        %gather3A_718 = tpu.vector_load_idx %arg10[%shift_right_arithmetic3A_714, %and3A_717, %add3A_314] : memref<32x8x64xf32, #tpu.memory_space<vmem>>[vector<16xi32>, vector<16xi32>, vector<16xi32>], vector<16xf32>,
        %gather3A_719 = tpu.vector_load_idx %arg12[%add3A_314, %and3A_711] : memref<64x256xf32, #tpu.memory_space<vmem>>[vector<16xi32>, vector<16xi32>], vector<16xf32>,
        %gather3A_720 = tpu.vector_load_idx %arg14[%add3A_314, %and3A_711] : memref<64x256xf32, #tpu.memory_space<vmem>>[vector<16xi32>, vector<16xi32>], vector<16xf32>,
        %sub3A_721 = arith.subf %gather3A_718, %gather3A_719 : vector<16xf32>
        %sub3A_722 = arith.subf %gather3A_718, %gather3A_720 : vector<16xf32>
        %mul3A_723 = arith.mulf %sub3A_721, %sub3A_721 : vector<16xf32>
        %add3A_724 = arith.addf %scan3A_655, %mul3A_723 : vector<16xf32>
        %mul3A_725 = arith.mulf %sub3A_722, %sub3A_722 : vector<16xf32>
        %add3A_726 = arith.addf %scan3A_659, %mul3A_725 : vector<16xf32>
        %add3A_727 = arith.constant 3 : i32
        %add3A_728 = arith.addi %mul3A_662, %add3A_727 : i32
        %add3A_729 = vector.broadcast %add3A_728 : i32 to vector<16xi32>
        %add3A_730 = arith.addi %iota3A, %add3A_729 : vector<16xi32>
        %and3A_731 = arith.constant 255 : i32
        %and3A_732 = vector.broadcast %and3A_731 : i32 to vector<16xi32>
        %and3A_733 = arith.andi %add3A_730, %and3A_732 : vector<16xi32>
        %shift_right_arithmetic3A_734 = arith.constant 3 : i32
        %shift_right_arithmetic3A_735 = vector.broadcast %shift_right_arithmetic3A_734 : i32 to vector<16xi32>
        %shift_right_arithmetic3A_736 = arith.shrsi %and3A_733, %shift_right_arithmetic3A_735 : vector<16xi32>
        %and3A_737 = arith.constant 7 : i32
        %and3A_738 = vector.broadcast %and3A_737 : i32 to vector<16xi32>
        %and3A_739 = arith.andi %and3A_733, %and3A_738 : vector<16xi32>
        %gather3A_740 = tpu.vector_load_idx %arg10[%shift_right_arithmetic3A_736, %and3A_739, %add3A_314] : memref<32x8x64xf32, #tpu.memory_space<vmem>>[vector<16xi32>, vector<16xi32>, vector<16xi32>], vector<16xf32>,
        %gather3A_741 = tpu.vector_load_idx %arg12[%add3A_314, %and3A_733] : memref<64x256xf32, #tpu.memory_space<vmem>>[vector<16xi32>, vector<16xi32>], vector<16xf32>,
        %gather3A_742 = tpu.vector_load_idx %arg14[%add3A_314, %and3A_733] : memref<64x256xf32, #tpu.memory_space<vmem>>[vector<16xi32>, vector<16xi32>], vector<16xf32>,
        %sub3A_743 = arith.subf %gather3A_740, %gather3A_741 : vector<16xf32>
        %sub3A_744 = arith.subf %gather3A_740, %gather3A_742 : vector<16xf32>
        %mul3A_745 = arith.mulf %sub3A_743, %sub3A_743 : vector<16xf32>
        %add3A_746 = arith.addf %scan3A_656, %mul3A_745 : vector<16xf32>
        %mul3A_747 = arith.mulf %sub3A_744, %sub3A_744 : vector<16xf32>
        %add3A_748 = arith.addf %scan3A_660, %mul3A_747 : vector<16xf32>
        scf.yield %add3A_680, %add3A_702, %add3A_724, %add3A_746, %add3A_682, %add3A_704, %add3A_726, %add3A_748 : vector<16xf32>, vector<16xf32>, vector<16xf32>, vector<16xf32>, vector<16xf32>, vector<16xf32>, vector<16xf32>, vector<16xf32>
      }
      %scan3A_320 = arith.constant 64 : i32
      %add3A_321 = arith.addf %scan3A_319#0, %scan3A_319#1 : vector<16xf32>
      %add3A_322 = arith.addf %add3A_321, %scan3A_319#2 : vector<16xf32>
      %add3A_323 = arith.addf %add3A_322, %scan3A_319#3 : vector<16xf32>
      %add3A_324 = arith.addf %scan3A_319#4, %scan3A_319#5 : vector<16xf32>
      %add3A_325 = arith.addf %add3A_324, %scan3A_319#6 : vector<16xf32>
      %add3A_326 = arith.addf %add3A_325, %scan3A_319#7 : vector<16xf32>
      %add3A_327 = arith.constant 0 : i32
      %add3A_328 = arith.addi %mul3A_311, %add3A_327 : i32
      %swap3A = arith.index_cast %add3A_328 : i32 to index
      %swap3A_329 = tpu.vector_load %arg17[%swap3A] {strides = array<i32>} : memref<2048xf32, #tpu.memory_space<vmem>>, vector<16xf32>,
      tpu.vector_store %arg17[%swap3A], %add3A_323 {strides = array<i32>} : memref<2048xf32, #tpu.memory_space<vmem>>, vector<16xf32>,
      %add3A_330 = arith.constant 0 : i32
      %add3A_331 = arith.addi %mul3A_311, %add3A_330 : i32
      %swap3A_332 = arith.index_cast %add3A_331 : i32 to index
      %swap3A_333 = tpu.vector_load %arg18[%swap3A_332] {strides = array<i32>} : memref<2048xf32, #tpu.memory_space<vmem>>, vector<16xf32>,
      tpu.vector_store %arg18[%swap3A_332], %add3A_326 {strides = array<i32>} : memref<2048xf32, #tpu.memory_space<vmem>>, vector<16xf32>,
      %add3A_334 = arith.constant 16 : i32
      %add3A_335 = vector.broadcast %add3A_334 : i32 to vector<16xi32>
      %add3A_336 = arith.addi %iota3A, %add3A_335 : vector<16xi32>
      %scan3A_337 = arith.constant 0 : i32
      %scan3A_338 = arith.constant 64 : i32
      %scan3A_339 = arith.addi %scan3A_337, %scan3A_338 : i32
      %scan3A_340 = arith.constant 1 : i32
      %scan3A_341:8 = scf.for %scan3A_652 = %scan3A_337 to %scan3A_339 step %scan3A_340 iter_args(%scan3A_653 = %broadcast_in_dim3A_61, %scan3A_654 = %broadcast_in_dim3A_61, %scan3A_655 = %broadcast_in_dim3A_61, %scan3A_656 = %broadcast_in_dim3A_61, %scan3A_657 = %broadcast_in_dim3A_61, %scan3A_658 = %broadcast_in_dim3A_61, %scan3A_659 = %broadcast_in_dim3A_61, %scan3A_660 = %broadcast_in_dim3A_61) -> (vector<16xf32>, vector<16xf32>, vector<16xf32>, vector<16xf32>, vector<16xf32>, vector<16xf32>, vector<16xf32>, vector<16xf32>)  : i32 {
        %mul3A_661 = arith.constant 4 : i32
        %mul3A_662 = arith.muli %scan3A_652, %mul3A_661 : i32
        %add3A_663 = arith.constant 0 : i32
        %add3A_664 = arith.addi %mul3A_662, %add3A_663 : i32
        %add3A_665 = vector.broadcast %add3A_664 : i32 to vector<16xi32>
        %add3A_666 = arith.addi %iota3A, %add3A_665 : vector<16xi32>
        %and3A_667 = arith.constant 255 : i32
        %and3A_668 = vector.broadcast %and3A_667 : i32 to vector<16xi32>
        %and3A_669 = arith.andi %add3A_666, %and3A_668 : vector<16xi32>
        %shift_right_arithmetic3A = arith.constant 3 : i32
        %shift_right_arithmetic3A_670 = vector.broadcast %shift_right_arithmetic3A : i32 to vector<16xi32>
        %shift_right_arithmetic3A_671 = arith.shrsi %and3A_669, %shift_right_arithmetic3A_670 : vector<16xi32>
        %and3A_672 = arith.constant 7 : i32
        %and3A_673 = vector.broadcast %and3A_672 : i32 to vector<16xi32>
        %and3A_674 = arith.andi %and3A_669, %and3A_673 : vector<16xi32>
        %gather3A = tpu.vector_load_idx %arg10[%shift_right_arithmetic3A_671, %and3A_674, %add3A_336] : memref<32x8x64xf32, #tpu.memory_space<vmem>>[vector<16xi32>, vector<16xi32>, vector<16xi32>], vector<16xf32>,
        %gather3A_675 = tpu.vector_load_idx %arg12[%add3A_336, %and3A_669] : memref<64x256xf32, #tpu.memory_space<vmem>>[vector<16xi32>, vector<16xi32>], vector<16xf32>,
        %gather3A_676 = tpu.vector_load_idx %arg14[%add3A_336, %and3A_669] : memref<64x256xf32, #tpu.memory_space<vmem>>[vector<16xi32>, vector<16xi32>], vector<16xf32>,
        %sub3A_677 = arith.subf %gather3A, %gather3A_675 : vector<16xf32>
        %sub3A_678 = arith.subf %gather3A, %gather3A_676 : vector<16xf32>
        %mul3A_679 = arith.mulf %sub3A_677, %sub3A_677 : vector<16xf32>
        %add3A_680 = arith.addf %scan3A_653, %mul3A_679 : vector<16xf32>
        %mul3A_681 = arith.mulf %sub3A_678, %sub3A_678 : vector<16xf32>
        %add3A_682 = arith.addf %scan3A_657, %mul3A_681 : vector<16xf32>
        %add3A_683 = arith.constant 1 : i32
        %add3A_684 = arith.addi %mul3A_662, %add3A_683 : i32
        %add3A_685 = vector.broadcast %add3A_684 : i32 to vector<16xi32>
        %add3A_686 = arith.addi %iota3A, %add3A_685 : vector<16xi32>
        %and3A_687 = arith.constant 255 : i32
        %and3A_688 = vector.broadcast %and3A_687 : i32 to vector<16xi32>
        %and3A_689 = arith.andi %add3A_686, %and3A_688 : vector<16xi32>
        %shift_right_arithmetic3A_690 = arith.constant 3 : i32
        %shift_right_arithmetic3A_691 = vector.broadcast %shift_right_arithmetic3A_690 : i32 to vector<16xi32>
        %shift_right_arithmetic3A_692 = arith.shrsi %and3A_689, %shift_right_arithmetic3A_691 : vector<16xi32>
        %and3A_693 = arith.constant 7 : i32
        %and3A_694 = vector.broadcast %and3A_693 : i32 to vector<16xi32>
        %and3A_695 = arith.andi %and3A_689, %and3A_694 : vector<16xi32>
        %gather3A_696 = tpu.vector_load_idx %arg10[%shift_right_arithmetic3A_692, %and3A_695, %add3A_336] : memref<32x8x64xf32, #tpu.memory_space<vmem>>[vector<16xi32>, vector<16xi32>, vector<16xi32>], vector<16xf32>,
        %gather3A_697 = tpu.vector_load_idx %arg12[%add3A_336, %and3A_689] : memref<64x256xf32, #tpu.memory_space<vmem>>[vector<16xi32>, vector<16xi32>], vector<16xf32>,
        %gather3A_698 = tpu.vector_load_idx %arg14[%add3A_336, %and3A_689] : memref<64x256xf32, #tpu.memory_space<vmem>>[vector<16xi32>, vector<16xi32>], vector<16xf32>,
        %sub3A_699 = arith.subf %gather3A_696, %gather3A_697 : vector<16xf32>
        %sub3A_700 = arith.subf %gather3A_696, %gather3A_698 : vector<16xf32>
        %mul3A_701 = arith.mulf %sub3A_699, %sub3A_699 : vector<16xf32>
        %add3A_702 = arith.addf %scan3A_654, %mul3A_701 : vector<16xf32>
        %mul3A_703 = arith.mulf %sub3A_700, %sub3A_700 : vector<16xf32>
        %add3A_704 = arith.addf %scan3A_658, %mul3A_703 : vector<16xf32>
        %add3A_705 = arith.constant 2 : i32
        %add3A_706 = arith.addi %mul3A_662, %add3A_705 : i32
        %add3A_707 = vector.broadcast %add3A_706 : i32 to vector<16xi32>
        %add3A_708 = arith.addi %iota3A, %add3A_707 : vector<16xi32>
        %and3A_709 = arith.constant 255 : i32
        %and3A_710 = vector.broadcast %and3A_709 : i32 to vector<16xi32>
        %and3A_711 = arith.andi %add3A_708, %and3A_710 : vector<16xi32>
        %shift_right_arithmetic3A_712 = arith.constant 3 : i32
        %shift_right_arithmetic3A_713 = vector.broadcast %shift_right_arithmetic3A_712 : i32 to vector<16xi32>
        %shift_right_arithmetic3A_714 = arith.shrsi %and3A_711, %shift_right_arithmetic3A_713 : vector<16xi32>
        %and3A_715 = arith.constant 7 : i32
        %and3A_716 = vector.broadcast %and3A_715 : i32 to vector<16xi32>
        %and3A_717 = arith.andi %and3A_711, %and3A_716 : vector<16xi32>
        %gather3A_718 = tpu.vector_load_idx %arg10[%shift_right_arithmetic3A_714, %and3A_717, %add3A_336] : memref<32x8x64xf32, #tpu.memory_space<vmem>>[vector<16xi32>, vector<16xi32>, vector<16xi32>], vector<16xf32>,
        %gather3A_719 = tpu.vector_load_idx %arg12[%add3A_336, %and3A_711] : memref<64x256xf32, #tpu.memory_space<vmem>>[vector<16xi32>, vector<16xi32>], vector<16xf32>,
        %gather3A_720 = tpu.vector_load_idx %arg14[%add3A_336, %and3A_711] : memref<64x256xf32, #tpu.memory_space<vmem>>[vector<16xi32>, vector<16xi32>], vector<16xf32>,
        %sub3A_721 = arith.subf %gather3A_718, %gather3A_719 : vector<16xf32>
        %sub3A_722 = arith.subf %gather3A_718, %gather3A_720 : vector<16xf32>
        %mul3A_723 = arith.mulf %sub3A_721, %sub3A_721 : vector<16xf32>
        %add3A_724 = arith.addf %scan3A_655, %mul3A_723 : vector<16xf32>
        %mul3A_725 = arith.mulf %sub3A_722, %sub3A_722 : vector<16xf32>
        %add3A_726 = arith.addf %scan3A_659, %mul3A_725 : vector<16xf32>
        %add3A_727 = arith.constant 3 : i32
        %add3A_728 = arith.addi %mul3A_662, %add3A_727 : i32
        %add3A_729 = vector.broadcast %add3A_728 : i32 to vector<16xi32>
        %add3A_730 = arith.addi %iota3A, %add3A_729 : vector<16xi32>
        %and3A_731 = arith.constant 255 : i32
        %and3A_732 = vector.broadcast %and3A_731 : i32 to vector<16xi32>
        %and3A_733 = arith.andi %add3A_730, %and3A_732 : vector<16xi32>
        %shift_right_arithmetic3A_734 = arith.constant 3 : i32
        %shift_right_arithmetic3A_735 = vector.broadcast %shift_right_arithmetic3A_734 : i32 to vector<16xi32>
        %shift_right_arithmetic3A_736 = arith.shrsi %and3A_733, %shift_right_arithmetic3A_735 : vector<16xi32>
        %and3A_737 = arith.constant 7 : i32
        %and3A_738 = vector.broadcast %and3A_737 : i32 to vector<16xi32>
        %and3A_739 = arith.andi %and3A_733, %and3A_738 : vector<16xi32>
        %gather3A_740 = tpu.vector_load_idx %arg10[%shift_right_arithmetic3A_736, %and3A_739, %add3A_336] : memref<32x8x64xf32, #tpu.memory_space<vmem>>[vector<16xi32>, vector<16xi32>, vector<16xi32>], vector<16xf32>,
        %gather3A_741 = tpu.vector_load_idx %arg12[%add3A_336, %and3A_733] : memref<64x256xf32, #tpu.memory_space<vmem>>[vector<16xi32>, vector<16xi32>], vector<16xf32>,
        %gather3A_742 = tpu.vector_load_idx %arg14[%add3A_336, %and3A_733] : memref<64x256xf32, #tpu.memory_space<vmem>>[vector<16xi32>, vector<16xi32>], vector<16xf32>,
        %sub3A_743 = arith.subf %gather3A_740, %gather3A_741 : vector<16xf32>
        %sub3A_744 = arith.subf %gather3A_740, %gather3A_742 : vector<16xf32>
        %mul3A_745 = arith.mulf %sub3A_743, %sub3A_743 : vector<16xf32>
        %add3A_746 = arith.addf %scan3A_656, %mul3A_745 : vector<16xf32>
        %mul3A_747 = arith.mulf %sub3A_744, %sub3A_744 : vector<16xf32>
        %add3A_748 = arith.addf %scan3A_660, %mul3A_747 : vector<16xf32>
        scf.yield %add3A_680, %add3A_702, %add3A_724, %add3A_746, %add3A_682, %add3A_704, %add3A_726, %add3A_748 : vector<16xf32>, vector<16xf32>, vector<16xf32>, vector<16xf32>, vector<16xf32>, vector<16xf32>, vector<16xf32>, vector<16xf32>
      }
      %scan3A_342 = arith.constant 64 : i32
      %add3A_343 = arith.addf %scan3A_341#0, %scan3A_341#1 : vector<16xf32>
      %add3A_344 = arith.addf %add3A_343, %scan3A_341#2 : vector<16xf32>
      %add3A_345 = arith.addf %add3A_344, %scan3A_341#3 : vector<16xf32>
      %add3A_346 = arith.addf %scan3A_341#4, %scan3A_341#5 : vector<16xf32>
      %add3A_347 = arith.addf %add3A_346, %scan3A_341#6 : vector<16xf32>
      %add3A_348 = arith.addf %add3A_347, %scan3A_341#7 : vector<16xf32>
      %add3A_349 = arith.constant 16 : i32
      %add3A_350 = arith.addi %mul3A_311, %add3A_349 : i32
      %swap3A_351 = arith.index_cast %add3A_350 : i32 to index
      %swap3A_352 = tpu.vector_load %arg17[%swap3A_351] {strides = array<i32>} : memref<2048xf32, #tpu.memory_space<vmem>>, vector<16xf32>,
      tpu.vector_store %arg17[%swap3A_351], %add3A_345 {strides = array<i32>} : memref<2048xf32, #tpu.memory_space<vmem>>, vector<16xf32>,
      %add3A_353 = arith.constant 16 : i32
      %add3A_354 = arith.addi %mul3A_311, %add3A_353 : i32
      %swap3A_355 = arith.index_cast %add3A_354 : i32 to index
      %swap3A_356 = tpu.vector_load %arg18[%swap3A_355] {strides = array<i32>} : memref<2048xf32, #tpu.memory_space<vmem>>, vector<16xf32>,
      tpu.vector_store %arg18[%swap3A_355], %add3A_348 {strides = array<i32>} : memref<2048xf32, #tpu.memory_space<vmem>>, vector<16xf32>,
      %add3A_357 = arith.constant 32 : i32
      %add3A_358 = vector.broadcast %add3A_357 : i32 to vector<16xi32>
      %add3A_359 = arith.addi %iota3A, %add3A_358 : vector<16xi32>
      %scan3A_360 = arith.constant 0 : i32
      %scan3A_361 = arith.constant 64 : i32
      %scan3A_362 = arith.addi %scan3A_360, %scan3A_361 : i32
      %scan3A_363 = arith.constant 1 : i32
      %scan3A_364:8 = scf.for %scan3A_652 = %scan3A_360 to %scan3A_362 step %scan3A_363 iter_args(%scan3A_653 = %broadcast_in_dim3A_61, %scan3A_654 = %broadcast_in_dim3A_61, %scan3A_655 = %broadcast_in_dim3A_61, %scan3A_656 = %broadcast_in_dim3A_61, %scan3A_657 = %broadcast_in_dim3A_61, %scan3A_658 = %broadcast_in_dim3A_61, %scan3A_659 = %broadcast_in_dim3A_61, %scan3A_660 = %broadcast_in_dim3A_61) -> (vector<16xf32>, vector<16xf32>, vector<16xf32>, vector<16xf32>, vector<16xf32>, vector<16xf32>, vector<16xf32>, vector<16xf32>)  : i32 {
        %mul3A_661 = arith.constant 4 : i32
        %mul3A_662 = arith.muli %scan3A_652, %mul3A_661 : i32
        %add3A_663 = arith.constant 0 : i32
        %add3A_664 = arith.addi %mul3A_662, %add3A_663 : i32
        %add3A_665 = vector.broadcast %add3A_664 : i32 to vector<16xi32>
        %add3A_666 = arith.addi %iota3A, %add3A_665 : vector<16xi32>
        %and3A_667 = arith.constant 255 : i32
        %and3A_668 = vector.broadcast %and3A_667 : i32 to vector<16xi32>
        %and3A_669 = arith.andi %add3A_666, %and3A_668 : vector<16xi32>
        %shift_right_arithmetic3A = arith.constant 3 : i32
        %shift_right_arithmetic3A_670 = vector.broadcast %shift_right_arithmetic3A : i32 to vector<16xi32>
        %shift_right_arithmetic3A_671 = arith.shrsi %and3A_669, %shift_right_arithmetic3A_670 : vector<16xi32>
        %and3A_672 = arith.constant 7 : i32
        %and3A_673 = vector.broadcast %and3A_672 : i32 to vector<16xi32>
        %and3A_674 = arith.andi %and3A_669, %and3A_673 : vector<16xi32>
        %gather3A = tpu.vector_load_idx %arg10[%shift_right_arithmetic3A_671, %and3A_674, %add3A_359] : memref<32x8x64xf32, #tpu.memory_space<vmem>>[vector<16xi32>, vector<16xi32>, vector<16xi32>], vector<16xf32>,
        %gather3A_675 = tpu.vector_load_idx %arg12[%add3A_359, %and3A_669] : memref<64x256xf32, #tpu.memory_space<vmem>>[vector<16xi32>, vector<16xi32>], vector<16xf32>,
        %gather3A_676 = tpu.vector_load_idx %arg14[%add3A_359, %and3A_669] : memref<64x256xf32, #tpu.memory_space<vmem>>[vector<16xi32>, vector<16xi32>], vector<16xf32>,
        %sub3A_677 = arith.subf %gather3A, %gather3A_675 : vector<16xf32>
        %sub3A_678 = arith.subf %gather3A, %gather3A_676 : vector<16xf32>
        %mul3A_679 = arith.mulf %sub3A_677, %sub3A_677 : vector<16xf32>
        %add3A_680 = arith.addf %scan3A_653, %mul3A_679 : vector<16xf32>
        %mul3A_681 = arith.mulf %sub3A_678, %sub3A_678 : vector<16xf32>
        %add3A_682 = arith.addf %scan3A_657, %mul3A_681 : vector<16xf32>
        %add3A_683 = arith.constant 1 : i32
        %add3A_684 = arith.addi %mul3A_662, %add3A_683 : i32
        %add3A_685 = vector.broadcast %add3A_684 : i32 to vector<16xi32>
        %add3A_686 = arith.addi %iota3A, %add3A_685 : vector<16xi32>
        %and3A_687 = arith.constant 255 : i32
        %and3A_688 = vector.broadcast %and3A_687 : i32 to vector<16xi32>
        %and3A_689 = arith.andi %add3A_686, %and3A_688 : vector<16xi32>
        %shift_right_arithmetic3A_690 = arith.constant 3 : i32
        %shift_right_arithmetic3A_691 = vector.broadcast %shift_right_arithmetic3A_690 : i32 to vector<16xi32>
        %shift_right_arithmetic3A_692 = arith.shrsi %and3A_689, %shift_right_arithmetic3A_691 : vector<16xi32>
        %and3A_693 = arith.constant 7 : i32
        %and3A_694 = vector.broadcast %and3A_693 : i32 to vector<16xi32>
        %and3A_695 = arith.andi %and3A_689, %and3A_694 : vector<16xi32>
        %gather3A_696 = tpu.vector_load_idx %arg10[%shift_right_arithmetic3A_692, %and3A_695, %add3A_359] : memref<32x8x64xf32, #tpu.memory_space<vmem>>[vector<16xi32>, vector<16xi32>, vector<16xi32>], vector<16xf32>,
        %gather3A_697 = tpu.vector_load_idx %arg12[%add3A_359, %and3A_689] : memref<64x256xf32, #tpu.memory_space<vmem>>[vector<16xi32>, vector<16xi32>], vector<16xf32>,
        %gather3A_698 = tpu.vector_load_idx %arg14[%add3A_359, %and3A_689] : memref<64x256xf32, #tpu.memory_space<vmem>>[vector<16xi32>, vector<16xi32>], vector<16xf32>,
        %sub3A_699 = arith.subf %gather3A_696, %gather3A_697 : vector<16xf32>
        %sub3A_700 = arith.subf %gather3A_696, %gather3A_698 : vector<16xf32>
        %mul3A_701 = arith.mulf %sub3A_699, %sub3A_699 : vector<16xf32>
        %add3A_702 = arith.addf %scan3A_654, %mul3A_701 : vector<16xf32>
        %mul3A_703 = arith.mulf %sub3A_700, %sub3A_700 : vector<16xf32>
        %add3A_704 = arith.addf %scan3A_658, %mul3A_703 : vector<16xf32>
        %add3A_705 = arith.constant 2 : i32
        %add3A_706 = arith.addi %mul3A_662, %add3A_705 : i32
        %add3A_707 = vector.broadcast %add3A_706 : i32 to vector<16xi32>
        %add3A_708 = arith.addi %iota3A, %add3A_707 : vector<16xi32>
        %and3A_709 = arith.constant 255 : i32
        %and3A_710 = vector.broadcast %and3A_709 : i32 to vector<16xi32>
        %and3A_711 = arith.andi %add3A_708, %and3A_710 : vector<16xi32>
        %shift_right_arithmetic3A_712 = arith.constant 3 : i32
        %shift_right_arithmetic3A_713 = vector.broadcast %shift_right_arithmetic3A_712 : i32 to vector<16xi32>
        %shift_right_arithmetic3A_714 = arith.shrsi %and3A_711, %shift_right_arithmetic3A_713 : vector<16xi32>
        %and3A_715 = arith.constant 7 : i32
        %and3A_716 = vector.broadcast %and3A_715 : i32 to vector<16xi32>
        %and3A_717 = arith.andi %and3A_711, %and3A_716 : vector<16xi32>
        %gather3A_718 = tpu.vector_load_idx %arg10[%shift_right_arithmetic3A_714, %and3A_717, %add3A_359] : memref<32x8x64xf32, #tpu.memory_space<vmem>>[vector<16xi32>, vector<16xi32>, vector<16xi32>], vector<16xf32>,
        %gather3A_719 = tpu.vector_load_idx %arg12[%add3A_359, %and3A_711] : memref<64x256xf32, #tpu.memory_space<vmem>>[vector<16xi32>, vector<16xi32>], vector<16xf32>,
        %gather3A_720 = tpu.vector_load_idx %arg14[%add3A_359, %and3A_711] : memref<64x256xf32, #tpu.memory_space<vmem>>[vector<16xi32>, vector<16xi32>], vector<16xf32>,
        %sub3A_721 = arith.subf %gather3A_718, %gather3A_719 : vector<16xf32>
        %sub3A_722 = arith.subf %gather3A_718, %gather3A_720 : vector<16xf32>
        %mul3A_723 = arith.mulf %sub3A_721, %sub3A_721 : vector<16xf32>
        %add3A_724 = arith.addf %scan3A_655, %mul3A_723 : vector<16xf32>
        %mul3A_725 = arith.mulf %sub3A_722, %sub3A_722 : vector<16xf32>
        %add3A_726 = arith.addf %scan3A_659, %mul3A_725 : vector<16xf32>
        %add3A_727 = arith.constant 3 : i32
        %add3A_728 = arith.addi %mul3A_662, %add3A_727 : i32
        %add3A_729 = vector.broadcast %add3A_728 : i32 to vector<16xi32>
        %add3A_730 = arith.addi %iota3A, %add3A_729 : vector<16xi32>
        %and3A_731 = arith.constant 255 : i32
        %and3A_732 = vector.broadcast %and3A_731 : i32 to vector<16xi32>
        %and3A_733 = arith.andi %add3A_730, %and3A_732 : vector<16xi32>
        %shift_right_arithmetic3A_734 = arith.constant 3 : i32
        %shift_right_arithmetic3A_735 = vector.broadcast %shift_right_arithmetic3A_734 : i32 to vector<16xi32>
        %shift_right_arithmetic3A_736 = arith.shrsi %and3A_733, %shift_right_arithmetic3A_735 : vector<16xi32>
        %and3A_737 = arith.constant 7 : i32
        %and3A_738 = vector.broadcast %and3A_737 : i32 to vector<16xi32>
        %and3A_739 = arith.andi %and3A_733, %and3A_738 : vector<16xi32>
        %gather3A_740 = tpu.vector_load_idx %arg10[%shift_right_arithmetic3A_736, %and3A_739, %add3A_359] : memref<32x8x64xf32, #tpu.memory_space<vmem>>[vector<16xi32>, vector<16xi32>, vector<16xi32>], vector<16xf32>,
        %gather3A_741 = tpu.vector_load_idx %arg12[%add3A_359, %and3A_733] : memref<64x256xf32, #tpu.memory_space<vmem>>[vector<16xi32>, vector<16xi32>], vector<16xf32>,
        %gather3A_742 = tpu.vector_load_idx %arg14[%add3A_359, %and3A_733] : memref<64x256xf32, #tpu.memory_space<vmem>>[vector<16xi32>, vector<16xi32>], vector<16xf32>,
        %sub3A_743 = arith.subf %gather3A_740, %gather3A_741 : vector<16xf32>
        %sub3A_744 = arith.subf %gather3A_740, %gather3A_742 : vector<16xf32>
        %mul3A_745 = arith.mulf %sub3A_743, %sub3A_743 : vector<16xf32>
        %add3A_746 = arith.addf %scan3A_656, %mul3A_745 : vector<16xf32>
        %mul3A_747 = arith.mulf %sub3A_744, %sub3A_744 : vector<16xf32>
        %add3A_748 = arith.addf %scan3A_660, %mul3A_747 : vector<16xf32>
        scf.yield %add3A_680, %add3A_702, %add3A_724, %add3A_746, %add3A_682, %add3A_704, %add3A_726, %add3A_748 : vector<16xf32>, vector<16xf32>, vector<16xf32>, vector<16xf32>, vector<16xf32>, vector<16xf32>, vector<16xf32>, vector<16xf32>
      }
      %scan3A_365 = arith.constant 64 : i32
      %add3A_366 = arith.addf %scan3A_364#0, %scan3A_364#1 : vector<16xf32>
      %add3A_367 = arith.addf %add3A_366, %scan3A_364#2 : vector<16xf32>
      %add3A_368 = arith.addf %add3A_367, %scan3A_364#3 : vector<16xf32>
      %add3A_369 = arith.addf %scan3A_364#4, %scan3A_364#5 : vector<16xf32>
      %add3A_370 = arith.addf %add3A_369, %scan3A_364#6 : vector<16xf32>
      %add3A_371 = arith.addf %add3A_370, %scan3A_364#7 : vector<16xf32>
      %add3A_372 = arith.constant 32 : i32
      %add3A_373 = arith.addi %mul3A_311, %add3A_372 : i32
      %swap3A_374 = arith.index_cast %add3A_373 : i32 to index
      %swap3A_375 = tpu.vector_load %arg17[%swap3A_374] {strides = array<i32>} : memref<2048xf32, #tpu.memory_space<vmem>>, vector<16xf32>,
      tpu.vector_store %arg17[%swap3A_374], %add3A_368 {strides = array<i32>} : memref<2048xf32, #tpu.memory_space<vmem>>, vector<16xf32>,
      %add3A_376 = arith.constant 32 : i32
      %add3A_377 = arith.addi %mul3A_311, %add3A_376 : i32
      %swap3A_378 = arith.index_cast %add3A_377 : i32 to index
      %swap3A_379 = tpu.vector_load %arg18[%swap3A_378] {strides = array<i32>} : memref<2048xf32, #tpu.memory_space<vmem>>, vector<16xf32>,
      tpu.vector_store %arg18[%swap3A_378], %add3A_371 {strides = array<i32>} : memref<2048xf32, #tpu.memory_space<vmem>>, vector<16xf32>,
      %add3A_380 = arith.constant 48 : i32
      %add3A_381 = vector.broadcast %add3A_380 : i32 to vector<16xi32>
      %add3A_382 = arith.addi %iota3A, %add3A_381 : vector<16xi32>
      %scan3A_383 = arith.constant 0 : i32
      %scan3A_384 = arith.constant 64 : i32
      %scan3A_385 = arith.addi %scan3A_383, %scan3A_384 : i32
      %scan3A_386 = arith.constant 1 : i32
      %scan3A_387:8 = scf.for %scan3A_652 = %scan3A_383 to %scan3A_385 step %scan3A_386 iter_args(%scan3A_653 = %broadcast_in_dim3A_61, %scan3A_654 = %broadcast_in_dim3A_61, %scan3A_655 = %broadcast_in_dim3A_61, %scan3A_656 = %broadcast_in_dim3A_61, %scan3A_657 = %broadcast_in_dim3A_61, %scan3A_658 = %broadcast_in_dim3A_61, %scan3A_659 = %broadcast_in_dim3A_61, %scan3A_660 = %broadcast_in_dim3A_61) -> (vector<16xf32>, vector<16xf32>, vector<16xf32>, vector<16xf32>, vector<16xf32>, vector<16xf32>, vector<16xf32>, vector<16xf32>)  : i32 {
        %mul3A_661 = arith.constant 4 : i32
        %mul3A_662 = arith.muli %scan3A_652, %mul3A_661 : i32
        %add3A_663 = arith.constant 0 : i32
        %add3A_664 = arith.addi %mul3A_662, %add3A_663 : i32
        %add3A_665 = vector.broadcast %add3A_664 : i32 to vector<16xi32>
        %add3A_666 = arith.addi %iota3A, %add3A_665 : vector<16xi32>
        %and3A_667 = arith.constant 255 : i32
        %and3A_668 = vector.broadcast %and3A_667 : i32 to vector<16xi32>
        %and3A_669 = arith.andi %add3A_666, %and3A_668 : vector<16xi32>
        %shift_right_arithmetic3A = arith.constant 3 : i32
        %shift_right_arithmetic3A_670 = vector.broadcast %shift_right_arithmetic3A : i32 to vector<16xi32>
        %shift_right_arithmetic3A_671 = arith.shrsi %and3A_669, %shift_right_arithmetic3A_670 : vector<16xi32>
        %and3A_672 = arith.constant 7 : i32
        %and3A_673 = vector.broadcast %and3A_672 : i32 to vector<16xi32>
        %and3A_674 = arith.andi %and3A_669, %and3A_673 : vector<16xi32>
        %gather3A = tpu.vector_load_idx %arg10[%shift_right_arithmetic3A_671, %and3A_674, %add3A_382] : memref<32x8x64xf32, #tpu.memory_space<vmem>>[vector<16xi32>, vector<16xi32>, vector<16xi32>], vector<16xf32>,
        %gather3A_675 = tpu.vector_load_idx %arg12[%add3A_382, %and3A_669] : memref<64x256xf32, #tpu.memory_space<vmem>>[vector<16xi32>, vector<16xi32>], vector<16xf32>,
        %gather3A_676 = tpu.vector_load_idx %arg14[%add3A_382, %and3A_669] : memref<64x256xf32, #tpu.memory_space<vmem>>[vector<16xi32>, vector<16xi32>], vector<16xf32>,
        %sub3A_677 = arith.subf %gather3A, %gather3A_675 : vector<16xf32>
        %sub3A_678 = arith.subf %gather3A, %gather3A_676 : vector<16xf32>
        %mul3A_679 = arith.mulf %sub3A_677, %sub3A_677 : vector<16xf32>
        %add3A_680 = arith.addf %scan3A_653, %mul3A_679 : vector<16xf32>
        %mul3A_681 = arith.mulf %sub3A_678, %sub3A_678 : vector<16xf32>
        %add3A_682 = arith.addf %scan3A_657, %mul3A_681 : vector<16xf32>
        %add3A_683 = arith.constant 1 : i32
        %add3A_684 = arith.addi %mul3A_662, %add3A_683 : i32
        %add3A_685 = vector.broadcast %add3A_684 : i32 to vector<16xi32>
        %add3A_686 = arith.addi %iota3A, %add3A_685 : vector<16xi32>
        %and3A_687 = arith.constant 255 : i32
        %and3A_688 = vector.broadcast %and3A_687 : i32 to vector<16xi32>
        %and3A_689 = arith.andi %add3A_686, %and3A_688 : vector<16xi32>
        %shift_right_arithmetic3A_690 = arith.constant 3 : i32
        %shift_right_arithmetic3A_691 = vector.broadcast %shift_right_arithmetic3A_690 : i32 to vector<16xi32>
        %shift_right_arithmetic3A_692 = arith.shrsi %and3A_689, %shift_right_arithmetic3A_691 : vector<16xi32>
        %and3A_693 = arith.constant 7 : i32
        %and3A_694 = vector.broadcast %and3A_693 : i32 to vector<16xi32>
        %and3A_695 = arith.andi %and3A_689, %and3A_694 : vector<16xi32>
        %gather3A_696 = tpu.vector_load_idx %arg10[%shift_right_arithmetic3A_692, %and3A_695, %add3A_382] : memref<32x8x64xf32, #tpu.memory_space<vmem>>[vector<16xi32>, vector<16xi32>, vector<16xi32>], vector<16xf32>,
        %gather3A_697 = tpu.vector_load_idx %arg12[%add3A_382, %and3A_689] : memref<64x256xf32, #tpu.memory_space<vmem>>[vector<16xi32>, vector<16xi32>], vector<16xf32>,
        %gather3A_698 = tpu.vector_load_idx %arg14[%add3A_382, %and3A_689] : memref<64x256xf32, #tpu.memory_space<vmem>>[vector<16xi32>, vector<16xi32>], vector<16xf32>,
        %sub3A_699 = arith.subf %gather3A_696, %gather3A_697 : vector<16xf32>
        %sub3A_700 = arith.subf %gather3A_696, %gather3A_698 : vector<16xf32>
        %mul3A_701 = arith.mulf %sub3A_699, %sub3A_699 : vector<16xf32>
        %add3A_702 = arith.addf %scan3A_654, %mul3A_701 : vector<16xf32>
        %mul3A_703 = arith.mulf %sub3A_700, %sub3A_700 : vector<16xf32>
        %add3A_704 = arith.addf %scan3A_658, %mul3A_703 : vector<16xf32>
        %add3A_705 = arith.constant 2 : i32
        %add3A_706 = arith.addi %mul3A_662, %add3A_705 : i32
        %add3A_707 = vector.broadcast %add3A_706 : i32 to vector<16xi32>
        %add3A_708 = arith.addi %iota3A, %add3A_707 : vector<16xi32>
        %and3A_709 = arith.constant 255 : i32
        %and3A_710 = vector.broadcast %and3A_709 : i32 to vector<16xi32>
        %and3A_711 = arith.andi %add3A_708, %and3A_710 : vector<16xi32>
        %shift_right_arithmetic3A_712 = arith.constant 3 : i32
        %shift_right_arithmetic3A_713 = vector.broadcast %shift_right_arithmetic3A_712 : i32 to vector<16xi32>
        %shift_right_arithmetic3A_714 = arith.shrsi %and3A_711, %shift_right_arithmetic3A_713 : vector<16xi32>
        %and3A_715 = arith.constant 7 : i32
        %and3A_716 = vector.broadcast %and3A_715 : i32 to vector<16xi32>
        %and3A_717 = arith.andi %and3A_711, %and3A_716 : vector<16xi32>
        %gather3A_718 = tpu.vector_load_idx %arg10[%shift_right_arithmetic3A_714, %and3A_717, %add3A_382] : memref<32x8x64xf32, #tpu.memory_space<vmem>>[vector<16xi32>, vector<16xi32>, vector<16xi32>], vector<16xf32>,
        %gather3A_719 = tpu.vector_load_idx %arg12[%add3A_382, %and3A_711] : memref<64x256xf32, #tpu.memory_space<vmem>>[vector<16xi32>, vector<16xi32>], vector<16xf32>,
        %gather3A_720 = tpu.vector_load_idx %arg14[%add3A_382, %and3A_711] : memref<64x256xf32, #tpu.memory_space<vmem>>[vector<16xi32>, vector<16xi32>], vector<16xf32>,
        %sub3A_721 = arith.subf %gather3A_718, %gather3A_719 : vector<16xf32>
        %sub3A_722 = arith.subf %gather3A_718, %gather3A_720 : vector<16xf32>
        %mul3A_723 = arith.mulf %sub3A_721, %sub3A_721 : vector<16xf32>
        %add3A_724 = arith.addf %scan3A_655, %mul3A_723 : vector<16xf32>
        %mul3A_725 = arith.mulf %sub3A_722, %sub3A_722 : vector<16xf32>
        %add3A_726 = arith.addf %scan3A_659, %mul3A_725 : vector<16xf32>
        %add3A_727 = arith.constant 3 : i32
        %add3A_728 = arith.addi %mul3A_662, %add3A_727 : i32
        %add3A_729 = vector.broadcast %add3A_728 : i32 to vector<16xi32>
        %add3A_730 = arith.addi %iota3A, %add3A_729 : vector<16xi32>
        %and3A_731 = arith.constant 255 : i32
        %and3A_732 = vector.broadcast %and3A_731 : i32 to vector<16xi32>
        %and3A_733 = arith.andi %add3A_730, %and3A_732 : vector<16xi32>
        %shift_right_arithmetic3A_734 = arith.constant 3 : i32
        %shift_right_arithmetic3A_735 = vector.broadcast %shift_right_arithmetic3A_734 : i32 to vector<16xi32>
        %shift_right_arithmetic3A_736 = arith.shrsi %and3A_733, %shift_right_arithmetic3A_735 : vector<16xi32>
        %and3A_737 = arith.constant 7 : i32
        %and3A_738 = vector.broadcast %and3A_737 : i32 to vector<16xi32>
        %and3A_739 = arith.andi %and3A_733, %and3A_738 : vector<16xi32>
        %gather3A_740 = tpu.vector_load_idx %arg10[%shift_right_arithmetic3A_736, %and3A_739, %add3A_382] : memref<32x8x64xf32, #tpu.memory_space<vmem>>[vector<16xi32>, vector<16xi32>, vector<16xi32>], vector<16xf32>,
        %gather3A_741 = tpu.vector_load_idx %arg12[%add3A_382, %and3A_733] : memref<64x256xf32, #tpu.memory_space<vmem>>[vector<16xi32>, vector<16xi32>], vector<16xf32>,
        %gather3A_742 = tpu.vector_load_idx %arg14[%add3A_382, %and3A_733] : memref<64x256xf32, #tpu.memory_space<vmem>>[vector<16xi32>, vector<16xi32>], vector<16xf32>,
        %sub3A_743 = arith.subf %gather3A_740, %gather3A_741 : vector<16xf32>
        %sub3A_744 = arith.subf %gather3A_740, %gather3A_742 : vector<16xf32>
        %mul3A_745 = arith.mulf %sub3A_743, %sub3A_743 : vector<16xf32>
        %add3A_746 = arith.addf %scan3A_656, %mul3A_745 : vector<16xf32>
        %mul3A_747 = arith.mulf %sub3A_744, %sub3A_744 : vector<16xf32>
        %add3A_748 = arith.addf %scan3A_660, %mul3A_747 : vector<16xf32>
        scf.yield %add3A_680, %add3A_702, %add3A_724, %add3A_746, %add3A_682, %add3A_704, %add3A_726, %add3A_748 : vector<16xf32>, vector<16xf32>, vector<16xf32>, vector<16xf32>, vector<16xf32>, vector<16xf32>, vector<16xf32>, vector<16xf32>
      }
      %scan3A_388 = arith.constant 64 : i32
      %add3A_389 = arith.addf %scan3A_387#0, %scan3A_387#1 : vector<16xf32>
      %add3A_390 = arith.addf %add3A_389, %scan3A_387#2 : vector<16xf32>
      %add3A_391 = arith.addf %add3A_390, %scan3A_387#3 : vector<16xf32>
      %add3A_392 = arith.addf %scan3A_387#4, %scan3A_387#5 : vector<16xf32>
      %add3A_393 = arith.addf %add3A_392, %scan3A_387#6 : vector<16xf32>
      %add3A_394 = arith.addf %add3A_393, %scan3A_387#7 : vector<16xf32>
      %add3A_395 = arith.constant 48 : i32
      %add3A_396 = arith.addi %mul3A_311, %add3A_395 : i32
      %swap3A_397 = arith.index_cast %add3A_396 : i32 to index
      %swap3A_398 = tpu.vector_load %arg17[%swap3A_397] {strides = array<i32>} : memref<2048xf32, #tpu.memory_space<vmem>>, vector<16xf32>,
      tpu.vector_store %arg17[%swap3A_397], %add3A_391 {strides = array<i32>} : memref<2048xf32, #tpu.memory_space<vmem>>, vector<16xf32>,
      %add3A_399 = arith.constant 48 : i32
      %add3A_400 = arith.addi %mul3A_311, %add3A_399 : i32
      %swap3A_401 = arith.index_cast %add3A_400 : i32 to index
      %swap3A_402 = tpu.vector_load %arg18[%swap3A_401] {strides = array<i32>} : memref<2048xf32, #tpu.memory_space<vmem>>, vector<16xf32>,
      tpu.vector_store %arg18[%swap3A_401], %add3A_394 {strides = array<i32>} : memref<2048xf32, #tpu.memory_space<vmem>>, vector<16xf32>,
      %eq3A_403 = arith.constant 0 : i32
      %eq3A_404 = arith.cmpi eq, %select_n3A_30, %eq3A_403 : i32
      %eq3A_405 = arith.constant 0 : i32
      %eq3A_406 = arith.cmpi eq, %mul3A_189, %eq3A_405 : i32
      %and3A_407 = arith.andi %eq3A_404, %eq3A_406 : i1
      %convert_element_type3A = arith.extui %and3A_407 : i1 to i32
      %cond3A = arith.constant 0 : i32
      %cond3A_408 = arith.cmpi ne, %convert_element_type3A, %cond3A : i32
      scf.if %cond3A_408 {
        %add3A_652 = arith.constant 0 : i32
        %add3A_653 = vector.broadcast %add3A_652 : i32 to vector<16xi32>
        %add3A_654 = arith.addi %iota3A, %add3A_653 : vector<16xi32>
        %scan3A_655 = arith.constant 0 : i32
        %scan3A_656 = arith.constant 64 : i32
        %scan3A_657 = arith.addi %scan3A_655, %scan3A_656 : i32
        %scan3A_658 = arith.constant 1 : i32
        %scan3A_659:4 = scf.for %scan3A_676 = %scan3A_655 to %scan3A_657 step %scan3A_658 iter_args(%scan3A_677 = %broadcast_in_dim3A_61, %scan3A_678 = %broadcast_in_dim3A_61, %scan3A_679 = %broadcast_in_dim3A_61, %scan3A_680 = %broadcast_in_dim3A_61) -> (vector<16xf32>, vector<16xf32>, vector<16xf32>, vector<16xf32>)  : i32 {
          %mul3A_681 = arith.constant 4 : i32
          %mul3A_682 = arith.muli %scan3A_676, %mul3A_681 : i32
          %add3A_683 = arith.constant 0 : i32
          %add3A_684 = arith.addi %mul3A_682, %add3A_683 : i32
          %add3A_685 = vector.broadcast %add3A_684 : i32 to vector<16xi32>
          %add3A_686 = arith.addi %iota3A, %add3A_685 : vector<16xi32>
          %and3A_687 = arith.constant 255 : i32
          %and3A_688 = vector.broadcast %and3A_687 : i32 to vector<16xi32>
          %and3A_689 = arith.andi %add3A_686, %and3A_688 : vector<16xi32>
          %shift_right_arithmetic3A = arith.constant 3 : i32
          %shift_right_arithmetic3A_690 = vector.broadcast %shift_right_arithmetic3A : i32 to vector<16xi32>
          %shift_right_arithmetic3A_691 = arith.shrsi %and3A_689, %shift_right_arithmetic3A_690 : vector<16xi32>
          %and3A_692 = arith.constant 7 : i32
          %and3A_693 = vector.broadcast %and3A_692 : i32 to vector<16xi32>
          %and3A_694 = arith.andi %and3A_689, %and3A_693 : vector<16xi32>
          %gather3A = tpu.vector_load_idx %arg10[%shift_right_arithmetic3A_691, %and3A_694, %add3A_654] : memref<32x8x64xf32, #tpu.memory_space<vmem>>[vector<16xi32>, vector<16xi32>, vector<16xi32>], vector<16xf32>,
          %gather3A_695 = tpu.vector_load_idx %arg16[%and3A_689] : memref<256xf32, #tpu.memory_space<vmem>>[vector<16xi32>], vector<16xf32>,
          %sub3A_696 = arith.subf %gather3A, %gather3A_695 : vector<16xf32>
          %mul3A_697 = arith.mulf %sub3A_696, %sub3A_696 : vector<16xf32>
          %add3A_698 = arith.addf %scan3A_677, %mul3A_697 : vector<16xf32>
          %add3A_699 = arith.constant 1 : i32
          %add3A_700 = arith.addi %mul3A_682, %add3A_699 : i32
          %add3A_701 = vector.broadcast %add3A_700 : i32 to vector<16xi32>
          %add3A_702 = arith.addi %iota3A, %add3A_701 : vector<16xi32>
          %and3A_703 = arith.constant 255 : i32
          %and3A_704 = vector.broadcast %and3A_703 : i32 to vector<16xi32>
          %and3A_705 = arith.andi %add3A_702, %and3A_704 : vector<16xi32>
          %shift_right_arithmetic3A_706 = arith.constant 3 : i32
          %shift_right_arithmetic3A_707 = vector.broadcast %shift_right_arithmetic3A_706 : i32 to vector<16xi32>
          %shift_right_arithmetic3A_708 = arith.shrsi %and3A_705, %shift_right_arithmetic3A_707 : vector<16xi32>
          %and3A_709 = arith.constant 7 : i32
          %and3A_710 = vector.broadcast %and3A_709 : i32 to vector<16xi32>
          %and3A_711 = arith.andi %and3A_705, %and3A_710 : vector<16xi32>
          %gather3A_712 = tpu.vector_load_idx %arg10[%shift_right_arithmetic3A_708, %and3A_711, %add3A_654] : memref<32x8x64xf32, #tpu.memory_space<vmem>>[vector<16xi32>, vector<16xi32>, vector<16xi32>], vector<16xf32>,
          %gather3A_713 = tpu.vector_load_idx %arg16[%and3A_705] : memref<256xf32, #tpu.memory_space<vmem>>[vector<16xi32>], vector<16xf32>,
          %sub3A_714 = arith.subf %gather3A_712, %gather3A_713 : vector<16xf32>
          %mul3A_715 = arith.mulf %sub3A_714, %sub3A_714 : vector<16xf32>
          %add3A_716 = arith.addf %scan3A_678, %mul3A_715 : vector<16xf32>
          %add3A_717 = arith.constant 2 : i32
          %add3A_718 = arith.addi %mul3A_682, %add3A_717 : i32
          %add3A_719 = vector.broadcast %add3A_718 : i32 to vector<16xi32>
          %add3A_720 = arith.addi %iota3A, %add3A_719 : vector<16xi32>
          %and3A_721 = arith.constant 255 : i32
          %and3A_722 = vector.broadcast %and3A_721 : i32 to vector<16xi32>
          %and3A_723 = arith.andi %add3A_720, %and3A_722 : vector<16xi32>
          %shift_right_arithmetic3A_724 = arith.constant 3 : i32
          %shift_right_arithmetic3A_725 = vector.broadcast %shift_right_arithmetic3A_724 : i32 to vector<16xi32>
          %shift_right_arithmetic3A_726 = arith.shrsi %and3A_723, %shift_right_arithmetic3A_725 : vector<16xi32>
          %and3A_727 = arith.constant 7 : i32
          %and3A_728 = vector.broadcast %and3A_727 : i32 to vector<16xi32>
          %and3A_729 = arith.andi %and3A_723, %and3A_728 : vector<16xi32>
          %gather3A_730 = tpu.vector_load_idx %arg10[%shift_right_arithmetic3A_726, %and3A_729, %add3A_654] : memref<32x8x64xf32, #tpu.memory_space<vmem>>[vector<16xi32>, vector<16xi32>, vector<16xi32>], vector<16xf32>,
          %gather3A_731 = tpu.vector_load_idx %arg16[%and3A_723] : memref<256xf32, #tpu.memory_space<vmem>>[vector<16xi32>], vector<16xf32>,
          %sub3A_732 = arith.subf %gather3A_730, %gather3A_731 : vector<16xf32>
          %mul3A_733 = arith.mulf %sub3A_732, %sub3A_732 : vector<16xf32>
          %add3A_734 = arith.addf %scan3A_679, %mul3A_733 : vector<16xf32>
          %add3A_735 = arith.constant 3 : i32
          %add3A_736 = arith.addi %mul3A_682, %add3A_735 : i32
          %add3A_737 = vector.broadcast %add3A_736 : i32 to vector<16xi32>
          %add3A_738 = arith.addi %iota3A, %add3A_737 : vector<16xi32>
          %and3A_739 = arith.constant 255 : i32
          %and3A_740 = vector.broadcast %and3A_739 : i32 to vector<16xi32>
          %and3A_741 = arith.andi %add3A_738, %and3A_740 : vector<16xi32>
          %shift_right_arithmetic3A_742 = arith.constant 3 : i32
          %shift_right_arithmetic3A_743 = vector.broadcast %shift_right_arithmetic3A_742 : i32 to vector<16xi32>
          %shift_right_arithmetic3A_744 = arith.shrsi %and3A_741, %shift_right_arithmetic3A_743 : vector<16xi32>
          %and3A_745 = arith.constant 7 : i32
          %and3A_746 = vector.broadcast %and3A_745 : i32 to vector<16xi32>
          %and3A_747 = arith.andi %and3A_741, %and3A_746 : vector<16xi32>
          %gather3A_748 = tpu.vector_load_idx %arg10[%shift_right_arithmetic3A_744, %and3A_747, %add3A_654] : memref<32x8x64xf32, #tpu.memory_space<vmem>>[vector<16xi32>, vector<16xi32>, vector<16xi32>], vector<16xf32>,
          %gather3A_749 = tpu.vector_load_idx %arg16[%and3A_741] : memref<256xf32, #tpu.memory_space<vmem>>[vector<16xi32>], vector<16xf32>,
          %sub3A_750 = arith.subf %gather3A_748, %gather3A_749 : vector<16xf32>
          %mul3A_751 = arith.mulf %sub3A_750, %sub3A_750 : vector<16xf32>
          %add3A_752 = arith.addf %scan3A_680, %mul3A_751 : vector<16xf32>
          scf.yield %add3A_698, %add3A_716, %add3A_734, %add3A_752 : vector<16xf32>, vector<16xf32>, vector<16xf32>, vector<16xf32>
        }
        %scan3A_660 = arith.constant 64 : i32
        %add3A_661 = arith.addf %scan3A_659#0, %scan3A_659#1 : vector<16xf32>
        %add3A_662 = arith.addf %add3A_661, %scan3A_659#2 : vector<16xf32>
        %add3A_663 = arith.addf %add3A_662, %scan3A_659#3 : vector<16xf32>
        %add3A_664 = arith.constant 0 : i32
        %add3A_665 = arith.addi %mul3A_311, %add3A_664 : i32
        %get3A = arith.index_cast %add3A_665 : i32 to index
        %get3A_666 = tpu.vector_load %arg17[%get3A] {strides = array<i32>} : memref<2048xf32, #tpu.memory_space<vmem>>, vector<16xf32>,
        %eq3A_667 = arith.constant 0 : i32
        %eq3A_668 = vector.broadcast %eq3A_667 : i32 to vector<16xi32>
        %eq3A_669 = arith.cmpi eq, %iota3A, %eq3A_668 : vector<16xi32>
        %min3A_670 = arith.minimumf %get3A_666, %add3A_663 : vector<16xf32>
        %select_n3A_671 = arith.select %eq3A_669, %min3A_670, %get3A_666 : vector<16xi1>, vector<16xf32>
        %add3A_672 = arith.constant 0 : i32
        %add3A_673 = arith.addi %mul3A_311, %add3A_672 : i32
        %swap3A_674 = arith.index_cast %add3A_673 : i32 to index
        %swap3A_675 = tpu.vector_load %arg17[%swap3A_674] {strides = array<i32>} : memref<2048xf32, #tpu.memory_space<vmem>>, vector<16xf32>,
        tpu.vector_store %arg17[%swap3A_674], %select_n3A_671 {strides = array<i32>} : memref<2048xf32, #tpu.memory_space<vmem>>, vector<16xf32>,
      } else {
      }
      %eq3A_409 = arith.constant 1 : i32
      %eq3A_410 = arith.cmpi eq, %select_n3A_30, %eq3A_409 : i32
      %eq3A_411 = arith.constant 31 : i32
      %eq3A_412 = arith.cmpi eq, %mul3A_189, %eq3A_411 : i32
      %and3A_413 = arith.andi %eq3A_410, %eq3A_412 : i1
      %convert_element_type3A_414 = arith.extui %and3A_413 : i1 to i32
      %cond3A_415 = arith.constant 0 : i32
      %cond3A_416 = arith.cmpi ne, %convert_element_type3A_414, %cond3A_415 : i32
      scf.if %cond3A_416 {
        %add3A_652 = arith.constant 48 : i32
        %add3A_653 = vector.broadcast %add3A_652 : i32 to vector<16xi32>
        %add3A_654 = arith.addi %iota3A, %add3A_653 : vector<16xi32>
        %scan3A_655 = arith.constant 0 : i32
        %scan3A_656 = arith.constant 64 : i32
        %scan3A_657 = arith.addi %scan3A_655, %scan3A_656 : i32
        %scan3A_658 = arith.constant 1 : i32
        %scan3A_659:4 = scf.for %scan3A_676 = %scan3A_655 to %scan3A_657 step %scan3A_658 iter_args(%scan3A_677 = %broadcast_in_dim3A_61, %scan3A_678 = %broadcast_in_dim3A_61, %scan3A_679 = %broadcast_in_dim3A_61, %scan3A_680 = %broadcast_in_dim3A_61) -> (vector<16xf32>, vector<16xf32>, vector<16xf32>, vector<16xf32>)  : i32 {
          %mul3A_681 = arith.constant 4 : i32
          %mul3A_682 = arith.muli %scan3A_676, %mul3A_681 : i32
          %add3A_683 = arith.constant 0 : i32
          %add3A_684 = arith.addi %mul3A_682, %add3A_683 : i32
          %add3A_685 = vector.broadcast %add3A_684 : i32 to vector<16xi32>
          %add3A_686 = arith.addi %iota3A, %add3A_685 : vector<16xi32>
          %and3A_687 = arith.constant 255 : i32
          %and3A_688 = vector.broadcast %and3A_687 : i32 to vector<16xi32>
          %and3A_689 = arith.andi %add3A_686, %and3A_688 : vector<16xi32>
          %shift_right_arithmetic3A = arith.constant 3 : i32
          %shift_right_arithmetic3A_690 = vector.broadcast %shift_right_arithmetic3A : i32 to vector<16xi32>
          %shift_right_arithmetic3A_691 = arith.shrsi %and3A_689, %shift_right_arithmetic3A_690 : vector<16xi32>
          %and3A_692 = arith.constant 7 : i32
          %and3A_693 = vector.broadcast %and3A_692 : i32 to vector<16xi32>
          %and3A_694 = arith.andi %and3A_689, %and3A_693 : vector<16xi32>
          %gather3A = tpu.vector_load_idx %arg10[%shift_right_arithmetic3A_691, %and3A_694, %add3A_654] : memref<32x8x64xf32, #tpu.memory_space<vmem>>[vector<16xi32>, vector<16xi32>, vector<16xi32>], vector<16xf32>,
          %gather3A_695 = tpu.vector_load_idx %arg16[%and3A_689] : memref<256xf32, #tpu.memory_space<vmem>>[vector<16xi32>], vector<16xf32>,
          %sub3A_696 = arith.subf %gather3A, %gather3A_695 : vector<16xf32>
          %mul3A_697 = arith.mulf %sub3A_696, %sub3A_696 : vector<16xf32>
          %add3A_698 = arith.addf %scan3A_677, %mul3A_697 : vector<16xf32>
          %add3A_699 = arith.constant 1 : i32
          %add3A_700 = arith.addi %mul3A_682, %add3A_699 : i32
          %add3A_701 = vector.broadcast %add3A_700 : i32 to vector<16xi32>
          %add3A_702 = arith.addi %iota3A, %add3A_701 : vector<16xi32>
          %and3A_703 = arith.constant 255 : i32
          %and3A_704 = vector.broadcast %and3A_703 : i32 to vector<16xi32>
          %and3A_705 = arith.andi %add3A_702, %and3A_704 : vector<16xi32>
          %shift_right_arithmetic3A_706 = arith.constant 3 : i32
          %shift_right_arithmetic3A_707 = vector.broadcast %shift_right_arithmetic3A_706 : i32 to vector<16xi32>
          %shift_right_arithmetic3A_708 = arith.shrsi %and3A_705, %shift_right_arithmetic3A_707 : vector<16xi32>
          %and3A_709 = arith.constant 7 : i32
          %and3A_710 = vector.broadcast %and3A_709 : i32 to vector<16xi32>
          %and3A_711 = arith.andi %and3A_705, %and3A_710 : vector<16xi32>
          %gather3A_712 = tpu.vector_load_idx %arg10[%shift_right_arithmetic3A_708, %and3A_711, %add3A_654] : memref<32x8x64xf32, #tpu.memory_space<vmem>>[vector<16xi32>, vector<16xi32>, vector<16xi32>], vector<16xf32>,
          %gather3A_713 = tpu.vector_load_idx %arg16[%and3A_705] : memref<256xf32, #tpu.memory_space<vmem>>[vector<16xi32>], vector<16xf32>,
          %sub3A_714 = arith.subf %gather3A_712, %gather3A_713 : vector<16xf32>
          %mul3A_715 = arith.mulf %sub3A_714, %sub3A_714 : vector<16xf32>
          %add3A_716 = arith.addf %scan3A_678, %mul3A_715 : vector<16xf32>
          %add3A_717 = arith.constant 2 : i32
          %add3A_718 = arith.addi %mul3A_682, %add3A_717 : i32
          %add3A_719 = vector.broadcast %add3A_718 : i32 to vector<16xi32>
          %add3A_720 = arith.addi %iota3A, %add3A_719 : vector<16xi32>
          %and3A_721 = arith.constant 255 : i32
          %and3A_722 = vector.broadcast %and3A_721 : i32 to vector<16xi32>
          %and3A_723 = arith.andi %add3A_720, %and3A_722 : vector<16xi32>
          %shift_right_arithmetic3A_724 = arith.constant 3 : i32
          %shift_right_arithmetic3A_725 = vector.broadcast %shift_right_arithmetic3A_724 : i32 to vector<16xi32>
          %shift_right_arithmetic3A_726 = arith.shrsi %and3A_723, %shift_right_arithmetic3A_725 : vector<16xi32>
          %and3A_727 = arith.constant 7 : i32
          %and3A_728 = vector.broadcast %and3A_727 : i32 to vector<16xi32>
          %and3A_729 = arith.andi %and3A_723, %and3A_728 : vector<16xi32>
          %gather3A_730 = tpu.vector_load_idx %arg10[%shift_right_arithmetic3A_726, %and3A_729, %add3A_654] : memref<32x8x64xf32, #tpu.memory_space<vmem>>[vector<16xi32>, vector<16xi32>, vector<16xi32>], vector<16xf32>,
          %gather3A_731 = tpu.vector_load_idx %arg16[%and3A_723] : memref<256xf32, #tpu.memory_space<vmem>>[vector<16xi32>], vector<16xf32>,
          %sub3A_732 = arith.subf %gather3A_730, %gather3A_731 : vector<16xf32>
          %mul3A_733 = arith.mulf %sub3A_732, %sub3A_732 : vector<16xf32>
          %add3A_734 = arith.addf %scan3A_679, %mul3A_733 : vector<16xf32>
          %add3A_735 = arith.constant 3 : i32
          %add3A_736 = arith.addi %mul3A_682, %add3A_735 : i32
          %add3A_737 = vector.broadcast %add3A_736 : i32 to vector<16xi32>
          %add3A_738 = arith.addi %iota3A, %add3A_737 : vector<16xi32>
          %and3A_739 = arith.constant 255 : i32
          %and3A_740 = vector.broadcast %and3A_739 : i32 to vector<16xi32>
          %and3A_741 = arith.andi %add3A_738, %and3A_740 : vector<16xi32>
          %shift_right_arithmetic3A_742 = arith.constant 3 : i32
          %shift_right_arithmetic3A_743 = vector.broadcast %shift_right_arithmetic3A_742 : i32 to vector<16xi32>
          %shift_right_arithmetic3A_744 = arith.shrsi %and3A_741, %shift_right_arithmetic3A_743 : vector<16xi32>
          %and3A_745 = arith.constant 7 : i32
          %and3A_746 = vector.broadcast %and3A_745 : i32 to vector<16xi32>
          %and3A_747 = arith.andi %and3A_741, %and3A_746 : vector<16xi32>
          %gather3A_748 = tpu.vector_load_idx %arg10[%shift_right_arithmetic3A_744, %and3A_747, %add3A_654] : memref<32x8x64xf32, #tpu.memory_space<vmem>>[vector<16xi32>, vector<16xi32>, vector<16xi32>], vector<16xf32>,
          %gather3A_749 = tpu.vector_load_idx %arg16[%and3A_741] : memref<256xf32, #tpu.memory_space<vmem>>[vector<16xi32>], vector<16xf32>,
          %sub3A_750 = arith.subf %gather3A_748, %gather3A_749 : vector<16xf32>
          %mul3A_751 = arith.mulf %sub3A_750, %sub3A_750 : vector<16xf32>
          %add3A_752 = arith.addf %scan3A_680, %mul3A_751 : vector<16xf32>
          scf.yield %add3A_698, %add3A_716, %add3A_734, %add3A_752 : vector<16xf32>, vector<16xf32>, vector<16xf32>, vector<16xf32>
        }
        %scan3A_660 = arith.constant 64 : i32
        %add3A_661 = arith.addf %scan3A_659#0, %scan3A_659#1 : vector<16xf32>
        %add3A_662 = arith.addf %add3A_661, %scan3A_659#2 : vector<16xf32>
        %add3A_663 = arith.addf %add3A_662, %scan3A_659#3 : vector<16xf32>
        %add3A_664 = arith.constant 48 : i32
        %add3A_665 = arith.addi %mul3A_311, %add3A_664 : i32
        %get3A = arith.index_cast %add3A_665 : i32 to index
        %get3A_666 = tpu.vector_load %arg17[%get3A] {strides = array<i32>} : memref<2048xf32, #tpu.memory_space<vmem>>, vector<16xf32>,
        %eq3A_667 = arith.constant 15 : i32
        %eq3A_668 = vector.broadcast %eq3A_667 : i32 to vector<16xi32>
        %eq3A_669 = arith.cmpi eq, %iota3A, %eq3A_668 : vector<16xi32>
        %min3A_670 = arith.minimumf %get3A_666, %add3A_663 : vector<16xf32>
        %select_n3A_671 = arith.select %eq3A_669, %min3A_670, %get3A_666 : vector<16xi1>, vector<16xf32>
        %add3A_672 = arith.constant 48 : i32
        %add3A_673 = arith.addi %mul3A_311, %add3A_672 : i32
        %swap3A_674 = arith.index_cast %add3A_673 : i32 to index
        %swap3A_675 = tpu.vector_load %arg17[%swap3A_674] {strides = array<i32>} : memref<2048xf32, #tpu.memory_space<vmem>>, vector<16xf32>,
        tpu.vector_store %arg17[%swap3A_674], %select_n3A_671 {strides = array<i32>} : memref<2048xf32, #tpu.memory_space<vmem>>, vector<16xf32>,
      } else {
      }
      %add3A_417 = arith.constant 2 : i32
      %add3A_418 = arith.addi %mul3A_189, %add3A_417 : i32
      %min3A = arith.constant 31 : i32
      %min3A_419 = arith.minsi %add3A_418, %min3A : i32
      %mul3A_420 = arith.constant 64 : i32
      %mul3A_421 = arith.muli %min3A_419, %mul3A_420 : i32
      %add3A_422 = arith.addi %mul3A_32, %mul3A_421 : i32
      %jit3A_423 = arith.constant 128 : i32
      %div3A_424 = arith.divsi %add3A_422, %jit3A_423 : i32
      %sign3A_425 = arith.constant 0 : i32
      %sign3A_426 = arith.cmpi sgt, %add3A_422, %sign3A_425 : i32
      %sign3A_427 = arith.extui %sign3A_426 : i1 to i32
      %sign3A_428 = arith.constant 0 : i32
      %sign3A_429 = arith.cmpi slt, %add3A_422, %sign3A_428 : i32
      %sign3A_430 = arith.extui %sign3A_429 : i1 to i32
      %sign3A_431 = arith.subi %sign3A_427, %sign3A_430 : i32
      %sign3A_432 = arith.constant 0 : i32
      %sign3A_433 = arith.cmpi sgt, %jit3A_423, %sign3A_432 : i32
      %sign3A_434 = arith.extui %sign3A_433 : i1 to i32
      %sign3A_435 = arith.constant 0 : i32
      %sign3A_436 = arith.cmpi slt, %jit3A_423, %sign3A_435 : i32
      %sign3A_437 = arith.extui %sign3A_436 : i1 to i32
      %sign3A_438 = arith.subi %sign3A_434, %sign3A_437 : i32
      %ne3A_439 = arith.cmpi ne, %sign3A_431, %sign3A_438 : i32
      %rem3A_440 = arith.remsi %add3A_422, %jit3A_423 : i32
      %ne3A_441 = arith.constant 0 : i32
      %ne3A_442 = arith.cmpi ne, %rem3A_440, %ne3A_441 : i32
      %and3A_443 = arith.andi %ne3A_439, %ne3A_442 : i1
      %sub3A_444 = arith.constant 1 : i32
      %sub3A_445 = arith.subi %div3A_424, %sub3A_444 : i32
      %select_n3A_446 = arith.select %and3A_443, %sub3A_445, %div3A_424 : i32
      %jit3A_447 = arith.constant 128 : i32
      %eq3A_448 = arith.constant 0 : i32
      %eq3A_449 = arith.cmpi eq, %jit3A_447, %eq3A_448 : i32
      %jit3A_450 = arith.constant 1 : i32
      %select_n3A_451 = arith.select %eq3A_449, %jit3A_450, %jit3A_447 : i32
      %rem3A_452 = arith.remsi %add3A_422, %select_n3A_451 : i32
      %ne3A_453 = arith.constant 0 : i32
      %ne3A_454 = arith.cmpi ne, %rem3A_452, %ne3A_453 : i32
      %lt3A_455 = arith.constant 0 : i32
      %lt3A_456 = arith.cmpi slt, %rem3A_452, %lt3A_455 : i32
      %lt3A_457 = arith.constant 0 : i32
      %lt3A_458 = arith.cmpi slt, %select_n3A_451, %lt3A_457 : i32
      %ne3A_459 = arith.xori %lt3A_456, %lt3A_458 : i1
      %and3A_460 = arith.andi %ne3A_459, %ne3A_454 : i1
      %add3A_461 = arith.addi %rem3A_452, %select_n3A_451 : i32
      %select_n3A_462 = arith.select %and3A_460, %add3A_461, %rem3A_452 : i32
      %dma_start3A_463 = tpu.memref_slice %arg8[%mul3A_421] : memref<2048xi32, #tpu.memory_space<vmem>> -> memref<64xi32, #tpu.memory_space<vmem>>
      %dma_start3A_464 = arith.constant 0 : i32
      %dma_start3A_465 = arith.constant 0 : i32
      %dma_start3A_466 = tpu.memref_slice %arg5[%dma_start3A_464, %dma_start3A_465] : memref<8192x256xf32, #tpu.memory_space<hbm>> -> memref<8192x256xf32, #tpu.memory_space<hbm>>
      tpu.enqueue_indirect_dma source(%dma_start3A_466 : memref<8192x256xf32, #tpu.memory_space<hbm>>) target(%arg12 : memref<64x256xf32, #tpu.memory_space<vmem>>) offsets(%dma_start3A_463 : memref<64xi32, #tpu.memory_space<vmem>>) semaphore(%arg19 : memref<!tpu.dma_semaphore, #tpu.memory_space<semaphore_mem>>)
      %dma_start3A_467 = tpu.memref_slice %arg9[%mul3A_421] : memref<2048xi32, #tpu.memory_space<vmem>> -> memref<64xi32, #tpu.memory_space<vmem>>
      %dma_start3A_468 = arith.constant 0 : i32
      %dma_start3A_469 = arith.constant 0 : i32
      %dma_start3A_470 = tpu.memref_slice %arg5[%dma_start3A_468, %dma_start3A_469] : memref<8192x256xf32, #tpu.memory_space<hbm>> -> memref<8192x256xf32, #tpu.memory_space<hbm>>
      tpu.enqueue_indirect_dma source(%dma_start3A_470 : memref<8192x256xf32, #tpu.memory_space<hbm>>) target(%arg14 : memref<64x256xf32, #tpu.memory_space<vmem>>) offsets(%dma_start3A_467 : memref<64xi32, #tpu.memory_space<vmem>>) semaphore(%arg21 : memref<!tpu.dma_semaphore, #tpu.memory_space<semaphore_mem>>)
      %dma_start3A_471 = arith.constant 0 : i32
      %dma_start3A_472 = arith.constant 0 : i32
      %dma_start3A_473 = tpu.memref_slice %arg2[%select_n3A, %dma_start3A_471, %select_n3A_446, %dma_start3A_472, %select_n3A_462] : memref<16x32x32x8x128xf32, #tpu.memory_space<hbm>> -> memref<1x32x1x8x64xf32, #tpu.memory_space<hbm>>
      %dma_start3A_474 = tpu.memref_squeeze %dma_start3A_473 : memref<1x32x1x8x64xf32, #tpu.memory_space<hbm>> -> memref<32x8x64xf32, #tpu.memory_space<hbm>>
      %dma_start3A_475 = arith.constant 0 : i32
      %dma_start3A_476 = arith.constant 0 : i32
      %dma_start3A_477 = tpu.memref_slice %arg2[%select_n3A, %dma_start3A_475, %select_n3A_446, %dma_start3A_476, %select_n3A_462] : memref<16x32x32x8x128xf32, #tpu.memory_space<hbm>> -> memref<1x32x1x8x64xf32, #tpu.memory_space<hbm>>
      %dma_start3A_478 = tpu.memref_squeeze %dma_start3A_477 : memref<1x32x1x8x64xf32, #tpu.memory_space<hbm>> -> memref<32x8x64xf32, #tpu.memory_space<hbm>>
      tpu.enqueue_dma source(%dma_start3A_478 : memref<32x8x64xf32, #tpu.memory_space<hbm>>) target(%arg10 : memref<32x8x64xf32, #tpu.memory_space<vmem>>) target_semaphore(%arg23 : memref<!tpu.dma_semaphore, #tpu.memory_space<semaphore_mem>>)
      %add3A_479 = arith.constant 1 : i32
      %add3A_480 = arith.addi %mul3A_189, %add3A_479 : i32
      %mul3A_481 = arith.constant 64 : i32
      %mul3A_482 = arith.muli %add3A_480, %mul3A_481 : i32
      %add3A_483 = arith.addi %mul3A_32, %mul3A_482 : i32
      %jit3A_484 = arith.constant 128 : i32
      %div3A_485 = arith.divsi %add3A_483, %jit3A_484 : i32
      %sign3A_486 = arith.constant 0 : i32
      %sign3A_487 = arith.cmpi sgt, %add3A_483, %sign3A_486 : i32
      %sign3A_488 = arith.extui %sign3A_487 : i1 to i32
      %sign3A_489 = arith.constant 0 : i32
      %sign3A_490 = arith.cmpi slt, %add3A_483, %sign3A_489 : i32
      %sign3A_491 = arith.extui %sign3A_490 : i1 to i32
      %sign3A_492 = arith.subi %sign3A_488, %sign3A_491 : i32
      %sign3A_493 = arith.constant 0 : i32
      %sign3A_494 = arith.cmpi sgt, %jit3A_484, %sign3A_493 : i32
      %sign3A_495 = arith.extui %sign3A_494 : i1 to i32
      %sign3A_496 = arith.constant 0 : i32
      %sign3A_497 = arith.cmpi slt, %jit3A_484, %sign3A_496 : i32
      %sign3A_498 = arith.extui %sign3A_497 : i1 to i32
      %sign3A_499 = arith.subi %sign3A_495, %sign3A_498 : i32
      %ne3A_500 = arith.cmpi ne, %sign3A_492, %sign3A_499 : i32
      %rem3A_501 = arith.remsi %add3A_483, %jit3A_484 : i32
      %ne3A_502 = arith.constant 0 : i32
      %ne3A_503 = arith.cmpi ne, %rem3A_501, %ne3A_502 : i32
      %and3A_504 = arith.andi %ne3A_500, %ne3A_503 : i1
      %sub3A_505 = arith.constant 1 : i32
      %sub3A_506 = arith.subi %div3A_485, %sub3A_505 : i32
      %select_n3A_507 = arith.select %and3A_504, %sub3A_506, %div3A_485 : i32
      %jit3A_508 = arith.constant 128 : i32
      %eq3A_509 = arith.constant 0 : i32
      %eq3A_510 = arith.cmpi eq, %jit3A_508, %eq3A_509 : i32
      %jit3A_511 = arith.constant 1 : i32
      %select_n3A_512 = arith.select %eq3A_510, %jit3A_511, %jit3A_508 : i32
      %rem3A_513 = arith.remsi %add3A_483, %select_n3A_512 : i32
      %ne3A_514 = arith.constant 0 : i32
      %ne3A_515 = arith.cmpi ne, %rem3A_513, %ne3A_514 : i32
      %lt3A_516 = arith.constant 0 : i32
      %lt3A_517 = arith.cmpi slt, %rem3A_513, %lt3A_516 : i32
      %lt3A_518 = arith.constant 0 : i32
      %lt3A_519 = arith.cmpi slt, %select_n3A_512, %lt3A_518 : i32
      %ne3A_520 = arith.xori %lt3A_517, %lt3A_519 : i1
      %and3A_521 = arith.andi %ne3A_520, %ne3A_515 : i1
      %add3A_522 = arith.addi %rem3A_513, %select_n3A_512 : i32
      %select_n3A_523 = arith.select %and3A_521, %add3A_522, %rem3A_513 : i32
      %dma_wait3A_524 = tpu.memref_slice %arg8[%mul3A_482] : memref<2048xi32, #tpu.memory_space<vmem>> -> memref<64xi32, #tpu.memory_space<vmem>>
      %dma_wait3A_525 = arith.constant 0 : i32
      %dma_wait3A_526 = arith.constant 0 : i32
      %dma_wait3A_527 = tpu.memref_slice %arg5[%dma_wait3A_525, %dma_wait3A_526] : memref<8192x256xf32, #tpu.memory_space<hbm>> -> memref<8192x256xf32, #tpu.memory_space<hbm>>
      tpu.wait_indirect_dma semaphore(%arg20 : memref<!tpu.dma_semaphore, #tpu.memory_space<semaphore_mem>>) src(%dma_wait3A_527 : memref<8192x256xf32, #tpu.memory_space<hbm>>) dst(%arg13 : memref<64x256xf32, #tpu.memory_space<vmem>>)
      %dma_wait3A_528 = tpu.memref_slice %arg9[%mul3A_482] : memref<2048xi32, #tpu.memory_space<vmem>> -> memref<64xi32, #tpu.memory_space<vmem>>
      %dma_wait3A_529 = arith.constant 0 : i32
      %dma_wait3A_530 = arith.constant 0 : i32
      %dma_wait3A_531 = tpu.memref_slice %arg5[%dma_wait3A_529, %dma_wait3A_530] : memref<8192x256xf32, #tpu.memory_space<hbm>> -> memref<8192x256xf32, #tpu.memory_space<hbm>>
      tpu.wait_indirect_dma semaphore(%arg22 : memref<!tpu.dma_semaphore, #tpu.memory_space<semaphore_mem>>) src(%dma_wait3A_531 : memref<8192x256xf32, #tpu.memory_space<hbm>>) dst(%arg15 : memref<64x256xf32, #tpu.memory_space<vmem>>)
      %dma_wait3A_532 = arith.constant 0 : i32
      %dma_wait3A_533 = arith.constant 0 : i32
      %dma_wait3A_534 = tpu.memref_slice %arg2[%select_n3A, %dma_wait3A_532, %select_n3A_507, %dma_wait3A_533, %select_n3A_523] : memref<16x32x32x8x128xf32, #tpu.memory_space<hbm>> -> memref<1x32x1x8x64xf32, #tpu.memory_space<hbm>>
      %dma_wait3A_535 = tpu.memref_squeeze %dma_wait3A_534 : memref<1x32x1x8x64xf32, #tpu.memory_space<hbm>> -> memref<32x8x64xf32, #tpu.memory_space<hbm>>
      %dma_wait3A_536 = arith.constant 0 : i32
      %dma_wait3A_537 = arith.constant 0 : i32
      %dma_wait3A_538 = tpu.memref_slice %arg2[%select_n3A, %dma_wait3A_536, %select_n3A_507, %dma_wait3A_537, %select_n3A_523] : memref<16x32x32x8x128xf32, #tpu.memory_space<hbm>> -> memref<1x32x1x8x64xf32, #tpu.memory_space<hbm>>
      %dma_wait3A_539 = tpu.memref_squeeze %dma_wait3A_538 : memref<1x32x1x8x64xf32, #tpu.memory_space<hbm>> -> memref<32x8x64xf32, #tpu.memory_space<hbm>>
      tpu.wait_dma2 semaphore(%arg24 : memref<!tpu.dma_semaphore, #tpu.memory_space<semaphore_mem>>) src(%dma_wait3A_539 : memref<32x8x64xf32, #tpu.memory_space<hbm>>) dst(%arg11 : memref<32x8x64xf32, #tpu.memory_space<vmem>>)
      %add3A_540 = arith.constant 1 : i32
      %add3A_541 = arith.addi %mul3A_189, %add3A_540 : i32
      %mul3A_542 = arith.constant 64 : i32
      %mul3A_543 = arith.muli %add3A_541, %mul3A_542 : i32
      %add3A_544 = arith.constant 0 : i32
      %add3A_545 = vector.broadcast %add3A_544 : i32 to vector<16xi32>
      %add3A_546 = arith.addi %iota3A, %add3A_545 : vector<16xi32>
      %scan3A_547 = arith.constant 0 : i32
      %scan3A_548 = arith.constant 64 : i32
      %scan3A_549 = arith.addi %scan3A_547, %scan3A_548 : i32
      %scan3A_550 = arith.constant 1 : i32
      %scan3A_551:8 = scf.for %scan3A_652 = %scan3A_547 to %scan3A_549 step %scan3A_550 iter_args(%scan3A_653 = %broadcast_in_dim3A_61, %scan3A_654 = %broadcast_in_dim3A_61, %scan3A_655 = %broadcast_in_dim3A_61, %scan3A_656 = %broadcast_in_dim3A_61, %scan3A_657 = %broadcast_in_dim3A_61, %scan3A_658 = %broadcast_in_dim3A_61, %scan3A_659 = %broadcast_in_dim3A_61, %scan3A_660 = %broadcast_in_dim3A_61) -> (vector<16xf32>, vector<16xf32>, vector<16xf32>, vector<16xf32>, vector<16xf32>, vector<16xf32>, vector<16xf32>, vector<16xf32>)  : i32 {
        %mul3A_661 = arith.constant 4 : i32
        %mul3A_662 = arith.muli %scan3A_652, %mul3A_661 : i32
        %add3A_663 = arith.constant 0 : i32
        %add3A_664 = arith.addi %mul3A_662, %add3A_663 : i32
        %add3A_665 = vector.broadcast %add3A_664 : i32 to vector<16xi32>
        %add3A_666 = arith.addi %iota3A, %add3A_665 : vector<16xi32>
        %and3A_667 = arith.constant 255 : i32
        %and3A_668 = vector.broadcast %and3A_667 : i32 to vector<16xi32>
        %and3A_669 = arith.andi %add3A_666, %and3A_668 : vector<16xi32>
        %shift_right_arithmetic3A = arith.constant 3 : i32
        %shift_right_arithmetic3A_670 = vector.broadcast %shift_right_arithmetic3A : i32 to vector<16xi32>
        %shift_right_arithmetic3A_671 = arith.shrsi %and3A_669, %shift_right_arithmetic3A_670 : vector<16xi32>
        %and3A_672 = arith.constant 7 : i32
        %and3A_673 = vector.broadcast %and3A_672 : i32 to vector<16xi32>
        %and3A_674 = arith.andi %and3A_669, %and3A_673 : vector<16xi32>
        %gather3A = tpu.vector_load_idx %arg11[%shift_right_arithmetic3A_671, %and3A_674, %add3A_546] : memref<32x8x64xf32, #tpu.memory_space<vmem>>[vector<16xi32>, vector<16xi32>, vector<16xi32>], vector<16xf32>,
        %gather3A_675 = tpu.vector_load_idx %arg13[%add3A_546, %and3A_669] : memref<64x256xf32, #tpu.memory_space<vmem>>[vector<16xi32>, vector<16xi32>], vector<16xf32>,
        %gather3A_676 = tpu.vector_load_idx %arg15[%add3A_546, %and3A_669] : memref<64x256xf32, #tpu.memory_space<vmem>>[vector<16xi32>, vector<16xi32>], vector<16xf32>,
        %sub3A_677 = arith.subf %gather3A, %gather3A_675 : vector<16xf32>
        %sub3A_678 = arith.subf %gather3A, %gather3A_676 : vector<16xf32>
        %mul3A_679 = arith.mulf %sub3A_677, %sub3A_677 : vector<16xf32>
        %add3A_680 = arith.addf %scan3A_653, %mul3A_679 : vector<16xf32>
        %mul3A_681 = arith.mulf %sub3A_678, %sub3A_678 : vector<16xf32>
        %add3A_682 = arith.addf %scan3A_657, %mul3A_681 : vector<16xf32>
        %add3A_683 = arith.constant 1 : i32
        %add3A_684 = arith.addi %mul3A_662, %add3A_683 : i32
        %add3A_685 = vector.broadcast %add3A_684 : i32 to vector<16xi32>
        %add3A_686 = arith.addi %iota3A, %add3A_685 : vector<16xi32>
        %and3A_687 = arith.constant 255 : i32
        %and3A_688 = vector.broadcast %and3A_687 : i32 to vector<16xi32>
        %and3A_689 = arith.andi %add3A_686, %and3A_688 : vector<16xi32>
        %shift_right_arithmetic3A_690 = arith.constant 3 : i32
        %shift_right_arithmetic3A_691 = vector.broadcast %shift_right_arithmetic3A_690 : i32 to vector<16xi32>
        %shift_right_arithmetic3A_692 = arith.shrsi %and3A_689, %shift_right_arithmetic3A_691 : vector<16xi32>
        %and3A_693 = arith.constant 7 : i32
        %and3A_694 = vector.broadcast %and3A_693 : i32 to vector<16xi32>
        %and3A_695 = arith.andi %and3A_689, %and3A_694 : vector<16xi32>
        %gather3A_696 = tpu.vector_load_idx %arg11[%shift_right_arithmetic3A_692, %and3A_695, %add3A_546] : memref<32x8x64xf32, #tpu.memory_space<vmem>>[vector<16xi32>, vector<16xi32>, vector<16xi32>], vector<16xf32>,
        %gather3A_697 = tpu.vector_load_idx %arg13[%add3A_546, %and3A_689] : memref<64x256xf32, #tpu.memory_space<vmem>>[vector<16xi32>, vector<16xi32>], vector<16xf32>,
        %gather3A_698 = tpu.vector_load_idx %arg15[%add3A_546, %and3A_689] : memref<64x256xf32, #tpu.memory_space<vmem>>[vector<16xi32>, vector<16xi32>], vector<16xf32>,
        %sub3A_699 = arith.subf %gather3A_696, %gather3A_697 : vector<16xf32>
        %sub3A_700 = arith.subf %gather3A_696, %gather3A_698 : vector<16xf32>
        %mul3A_701 = arith.mulf %sub3A_699, %sub3A_699 : vector<16xf32>
        %add3A_702 = arith.addf %scan3A_654, %mul3A_701 : vector<16xf32>
        %mul3A_703 = arith.mulf %sub3A_700, %sub3A_700 : vector<16xf32>
        %add3A_704 = arith.addf %scan3A_658, %mul3A_703 : vector<16xf32>
        %add3A_705 = arith.constant 2 : i32
        %add3A_706 = arith.addi %mul3A_662, %add3A_705 : i32
        %add3A_707 = vector.broadcast %add3A_706 : i32 to vector<16xi32>
        %add3A_708 = arith.addi %iota3A, %add3A_707 : vector<16xi32>
        %and3A_709 = arith.constant 255 : i32
        %and3A_710 = vector.broadcast %and3A_709 : i32 to vector<16xi32>
        %and3A_711 = arith.andi %add3A_708, %and3A_710 : vector<16xi32>
        %shift_right_arithmetic3A_712 = arith.constant 3 : i32
        %shift_right_arithmetic3A_713 = vector.broadcast %shift_right_arithmetic3A_712 : i32 to vector<16xi32>
        %shift_right_arithmetic3A_714 = arith.shrsi %and3A_711, %shift_right_arithmetic3A_713 : vector<16xi32>
        %and3A_715 = arith.constant 7 : i32
        %and3A_716 = vector.broadcast %and3A_715 : i32 to vector<16xi32>
        %and3A_717 = arith.andi %and3A_711, %and3A_716 : vector<16xi32>
        %gather3A_718 = tpu.vector_load_idx %arg11[%shift_right_arithmetic3A_714, %and3A_717, %add3A_546] : memref<32x8x64xf32, #tpu.memory_space<vmem>>[vector<16xi32>, vector<16xi32>, vector<16xi32>], vector<16xf32>,
        %gather3A_719 = tpu.vector_load_idx %arg13[%add3A_546, %and3A_711] : memref<64x256xf32, #tpu.memory_space<vmem>>[vector<16xi32>, vector<16xi32>], vector<16xf32>,
        %gather3A_720 = tpu.vector_load_idx %arg15[%add3A_546, %and3A_711] : memref<64x256xf32, #tpu.memory_space<vmem>>[vector<16xi32>, vector<16xi32>], vector<16xf32>,
        %sub3A_721 = arith.subf %gather3A_718, %gather3A_719 : vector<16xf32>
        %sub3A_722 = arith.subf %gather3A_718, %gather3A_720 : vector<16xf32>
        %mul3A_723 = arith.mulf %sub3A_721, %sub3A_721 : vector<16xf32>
        %add3A_724 = arith.addf %scan3A_655, %mul3A_723 : vector<16xf32>
        %mul3A_725 = arith.mulf %sub3A_722, %sub3A_722 : vector<16xf32>
        %add3A_726 = arith.addf %scan3A_659, %mul3A_725 : vector<16xf32>
        %add3A_727 = arith.constant 3 : i32
        %add3A_728 = arith.addi %mul3A_662, %add3A_727 : i32
        %add3A_729 = vector.broadcast %add3A_728 : i32 to vector<16xi32>
        %add3A_730 = arith.addi %iota3A, %add3A_729 : vector<16xi32>
        %and3A_731 = arith.constant 255 : i32
        %and3A_732 = vector.broadcast %and3A_731 : i32 to vector<16xi32>
        %and3A_733 = arith.andi %add3A_730, %and3A_732 : vector<16xi32>
        %shift_right_arithmetic3A_734 = arith.constant 3 : i32
        %shift_right_arithmetic3A_735 = vector.broadcast %shift_right_arithmetic3A_734 : i32 to vector<16xi32>
        %shift_right_arithmetic3A_736 = arith.shrsi %and3A_733, %shift_right_arithmetic3A_735 : vector<16xi32>
        %and3A_737 = arith.constant 7 : i32
        %and3A_738 = vector.broadcast %and3A_737 : i32 to vector<16xi32>
        %and3A_739 = arith.andi %and3A_733, %and3A_738 : vector<16xi32>
        %gather3A_740 = tpu.vector_load_idx %arg11[%shift_right_arithmetic3A_736, %and3A_739, %add3A_546] : memref<32x8x64xf32, #tpu.memory_space<vmem>>[vector<16xi32>, vector<16xi32>, vector<16xi32>], vector<16xf32>,
        %gather3A_741 = tpu.vector_load_idx %arg13[%add3A_546, %and3A_733] : memref<64x256xf32, #tpu.memory_space<vmem>>[vector<16xi32>, vector<16xi32>], vector<16xf32>,
        %gather3A_742 = tpu.vector_load_idx %arg15[%add3A_546, %and3A_733] : memref<64x256xf32, #tpu.memory_space<vmem>>[vector<16xi32>, vector<16xi32>], vector<16xf32>,
        %sub3A_743 = arith.subf %gather3A_740, %gather3A_741 : vector<16xf32>
        %sub3A_744 = arith.subf %gather3A_740, %gather3A_742 : vector<16xf32>
        %mul3A_745 = arith.mulf %sub3A_743, %sub3A_743 : vector<16xf32>
        %add3A_746 = arith.addf %scan3A_656, %mul3A_745 : vector<16xf32>
        %mul3A_747 = arith.mulf %sub3A_744, %sub3A_744 : vector<16xf32>
        %add3A_748 = arith.addf %scan3A_660, %mul3A_747 : vector<16xf32>
        scf.yield %add3A_680, %add3A_702, %add3A_724, %add3A_746, %add3A_682, %add3A_704, %add3A_726, %add3A_748 : vector<16xf32>, vector<16xf32>, vector<16xf32>, vector<16xf32>, vector<16xf32>, vector<16xf32>, vector<16xf32>, vector<16xf32>
      }
      %scan3A_552 = arith.constant 64 : i32
      %add3A_553 = arith.addf %scan3A_551#0, %scan3A_551#1 : vector<16xf32>
      %add3A_554 = arith.addf %add3A_553, %scan3A_551#2 : vector<16xf32>
      %add3A_555 = arith.addf %add3A_554, %scan3A_551#3 : vector<16xf32>
      %add3A_556 = arith.addf %scan3A_551#4, %scan3A_551#5 : vector<16xf32>
      %add3A_557 = arith.addf %add3A_556, %scan3A_551#6 : vector<16xf32>
      %add3A_558 = arith.addf %add3A_557, %scan3A_551#7 : vector<16xf32>
      %add3A_559 = arith.constant 0 : i32
      %add3A_560 = arith.addi %mul3A_543, %add3A_559 : i32
      %swap3A_561 = arith.index_cast %add3A_560 : i32 to index
      %swap3A_562 = tpu.vector_load %arg17[%swap3A_561] {strides = array<i32>} : memref<2048xf32, #tpu.memory_space<vmem>>, vector<16xf32>,
      tpu.vector_store %arg17[%swap3A_561], %add3A_555 {strides = array<i32>} : memref<2048xf32, #tpu.memory_space<vmem>>, vector<16xf32>,
      %add3A_563 = arith.constant 0 : i32
      %add3A_564 = arith.addi %mul3A_543, %add3A_563 : i32
      %swap3A_565 = arith.index_cast %add3A_564 : i32 to index
      %swap3A_566 = tpu.vector_load %arg18[%swap3A_565] {strides = array<i32>} : memref<2048xf32, #tpu.memory_space<vmem>>, vector<16xf32>,
      tpu.vector_store %arg18[%swap3A_565], %add3A_558 {strides = array<i32>} : memref<2048xf32, #tpu.memory_space<vmem>>, vector<16xf32>,
      %add3A_567 = arith.constant 16 : i32
      %add3A_568 = vector.broadcast %add3A_567 : i32 to vector<16xi32>
      %add3A_569 = arith.addi %iota3A, %add3A_568 : vector<16xi32>
      %scan3A_570 = arith.constant 0 : i32
      %scan3A_571 = arith.constant 64 : i32
      %scan3A_572 = arith.addi %scan3A_570, %scan3A_571 : i32
      %scan3A_573 = arith.constant 1 : i32
      %scan3A_574:8 = scf.for %scan3A_652 = %scan3A_570 to %scan3A_572 step %scan3A_573 iter_args(%scan3A_653 = %broadcast_in_dim3A_61, %scan3A_654 = %broadcast_in_dim3A_61, %scan3A_655 = %broadcast_in_dim3A_61, %scan3A_656 = %broadcast_in_dim3A_61, %scan3A_657 = %broadcast_in_dim3A_61, %scan3A_658 = %broadcast_in_dim3A_61, %scan3A_659 = %broadcast_in_dim3A_61, %scan3A_660 = %broadcast_in_dim3A_61) -> (vector<16xf32>, vector<16xf32>, vector<16xf32>, vector<16xf32>, vector<16xf32>, vector<16xf32>, vector<16xf32>, vector<16xf32>)  : i32 {
        %mul3A_661 = arith.constant 4 : i32
        %mul3A_662 = arith.muli %scan3A_652, %mul3A_661 : i32
        %add3A_663 = arith.constant 0 : i32
        %add3A_664 = arith.addi %mul3A_662, %add3A_663 : i32
        %add3A_665 = vector.broadcast %add3A_664 : i32 to vector<16xi32>
        %add3A_666 = arith.addi %iota3A, %add3A_665 : vector<16xi32>
        %and3A_667 = arith.constant 255 : i32
        %and3A_668 = vector.broadcast %and3A_667 : i32 to vector<16xi32>
        %and3A_669 = arith.andi %add3A_666, %and3A_668 : vector<16xi32>
        %shift_right_arithmetic3A = arith.constant 3 : i32
        %shift_right_arithmetic3A_670 = vector.broadcast %shift_right_arithmetic3A : i32 to vector<16xi32>
        %shift_right_arithmetic3A_671 = arith.shrsi %and3A_669, %shift_right_arithmetic3A_670 : vector<16xi32>
        %and3A_672 = arith.constant 7 : i32
        %and3A_673 = vector.broadcast %and3A_672 : i32 to vector<16xi32>
        %and3A_674 = arith.andi %and3A_669, %and3A_673 : vector<16xi32>
        %gather3A = tpu.vector_load_idx %arg11[%shift_right_arithmetic3A_671, %and3A_674, %add3A_569] : memref<32x8x64xf32, #tpu.memory_space<vmem>>[vector<16xi32>, vector<16xi32>, vector<16xi32>], vector<16xf32>,
        %gather3A_675 = tpu.vector_load_idx %arg13[%add3A_569, %and3A_669] : memref<64x256xf32, #tpu.memory_space<vmem>>[vector<16xi32>, vector<16xi32>], vector<16xf32>,
        %gather3A_676 = tpu.vector_load_idx %arg15[%add3A_569, %and3A_669] : memref<64x256xf32, #tpu.memory_space<vmem>>[vector<16xi32>, vector<16xi32>], vector<16xf32>,
        %sub3A_677 = arith.subf %gather3A, %gather3A_675 : vector<16xf32>
        %sub3A_678 = arith.subf %gather3A, %gather3A_676 : vector<16xf32>
        %mul3A_679 = arith.mulf %sub3A_677, %sub3A_677 : vector<16xf32>
        %add3A_680 = arith.addf %scan3A_653, %mul3A_679 : vector<16xf32>
        %mul3A_681 = arith.mulf %sub3A_678, %sub3A_678 : vector<16xf32>
        %add3A_682 = arith.addf %scan3A_657, %mul3A_681 : vector<16xf32>
        %add3A_683 = arith.constant 1 : i32
        %add3A_684 = arith.addi %mul3A_662, %add3A_683 : i32
        %add3A_685 = vector.broadcast %add3A_684 : i32 to vector<16xi32>
        %add3A_686 = arith.addi %iota3A, %add3A_685 : vector<16xi32>
        %and3A_687 = arith.constant 255 : i32
        %and3A_688 = vector.broadcast %and3A_687 : i32 to vector<16xi32>
        %and3A_689 = arith.andi %add3A_686, %and3A_688 : vector<16xi32>
        %shift_right_arithmetic3A_690 = arith.constant 3 : i32
        %shift_right_arithmetic3A_691 = vector.broadcast %shift_right_arithmetic3A_690 : i32 to vector<16xi32>
        %shift_right_arithmetic3A_692 = arith.shrsi %and3A_689, %shift_right_arithmetic3A_691 : vector<16xi32>
        %and3A_693 = arith.constant 7 : i32
        %and3A_694 = vector.broadcast %and3A_693 : i32 to vector<16xi32>
        %and3A_695 = arith.andi %and3A_689, %and3A_694 : vector<16xi32>
        %gather3A_696 = tpu.vector_load_idx %arg11[%shift_right_arithmetic3A_692, %and3A_695, %add3A_569] : memref<32x8x64xf32, #tpu.memory_space<vmem>>[vector<16xi32>, vector<16xi32>, vector<16xi32>], vector<16xf32>,
        %gather3A_697 = tpu.vector_load_idx %arg13[%add3A_569, %and3A_689] : memref<64x256xf32, #tpu.memory_space<vmem>>[vector<16xi32>, vector<16xi32>], vector<16xf32>,
        %gather3A_698 = tpu.vector_load_idx %arg15[%add3A_569, %and3A_689] : memref<64x256xf32, #tpu.memory_space<vmem>>[vector<16xi32>, vector<16xi32>], vector<16xf32>,
        %sub3A_699 = arith.subf %gather3A_696, %gather3A_697 : vector<16xf32>
        %sub3A_700 = arith.subf %gather3A_696, %gather3A_698 : vector<16xf32>
        %mul3A_701 = arith.mulf %sub3A_699, %sub3A_699 : vector<16xf32>
        %add3A_702 = arith.addf %scan3A_654, %mul3A_701 : vector<16xf32>
        %mul3A_703 = arith.mulf %sub3A_700, %sub3A_700 : vector<16xf32>
        %add3A_704 = arith.addf %scan3A_658, %mul3A_703 : vector<16xf32>
        %add3A_705 = arith.constant 2 : i32
        %add3A_706 = arith.addi %mul3A_662, %add3A_705 : i32
        %add3A_707 = vector.broadcast %add3A_706 : i32 to vector<16xi32>
        %add3A_708 = arith.addi %iota3A, %add3A_707 : vector<16xi32>
        %and3A_709 = arith.constant 255 : i32
        %and3A_710 = vector.broadcast %and3A_709 : i32 to vector<16xi32>
        %and3A_711 = arith.andi %add3A_708, %and3A_710 : vector<16xi32>
        %shift_right_arithmetic3A_712 = arith.constant 3 : i32
        %shift_right_arithmetic3A_713 = vector.broadcast %shift_right_arithmetic3A_712 : i32 to vector<16xi32>
        %shift_right_arithmetic3A_714 = arith.shrsi %and3A_711, %shift_right_arithmetic3A_713 : vector<16xi32>
        %and3A_715 = arith.constant 7 : i32
        %and3A_716 = vector.broadcast %and3A_715 : i32 to vector<16xi32>
        %and3A_717 = arith.andi %and3A_711, %and3A_716 : vector<16xi32>
        %gather3A_718 = tpu.vector_load_idx %arg11[%shift_right_arithmetic3A_714, %and3A_717, %add3A_569] : memref<32x8x64xf32, #tpu.memory_space<vmem>>[vector<16xi32>, vector<16xi32>, vector<16xi32>], vector<16xf32>,
        %gather3A_719 = tpu.vector_load_idx %arg13[%add3A_569, %and3A_711] : memref<64x256xf32, #tpu.memory_space<vmem>>[vector<16xi32>, vector<16xi32>], vector<16xf32>,
        %gather3A_720 = tpu.vector_load_idx %arg15[%add3A_569, %and3A_711] : memref<64x256xf32, #tpu.memory_space<vmem>>[vector<16xi32>, vector<16xi32>], vector<16xf32>,
        %sub3A_721 = arith.subf %gather3A_718, %gather3A_719 : vector<16xf32>
        %sub3A_722 = arith.subf %gather3A_718, %gather3A_720 : vector<16xf32>
        %mul3A_723 = arith.mulf %sub3A_721, %sub3A_721 : vector<16xf32>
        %add3A_724 = arith.addf %scan3A_655, %mul3A_723 : vector<16xf32>
        %mul3A_725 = arith.mulf %sub3A_722, %sub3A_722 : vector<16xf32>
        %add3A_726 = arith.addf %scan3A_659, %mul3A_725 : vector<16xf32>
        %add3A_727 = arith.constant 3 : i32
        %add3A_728 = arith.addi %mul3A_662, %add3A_727 : i32
        %add3A_729 = vector.broadcast %add3A_728 : i32 to vector<16xi32>
        %add3A_730 = arith.addi %iota3A, %add3A_729 : vector<16xi32>
        %and3A_731 = arith.constant 255 : i32
        %and3A_732 = vector.broadcast %and3A_731 : i32 to vector<16xi32>
        %and3A_733 = arith.andi %add3A_730, %and3A_732 : vector<16xi32>
        %shift_right_arithmetic3A_734 = arith.constant 3 : i32
        %shift_right_arithmetic3A_735 = vector.broadcast %shift_right_arithmetic3A_734 : i32 to vector<16xi32>
        %shift_right_arithmetic3A_736 = arith.shrsi %and3A_733, %shift_right_arithmetic3A_735 : vector<16xi32>
        %and3A_737 = arith.constant 7 : i32
        %and3A_738 = vector.broadcast %and3A_737 : i32 to vector<16xi32>
        %and3A_739 = arith.andi %and3A_733, %and3A_738 : vector<16xi32>
        %gather3A_740 = tpu.vector_load_idx %arg11[%shift_right_arithmetic3A_736, %and3A_739, %add3A_569] : memref<32x8x64xf32, #tpu.memory_space<vmem>>[vector<16xi32>, vector<16xi32>, vector<16xi32>], vector<16xf32>,
        %gather3A_741 = tpu.vector_load_idx %arg13[%add3A_569, %and3A_733] : memref<64x256xf32, #tpu.memory_space<vmem>>[vector<16xi32>, vector<16xi32>], vector<16xf32>,
        %gather3A_742 = tpu.vector_load_idx %arg15[%add3A_569, %and3A_733] : memref<64x256xf32, #tpu.memory_space<vmem>>[vector<16xi32>, vector<16xi32>], vector<16xf32>,
        %sub3A_743 = arith.subf %gather3A_740, %gather3A_741 : vector<16xf32>
        %sub3A_744 = arith.subf %gather3A_740, %gather3A_742 : vector<16xf32>
        %mul3A_745 = arith.mulf %sub3A_743, %sub3A_743 : vector<16xf32>
        %add3A_746 = arith.addf %scan3A_656, %mul3A_745 : vector<16xf32>
        %mul3A_747 = arith.mulf %sub3A_744, %sub3A_744 : vector<16xf32>
        %add3A_748 = arith.addf %scan3A_660, %mul3A_747 : vector<16xf32>
        scf.yield %add3A_680, %add3A_702, %add3A_724, %add3A_746, %add3A_682, %add3A_704, %add3A_726, %add3A_748 : vector<16xf32>, vector<16xf32>, vector<16xf32>, vector<16xf32>, vector<16xf32>, vector<16xf32>, vector<16xf32>, vector<16xf32>
      }
      %scan3A_575 = arith.constant 64 : i32
      %add3A_576 = arith.addf %scan3A_574#0, %scan3A_574#1 : vector<16xf32>
      %add3A_577 = arith.addf %add3A_576, %scan3A_574#2 : vector<16xf32>
      %add3A_578 = arith.addf %add3A_577, %scan3A_574#3 : vector<16xf32>
      %add3A_579 = arith.addf %scan3A_574#4, %scan3A_574#5 : vector<16xf32>
      %add3A_580 = arith.addf %add3A_579, %scan3A_574#6 : vector<16xf32>
      %add3A_581 = arith.addf %add3A_580, %scan3A_574#7 : vector<16xf32>
      %add3A_582 = arith.constant 16 : i32
      %add3A_583 = arith.addi %mul3A_543, %add3A_582 : i32
      %swap3A_584 = arith.index_cast %add3A_583 : i32 to index
      %swap3A_585 = tpu.vector_load %arg17[%swap3A_584] {strides = array<i32>} : memref<2048xf32, #tpu.memory_space<vmem>>, vector<16xf32>,
      tpu.vector_store %arg17[%swap3A_584], %add3A_578 {strides = array<i32>} : memref<2048xf32, #tpu.memory_space<vmem>>, vector<16xf32>,
      %add3A_586 = arith.constant 16 : i32
      %add3A_587 = arith.addi %mul3A_543, %add3A_586 : i32
      %swap3A_588 = arith.index_cast %add3A_587 : i32 to index
      %swap3A_589 = tpu.vector_load %arg18[%swap3A_588] {strides = array<i32>} : memref<2048xf32, #tpu.memory_space<vmem>>, vector<16xf32>,
      tpu.vector_store %arg18[%swap3A_588], %add3A_581 {strides = array<i32>} : memref<2048xf32, #tpu.memory_space<vmem>>, vector<16xf32>,
      %add3A_590 = arith.constant 32 : i32
      %add3A_591 = vector.broadcast %add3A_590 : i32 to vector<16xi32>
      %add3A_592 = arith.addi %iota3A, %add3A_591 : vector<16xi32>
      %scan3A_593 = arith.constant 0 : i32
      %scan3A_594 = arith.constant 64 : i32
      %scan3A_595 = arith.addi %scan3A_593, %scan3A_594 : i32
      %scan3A_596 = arith.constant 1 : i32
      %scan3A_597:8 = scf.for %scan3A_652 = %scan3A_593 to %scan3A_595 step %scan3A_596 iter_args(%scan3A_653 = %broadcast_in_dim3A_61, %scan3A_654 = %broadcast_in_dim3A_61, %scan3A_655 = %broadcast_in_dim3A_61, %scan3A_656 = %broadcast_in_dim3A_61, %scan3A_657 = %broadcast_in_dim3A_61, %scan3A_658 = %broadcast_in_dim3A_61, %scan3A_659 = %broadcast_in_dim3A_61, %scan3A_660 = %broadcast_in_dim3A_61) -> (vector<16xf32>, vector<16xf32>, vector<16xf32>, vector<16xf32>, vector<16xf32>, vector<16xf32>, vector<16xf32>, vector<16xf32>)  : i32 {
        %mul3A_661 = arith.constant 4 : i32
        %mul3A_662 = arith.muli %scan3A_652, %mul3A_661 : i32
        %add3A_663 = arith.constant 0 : i32
        %add3A_664 = arith.addi %mul3A_662, %add3A_663 : i32
        %add3A_665 = vector.broadcast %add3A_664 : i32 to vector<16xi32>
        %add3A_666 = arith.addi %iota3A, %add3A_665 : vector<16xi32>
        %and3A_667 = arith.constant 255 : i32
        %and3A_668 = vector.broadcast %and3A_667 : i32 to vector<16xi32>
        %and3A_669 = arith.andi %add3A_666, %and3A_668 : vector<16xi32>
        %shift_right_arithmetic3A = arith.constant 3 : i32
        %shift_right_arithmetic3A_670 = vector.broadcast %shift_right_arithmetic3A : i32 to vector<16xi32>
        %shift_right_arithmetic3A_671 = arith.shrsi %and3A_669, %shift_right_arithmetic3A_670 : vector<16xi32>
        %and3A_672 = arith.constant 7 : i32
        %and3A_673 = vector.broadcast %and3A_672 : i32 to vector<16xi32>
        %and3A_674 = arith.andi %and3A_669, %and3A_673 : vector<16xi32>
        %gather3A = tpu.vector_load_idx %arg11[%shift_right_arithmetic3A_671, %and3A_674, %add3A_592] : memref<32x8x64xf32, #tpu.memory_space<vmem>>[vector<16xi32>, vector<16xi32>, vector<16xi32>], vector<16xf32>,
        %gather3A_675 = tpu.vector_load_idx %arg13[%add3A_592, %and3A_669] : memref<64x256xf32, #tpu.memory_space<vmem>>[vector<16xi32>, vector<16xi32>], vector<16xf32>,
        %gather3A_676 = tpu.vector_load_idx %arg15[%add3A_592, %and3A_669] : memref<64x256xf32, #tpu.memory_space<vmem>>[vector<16xi32>, vector<16xi32>], vector<16xf32>,
        %sub3A_677 = arith.subf %gather3A, %gather3A_675 : vector<16xf32>
        %sub3A_678 = arith.subf %gather3A, %gather3A_676 : vector<16xf32>
        %mul3A_679 = arith.mulf %sub3A_677, %sub3A_677 : vector<16xf32>
        %add3A_680 = arith.addf %scan3A_653, %mul3A_679 : vector<16xf32>
        %mul3A_681 = arith.mulf %sub3A_678, %sub3A_678 : vector<16xf32>
        %add3A_682 = arith.addf %scan3A_657, %mul3A_681 : vector<16xf32>
        %add3A_683 = arith.constant 1 : i32
        %add3A_684 = arith.addi %mul3A_662, %add3A_683 : i32
        %add3A_685 = vector.broadcast %add3A_684 : i32 to vector<16xi32>
        %add3A_686 = arith.addi %iota3A, %add3A_685 : vector<16xi32>
        %and3A_687 = arith.constant 255 : i32
        %and3A_688 = vector.broadcast %and3A_687 : i32 to vector<16xi32>
        %and3A_689 = arith.andi %add3A_686, %and3A_688 : vector<16xi32>
        %shift_right_arithmetic3A_690 = arith.constant 3 : i32
        %shift_right_arithmetic3A_691 = vector.broadcast %shift_right_arithmetic3A_690 : i32 to vector<16xi32>
        %shift_right_arithmetic3A_692 = arith.shrsi %and3A_689, %shift_right_arithmetic3A_691 : vector<16xi32>
        %and3A_693 = arith.constant 7 : i32
        %and3A_694 = vector.broadcast %and3A_693 : i32 to vector<16xi32>
        %and3A_695 = arith.andi %and3A_689, %and3A_694 : vector<16xi32>
        %gather3A_696 = tpu.vector_load_idx %arg11[%shift_right_arithmetic3A_692, %and3A_695, %add3A_592] : memref<32x8x64xf32, #tpu.memory_space<vmem>>[vector<16xi32>, vector<16xi32>, vector<16xi32>], vector<16xf32>,
        %gather3A_697 = tpu.vector_load_idx %arg13[%add3A_592, %and3A_689] : memref<64x256xf32, #tpu.memory_space<vmem>>[vector<16xi32>, vector<16xi32>], vector<16xf32>,
        %gather3A_698 = tpu.vector_load_idx %arg15[%add3A_592, %and3A_689] : memref<64x256xf32, #tpu.memory_space<vmem>>[vector<16xi32>, vector<16xi32>], vector<16xf32>,
        %sub3A_699 = arith.subf %gather3A_696, %gather3A_697 : vector<16xf32>
        %sub3A_700 = arith.subf %gather3A_696, %gather3A_698 : vector<16xf32>
        %mul3A_701 = arith.mulf %sub3A_699, %sub3A_699 : vector<16xf32>
        %add3A_702 = arith.addf %scan3A_654, %mul3A_701 : vector<16xf32>
        %mul3A_703 = arith.mulf %sub3A_700, %sub3A_700 : vector<16xf32>
        %add3A_704 = arith.addf %scan3A_658, %mul3A_703 : vector<16xf32>
        %add3A_705 = arith.constant 2 : i32
        %add3A_706 = arith.addi %mul3A_662, %add3A_705 : i32
        %add3A_707 = vector.broadcast %add3A_706 : i32 to vector<16xi32>
        %add3A_708 = arith.addi %iota3A, %add3A_707 : vector<16xi32>
        %and3A_709 = arith.constant 255 : i32
        %and3A_710 = vector.broadcast %and3A_709 : i32 to vector<16xi32>
        %and3A_711 = arith.andi %add3A_708, %and3A_710 : vector<16xi32>
        %shift_right_arithmetic3A_712 = arith.constant 3 : i32
        %shift_right_arithmetic3A_713 = vector.broadcast %shift_right_arithmetic3A_712 : i32 to vector<16xi32>
        %shift_right_arithmetic3A_714 = arith.shrsi %and3A_711, %shift_right_arithmetic3A_713 : vector<16xi32>
        %and3A_715 = arith.constant 7 : i32
        %and3A_716 = vector.broadcast %and3A_715 : i32 to vector<16xi32>
        %and3A_717 = arith.andi %and3A_711, %and3A_716 : vector<16xi32>
        %gather3A_718 = tpu.vector_load_idx %arg11[%shift_right_arithmetic3A_714, %and3A_717, %add3A_592] : memref<32x8x64xf32, #tpu.memory_space<vmem>>[vector<16xi32>, vector<16xi32>, vector<16xi32>], vector<16xf32>,
        %gather3A_719 = tpu.vector_load_idx %arg13[%add3A_592, %and3A_711] : memref<64x256xf32, #tpu.memory_space<vmem>>[vector<16xi32>, vector<16xi32>], vector<16xf32>,
        %gather3A_720 = tpu.vector_load_idx %arg15[%add3A_592, %and3A_711] : memref<64x256xf32, #tpu.memory_space<vmem>>[vector<16xi32>, vector<16xi32>], vector<16xf32>,
        %sub3A_721 = arith.subf %gather3A_718, %gather3A_719 : vector<16xf32>
        %sub3A_722 = arith.subf %gather3A_718, %gather3A_720 : vector<16xf32>
        %mul3A_723 = arith.mulf %sub3A_721, %sub3A_721 : vector<16xf32>
        %add3A_724 = arith.addf %scan3A_655, %mul3A_723 : vector<16xf32>
        %mul3A_725 = arith.mulf %sub3A_722, %sub3A_722 : vector<16xf32>
        %add3A_726 = arith.addf %scan3A_659, %mul3A_725 : vector<16xf32>
        %add3A_727 = arith.constant 3 : i32
        %add3A_728 = arith.addi %mul3A_662, %add3A_727 : i32
        %add3A_729 = vector.broadcast %add3A_728 : i32 to vector<16xi32>
        %add3A_730 = arith.addi %iota3A, %add3A_729 : vector<16xi32>
        %and3A_731 = arith.constant 255 : i32
        %and3A_732 = vector.broadcast %and3A_731 : i32 to vector<16xi32>
        %and3A_733 = arith.andi %add3A_730, %and3A_732 : vector<16xi32>
        %shift_right_arithmetic3A_734 = arith.constant 3 : i32
        %shift_right_arithmetic3A_735 = vector.broadcast %shift_right_arithmetic3A_734 : i32 to vector<16xi32>
        %shift_right_arithmetic3A_736 = arith.shrsi %and3A_733, %shift_right_arithmetic3A_735 : vector<16xi32>
        %and3A_737 = arith.constant 7 : i32
        %and3A_738 = vector.broadcast %and3A_737 : i32 to vector<16xi32>
        %and3A_739 = arith.andi %and3A_733, %and3A_738 : vector<16xi32>
        %gather3A_740 = tpu.vector_load_idx %arg11[%shift_right_arithmetic3A_736, %and3A_739, %add3A_592] : memref<32x8x64xf32, #tpu.memory_space<vmem>>[vector<16xi32>, vector<16xi32>, vector<16xi32>], vector<16xf32>,
        %gather3A_741 = tpu.vector_load_idx %arg13[%add3A_592, %and3A_733] : memref<64x256xf32, #tpu.memory_space<vmem>>[vector<16xi32>, vector<16xi32>], vector<16xf32>,
        %gather3A_742 = tpu.vector_load_idx %arg15[%add3A_592, %and3A_733] : memref<64x256xf32, #tpu.memory_space<vmem>>[vector<16xi32>, vector<16xi32>], vector<16xf32>,
        %sub3A_743 = arith.subf %gather3A_740, %gather3A_741 : vector<16xf32>
        %sub3A_744 = arith.subf %gather3A_740, %gather3A_742 : vector<16xf32>
        %mul3A_745 = arith.mulf %sub3A_743, %sub3A_743 : vector<16xf32>
        %add3A_746 = arith.addf %scan3A_656, %mul3A_745 : vector<16xf32>
        %mul3A_747 = arith.mulf %sub3A_744, %sub3A_744 : vector<16xf32>
        %add3A_748 = arith.addf %scan3A_660, %mul3A_747 : vector<16xf32>
        scf.yield %add3A_680, %add3A_702, %add3A_724, %add3A_746, %add3A_682, %add3A_704, %add3A_726, %add3A_748 : vector<16xf32>, vector<16xf32>, vector<16xf32>, vector<16xf32>, vector<16xf32>, vector<16xf32>, vector<16xf32>, vector<16xf32>
      }
      %scan3A_598 = arith.constant 64 : i32
      %add3A_599 = arith.addf %scan3A_597#0, %scan3A_597#1 : vector<16xf32>
      %add3A_600 = arith.addf %add3A_599, %scan3A_597#2 : vector<16xf32>
      %add3A_601 = arith.addf %add3A_600, %scan3A_597#3 : vector<16xf32>
      %add3A_602 = arith.addf %scan3A_597#4, %scan3A_597#5 : vector<16xf32>
      %add3A_603 = arith.addf %add3A_602, %scan3A_597#6 : vector<16xf32>
      %add3A_604 = arith.addf %add3A_603, %scan3A_597#7 : vector<16xf32>
      %add3A_605 = arith.constant 32 : i32
      %add3A_606 = arith.addi %mul3A_543, %add3A_605 : i32
      %swap3A_607 = arith.index_cast %add3A_606 : i32 to index
      %swap3A_608 = tpu.vector_load %arg17[%swap3A_607] {strides = array<i32>} : memref<2048xf32, #tpu.memory_space<vmem>>, vector<16xf32>,
      tpu.vector_store %arg17[%swap3A_607], %add3A_601 {strides = array<i32>} : memref<2048xf32, #tpu.memory_space<vmem>>, vector<16xf32>,
      %add3A_609 = arith.constant 32 : i32
      %add3A_610 = arith.addi %mul3A_543, %add3A_609 : i32
      %swap3A_611 = arith.index_cast %add3A_610 : i32 to index
      %swap3A_612 = tpu.vector_load %arg18[%swap3A_611] {strides = array<i32>} : memref<2048xf32, #tpu.memory_space<vmem>>, vector<16xf32>,
      tpu.vector_store %arg18[%swap3A_611], %add3A_604 {strides = array<i32>} : memref<2048xf32, #tpu.memory_space<vmem>>, vector<16xf32>,
      %add3A_613 = arith.constant 48 : i32
      %add3A_614 = vector.broadcast %add3A_613 : i32 to vector<16xi32>
      %add3A_615 = arith.addi %iota3A, %add3A_614 : vector<16xi32>
      %scan3A_616 = arith.constant 0 : i32
      %scan3A_617 = arith.constant 64 : i32
      %scan3A_618 = arith.addi %scan3A_616, %scan3A_617 : i32
      %scan3A_619 = arith.constant 1 : i32
      %scan3A_620:8 = scf.for %scan3A_652 = %scan3A_616 to %scan3A_618 step %scan3A_619 iter_args(%scan3A_653 = %broadcast_in_dim3A_61, %scan3A_654 = %broadcast_in_dim3A_61, %scan3A_655 = %broadcast_in_dim3A_61, %scan3A_656 = %broadcast_in_dim3A_61, %scan3A_657 = %broadcast_in_dim3A_61, %scan3A_658 = %broadcast_in_dim3A_61, %scan3A_659 = %broadcast_in_dim3A_61, %scan3A_660 = %broadcast_in_dim3A_61) -> (vector<16xf32>, vector<16xf32>, vector<16xf32>, vector<16xf32>, vector<16xf32>, vector<16xf32>, vector<16xf32>, vector<16xf32>)  : i32 {
        %mul3A_661 = arith.constant 4 : i32
        %mul3A_662 = arith.muli %scan3A_652, %mul3A_661 : i32
        %add3A_663 = arith.constant 0 : i32
        %add3A_664 = arith.addi %mul3A_662, %add3A_663 : i32
        %add3A_665 = vector.broadcast %add3A_664 : i32 to vector<16xi32>
        %add3A_666 = arith.addi %iota3A, %add3A_665 : vector<16xi32>
        %and3A_667 = arith.constant 255 : i32
        %and3A_668 = vector.broadcast %and3A_667 : i32 to vector<16xi32>
        %and3A_669 = arith.andi %add3A_666, %and3A_668 : vector<16xi32>
        %shift_right_arithmetic3A = arith.constant 3 : i32
        %shift_right_arithmetic3A_670 = vector.broadcast %shift_right_arithmetic3A : i32 to vector<16xi32>
        %shift_right_arithmetic3A_671 = arith.shrsi %and3A_669, %shift_right_arithmetic3A_670 : vector<16xi32>
        %and3A_672 = arith.constant 7 : i32
        %and3A_673 = vector.broadcast %and3A_672 : i32 to vector<16xi32>
        %and3A_674 = arith.andi %and3A_669, %and3A_673 : vector<16xi32>
        %gather3A = tpu.vector_load_idx %arg11[%shift_right_arithmetic3A_671, %and3A_674, %add3A_615] : memref<32x8x64xf32, #tpu.memory_space<vmem>>[vector<16xi32>, vector<16xi32>, vector<16xi32>], vector<16xf32>,
        %gather3A_675 = tpu.vector_load_idx %arg13[%add3A_615, %and3A_669] : memref<64x256xf32, #tpu.memory_space<vmem>>[vector<16xi32>, vector<16xi32>], vector<16xf32>,
        %gather3A_676 = tpu.vector_load_idx %arg15[%add3A_615, %and3A_669] : memref<64x256xf32, #tpu.memory_space<vmem>>[vector<16xi32>, vector<16xi32>], vector<16xf32>,
        %sub3A_677 = arith.subf %gather3A, %gather3A_675 : vector<16xf32>
        %sub3A_678 = arith.subf %gather3A, %gather3A_676 : vector<16xf32>
        %mul3A_679 = arith.mulf %sub3A_677, %sub3A_677 : vector<16xf32>
        %add3A_680 = arith.addf %scan3A_653, %mul3A_679 : vector<16xf32>
        %mul3A_681 = arith.mulf %sub3A_678, %sub3A_678 : vector<16xf32>
        %add3A_682 = arith.addf %scan3A_657, %mul3A_681 : vector<16xf32>
        %add3A_683 = arith.constant 1 : i32
        %add3A_684 = arith.addi %mul3A_662, %add3A_683 : i32
        %add3A_685 = vector.broadcast %add3A_684 : i32 to vector<16xi32>
        %add3A_686 = arith.addi %iota3A, %add3A_685 : vector<16xi32>
        %and3A_687 = arith.constant 255 : i32
        %and3A_688 = vector.broadcast %and3A_687 : i32 to vector<16xi32>
        %and3A_689 = arith.andi %add3A_686, %and3A_688 : vector<16xi32>
        %shift_right_arithmetic3A_690 = arith.constant 3 : i32
        %shift_right_arithmetic3A_691 = vector.broadcast %shift_right_arithmetic3A_690 : i32 to vector<16xi32>
        %shift_right_arithmetic3A_692 = arith.shrsi %and3A_689, %shift_right_arithmetic3A_691 : vector<16xi32>
        %and3A_693 = arith.constant 7 : i32
        %and3A_694 = vector.broadcast %and3A_693 : i32 to vector<16xi32>
        %and3A_695 = arith.andi %and3A_689, %and3A_694 : vector<16xi32>
        %gather3A_696 = tpu.vector_load_idx %arg11[%shift_right_arithmetic3A_692, %and3A_695, %add3A_615] : memref<32x8x64xf32, #tpu.memory_space<vmem>>[vector<16xi32>, vector<16xi32>, vector<16xi32>], vector<16xf32>,
        %gather3A_697 = tpu.vector_load_idx %arg13[%add3A_615, %and3A_689] : memref<64x256xf32, #tpu.memory_space<vmem>>[vector<16xi32>, vector<16xi32>], vector<16xf32>,
        %gather3A_698 = tpu.vector_load_idx %arg15[%add3A_615, %and3A_689] : memref<64x256xf32, #tpu.memory_space<vmem>>[vector<16xi32>, vector<16xi32>], vector<16xf32>,
        %sub3A_699 = arith.subf %gather3A_696, %gather3A_697 : vector<16xf32>
        %sub3A_700 = arith.subf %gather3A_696, %gather3A_698 : vector<16xf32>
        %mul3A_701 = arith.mulf %sub3A_699, %sub3A_699 : vector<16xf32>
        %add3A_702 = arith.addf %scan3A_654, %mul3A_701 : vector<16xf32>
        %mul3A_703 = arith.mulf %sub3A_700, %sub3A_700 : vector<16xf32>
        %add3A_704 = arith.addf %scan3A_658, %mul3A_703 : vector<16xf32>
        %add3A_705 = arith.constant 2 : i32
        %add3A_706 = arith.addi %mul3A_662, %add3A_705 : i32
        %add3A_707 = vector.broadcast %add3A_706 : i32 to vector<16xi32>
        %add3A_708 = arith.addi %iota3A, %add3A_707 : vector<16xi32>
        %and3A_709 = arith.constant 255 : i32
        %and3A_710 = vector.broadcast %and3A_709 : i32 to vector<16xi32>
        %and3A_711 = arith.andi %add3A_708, %and3A_710 : vector<16xi32>
        %shift_right_arithmetic3A_712 = arith.constant 3 : i32
        %shift_right_arithmetic3A_713 = vector.broadcast %shift_right_arithmetic3A_712 : i32 to vector<16xi32>
        %shift_right_arithmetic3A_714 = arith.shrsi %and3A_711, %shift_right_arithmetic3A_713 : vector<16xi32>
        %and3A_715 = arith.constant 7 : i32
        %and3A_716 = vector.broadcast %and3A_715 : i32 to vector<16xi32>
        %and3A_717 = arith.andi %and3A_711, %and3A_716 : vector<16xi32>
        %gather3A_718 = tpu.vector_load_idx %arg11[%shift_right_arithmetic3A_714, %and3A_717, %add3A_615] : memref<32x8x64xf32, #tpu.memory_space<vmem>>[vector<16xi32>, vector<16xi32>, vector<16xi32>], vector<16xf32>,
        %gather3A_719 = tpu.vector_load_idx %arg13[%add3A_615, %and3A_711] : memref<64x256xf32, #tpu.memory_space<vmem>>[vector<16xi32>, vector<16xi32>], vector<16xf32>,
        %gather3A_720 = tpu.vector_load_idx %arg15[%add3A_615, %and3A_711] : memref<64x256xf32, #tpu.memory_space<vmem>>[vector<16xi32>, vector<16xi32>], vector<16xf32>,
        %sub3A_721 = arith.subf %gather3A_718, %gather3A_719 : vector<16xf32>
        %sub3A_722 = arith.subf %gather3A_718, %gather3A_720 : vector<16xf32>
        %mul3A_723 = arith.mulf %sub3A_721, %sub3A_721 : vector<16xf32>
        %add3A_724 = arith.addf %scan3A_655, %mul3A_723 : vector<16xf32>
        %mul3A_725 = arith.mulf %sub3A_722, %sub3A_722 : vector<16xf32>
        %add3A_726 = arith.addf %scan3A_659, %mul3A_725 : vector<16xf32>
        %add3A_727 = arith.constant 3 : i32
        %add3A_728 = arith.addi %mul3A_662, %add3A_727 : i32
        %add3A_729 = vector.broadcast %add3A_728 : i32 to vector<16xi32>
        %add3A_730 = arith.addi %iota3A, %add3A_729 : vector<16xi32>
        %and3A_731 = arith.constant 255 : i32
        %and3A_732 = vector.broadcast %and3A_731 : i32 to vector<16xi32>
        %and3A_733 = arith.andi %add3A_730, %and3A_732 : vector<16xi32>
        %shift_right_arithmetic3A_734 = arith.constant 3 : i32
        %shift_right_arithmetic3A_735 = vector.broadcast %shift_right_arithmetic3A_734 : i32 to vector<16xi32>
        %shift_right_arithmetic3A_736 = arith.shrsi %and3A_733, %shift_right_arithmetic3A_735 : vector<16xi32>
        %and3A_737 = arith.constant 7 : i32
        %and3A_738 = vector.broadcast %and3A_737 : i32 to vector<16xi32>
        %and3A_739 = arith.andi %and3A_733, %and3A_738 : vector<16xi32>
        %gather3A_740 = tpu.vector_load_idx %arg11[%shift_right_arithmetic3A_736, %and3A_739, %add3A_615] : memref<32x8x64xf32, #tpu.memory_space<vmem>>[vector<16xi32>, vector<16xi32>, vector<16xi32>], vector<16xf32>,
        %gather3A_741 = tpu.vector_load_idx %arg13[%add3A_615, %and3A_733] : memref<64x256xf32, #tpu.memory_space<vmem>>[vector<16xi32>, vector<16xi32>], vector<16xf32>,
        %gather3A_742 = tpu.vector_load_idx %arg15[%add3A_615, %and3A_733] : memref<64x256xf32, #tpu.memory_space<vmem>>[vector<16xi32>, vector<16xi32>], vector<16xf32>,
        %sub3A_743 = arith.subf %gather3A_740, %gather3A_741 : vector<16xf32>
        %sub3A_744 = arith.subf %gather3A_740, %gather3A_742 : vector<16xf32>
        %mul3A_745 = arith.mulf %sub3A_743, %sub3A_743 : vector<16xf32>
        %add3A_746 = arith.addf %scan3A_656, %mul3A_745 : vector<16xf32>
        %mul3A_747 = arith.mulf %sub3A_744, %sub3A_744 : vector<16xf32>
        %add3A_748 = arith.addf %scan3A_660, %mul3A_747 : vector<16xf32>
        scf.yield %add3A_680, %add3A_702, %add3A_724, %add3A_746, %add3A_682, %add3A_704, %add3A_726, %add3A_748 : vector<16xf32>, vector<16xf32>, vector<16xf32>, vector<16xf32>, vector<16xf32>, vector<16xf32>, vector<16xf32>, vector<16xf32>
      }
      %scan3A_621 = arith.constant 64 : i32
      %add3A_622 = arith.addf %scan3A_620#0, %scan3A_620#1 : vector<16xf32>
      %add3A_623 = arith.addf %add3A_622, %scan3A_620#2 : vector<16xf32>
      %add3A_624 = arith.addf %add3A_623, %scan3A_620#3 : vector<16xf32>
      %add3A_625 = arith.addf %scan3A_620#4, %scan3A_620#5 : vector<16xf32>
      %add3A_626 = arith.addf %add3A_625, %scan3A_620#6 : vector<16xf32>
      %add3A_627 = arith.addf %add3A_626, %scan3A_620#7 : vector<16xf32>
      %add3A_628 = arith.constant 48 : i32
      %add3A_629 = arith.addi %mul3A_543, %add3A_628 : i32
      %swap3A_630 = arith.index_cast %add3A_629 : i32 to index
      %swap3A_631 = tpu.vector_load %arg17[%swap3A_630] {strides = array<i32>} : memref<2048xf32, #tpu.memory_space<vmem>>, vector<16xf32>,
      tpu.vector_store %arg17[%swap3A_630], %add3A_624 {strides = array<i32>} : memref<2048xf32, #tpu.memory_space<vmem>>, vector<16xf32>,
      %add3A_632 = arith.constant 48 : i32
      %add3A_633 = arith.addi %mul3A_543, %add3A_632 : i32
      %swap3A_634 = arith.index_cast %add3A_633 : i32 to index
      %swap3A_635 = tpu.vector_load %arg18[%swap3A_634] {strides = array<i32>} : memref<2048xf32, #tpu.memory_space<vmem>>, vector<16xf32>,
      tpu.vector_store %arg18[%swap3A_634], %add3A_627 {strides = array<i32>} : memref<2048xf32, #tpu.memory_space<vmem>>, vector<16xf32>,
      %eq3A_636 = arith.constant 0 : i32
      %eq3A_637 = arith.cmpi eq, %select_n3A_30, %eq3A_636 : i32
      %eq3A_638 = arith.constant 0 : i32
      %eq3A_639 = arith.cmpi eq, %add3A_541, %eq3A_638 : i32
      %and3A_640 = arith.andi %eq3A_637, %eq3A_639 : i1
      %convert_element_type3A_641 = arith.extui %and3A_640 : i1 to i32
      %cond3A_642 = arith.constant 0 : i32
      %cond3A_643 = arith.cmpi ne, %convert_element_type3A_641, %cond3A_642 : i32
      scf.if %cond3A_643 {
        %add3A_652 = arith.constant 0 : i32
        %add3A_653 = vector.broadcast %add3A_652 : i32 to vector<16xi32>
        %add3A_654 = arith.addi %iota3A, %add3A_653 : vector<16xi32>
        %scan3A_655 = arith.constant 0 : i32
        %scan3A_656 = arith.constant 64 : i32
        %scan3A_657 = arith.addi %scan3A_655, %scan3A_656 : i32
        %scan3A_658 = arith.constant 1 : i32
        %scan3A_659:4 = scf.for %scan3A_676 = %scan3A_655 to %scan3A_657 step %scan3A_658 iter_args(%scan3A_677 = %broadcast_in_dim3A_61, %scan3A_678 = %broadcast_in_dim3A_61, %scan3A_679 = %broadcast_in_dim3A_61, %scan3A_680 = %broadcast_in_dim3A_61) -> (vector<16xf32>, vector<16xf32>, vector<16xf32>, vector<16xf32>)  : i32 {
          %mul3A_681 = arith.constant 4 : i32
          %mul3A_682 = arith.muli %scan3A_676, %mul3A_681 : i32
          %add3A_683 = arith.constant 0 : i32
          %add3A_684 = arith.addi %mul3A_682, %add3A_683 : i32
          %add3A_685 = vector.broadcast %add3A_684 : i32 to vector<16xi32>
          %add3A_686 = arith.addi %iota3A, %add3A_685 : vector<16xi32>
          %and3A_687 = arith.constant 255 : i32
          %and3A_688 = vector.broadcast %and3A_687 : i32 to vector<16xi32>
          %and3A_689 = arith.andi %add3A_686, %and3A_688 : vector<16xi32>
          %shift_right_arithmetic3A = arith.constant 3 : i32
          %shift_right_arithmetic3A_690 = vector.broadcast %shift_right_arithmetic3A : i32 to vector<16xi32>
          %shift_right_arithmetic3A_691 = arith.shrsi %and3A_689, %shift_right_arithmetic3A_690 : vector<16xi32>
          %and3A_692 = arith.constant 7 : i32
          %and3A_693 = vector.broadcast %and3A_692 : i32 to vector<16xi32>
          %and3A_694 = arith.andi %and3A_689, %and3A_693 : vector<16xi32>
          %gather3A = tpu.vector_load_idx %arg11[%shift_right_arithmetic3A_691, %and3A_694, %add3A_654] : memref<32x8x64xf32, #tpu.memory_space<vmem>>[vector<16xi32>, vector<16xi32>, vector<16xi32>], vector<16xf32>,
          %gather3A_695 = tpu.vector_load_idx %arg16[%and3A_689] : memref<256xf32, #tpu.memory_space<vmem>>[vector<16xi32>], vector<16xf32>,
          %sub3A_696 = arith.subf %gather3A, %gather3A_695 : vector<16xf32>
          %mul3A_697 = arith.mulf %sub3A_696, %sub3A_696 : vector<16xf32>
          %add3A_698 = arith.addf %scan3A_677, %mul3A_697 : vector<16xf32>
          %add3A_699 = arith.constant 1 : i32
          %add3A_700 = arith.addi %mul3A_682, %add3A_699 : i32
          %add3A_701 = vector.broadcast %add3A_700 : i32 to vector<16xi32>
          %add3A_702 = arith.addi %iota3A, %add3A_701 : vector<16xi32>
          %and3A_703 = arith.constant 255 : i32
          %and3A_704 = vector.broadcast %and3A_703 : i32 to vector<16xi32>
          %and3A_705 = arith.andi %add3A_702, %and3A_704 : vector<16xi32>
          %shift_right_arithmetic3A_706 = arith.constant 3 : i32
          %shift_right_arithmetic3A_707 = vector.broadcast %shift_right_arithmetic3A_706 : i32 to vector<16xi32>
          %shift_right_arithmetic3A_708 = arith.shrsi %and3A_705, %shift_right_arithmetic3A_707 : vector<16xi32>
          %and3A_709 = arith.constant 7 : i32
          %and3A_710 = vector.broadcast %and3A_709 : i32 to vector<16xi32>
          %and3A_711 = arith.andi %and3A_705, %and3A_710 : vector<16xi32>
          %gather3A_712 = tpu.vector_load_idx %arg11[%shift_right_arithmetic3A_708, %and3A_711, %add3A_654] : memref<32x8x64xf32, #tpu.memory_space<vmem>>[vector<16xi32>, vector<16xi32>, vector<16xi32>], vector<16xf32>,
          %gather3A_713 = tpu.vector_load_idx %arg16[%and3A_705] : memref<256xf32, #tpu.memory_space<vmem>>[vector<16xi32>], vector<16xf32>,
          %sub3A_714 = arith.subf %gather3A_712, %gather3A_713 : vector<16xf32>
          %mul3A_715 = arith.mulf %sub3A_714, %sub3A_714 : vector<16xf32>
          %add3A_716 = arith.addf %scan3A_678, %mul3A_715 : vector<16xf32>
          %add3A_717 = arith.constant 2 : i32
          %add3A_718 = arith.addi %mul3A_682, %add3A_717 : i32
          %add3A_719 = vector.broadcast %add3A_718 : i32 to vector<16xi32>
          %add3A_720 = arith.addi %iota3A, %add3A_719 : vector<16xi32>
          %and3A_721 = arith.constant 255 : i32
          %and3A_722 = vector.broadcast %and3A_721 : i32 to vector<16xi32>
          %and3A_723 = arith.andi %add3A_720, %and3A_722 : vector<16xi32>
          %shift_right_arithmetic3A_724 = arith.constant 3 : i32
          %shift_right_arithmetic3A_725 = vector.broadcast %shift_right_arithmetic3A_724 : i32 to vector<16xi32>
          %shift_right_arithmetic3A_726 = arith.shrsi %and3A_723, %shift_right_arithmetic3A_725 : vector<16xi32>
          %and3A_727 = arith.constant 7 : i32
          %and3A_728 = vector.broadcast %and3A_727 : i32 to vector<16xi32>
          %and3A_729 = arith.andi %and3A_723, %and3A_728 : vector<16xi32>
          %gather3A_730 = tpu.vector_load_idx %arg11[%shift_right_arithmetic3A_726, %and3A_729, %add3A_654] : memref<32x8x64xf32, #tpu.memory_space<vmem>>[vector<16xi32>, vector<16xi32>, vector<16xi32>], vector<16xf32>,
          %gather3A_731 = tpu.vector_load_idx %arg16[%and3A_723] : memref<256xf32, #tpu.memory_space<vmem>>[vector<16xi32>], vector<16xf32>,
          %sub3A_732 = arith.subf %gather3A_730, %gather3A_731 : vector<16xf32>
          %mul3A_733 = arith.mulf %sub3A_732, %sub3A_732 : vector<16xf32>
          %add3A_734 = arith.addf %scan3A_679, %mul3A_733 : vector<16xf32>
          %add3A_735 = arith.constant 3 : i32
          %add3A_736 = arith.addi %mul3A_682, %add3A_735 : i32
          %add3A_737 = vector.broadcast %add3A_736 : i32 to vector<16xi32>
          %add3A_738 = arith.addi %iota3A, %add3A_737 : vector<16xi32>
          %and3A_739 = arith.constant 255 : i32
          %and3A_740 = vector.broadcast %and3A_739 : i32 to vector<16xi32>
          %and3A_741 = arith.andi %add3A_738, %and3A_740 : vector<16xi32>
          %shift_right_arithmetic3A_742 = arith.constant 3 : i32
          %shift_right_arithmetic3A_743 = vector.broadcast %shift_right_arithmetic3A_742 : i32 to vector<16xi32>
          %shift_right_arithmetic3A_744 = arith.shrsi %and3A_741, %shift_right_arithmetic3A_743 : vector<16xi32>
          %and3A_745 = arith.constant 7 : i32
          %and3A_746 = vector.broadcast %and3A_745 : i32 to vector<16xi32>
          %and3A_747 = arith.andi %and3A_741, %and3A_746 : vector<16xi32>
          %gather3A_748 = tpu.vector_load_idx %arg11[%shift_right_arithmetic3A_744, %and3A_747, %add3A_654] : memref<32x8x64xf32, #tpu.memory_space<vmem>>[vector<16xi32>, vector<16xi32>, vector<16xi32>], vector<16xf32>,
          %gather3A_749 = tpu.vector_load_idx %arg16[%and3A_741] : memref<256xf32, #tpu.memory_space<vmem>>[vector<16xi32>], vector<16xf32>,
          %sub3A_750 = arith.subf %gather3A_748, %gather3A_749 : vector<16xf32>
          %mul3A_751 = arith.mulf %sub3A_750, %sub3A_750 : vector<16xf32>
          %add3A_752 = arith.addf %scan3A_680, %mul3A_751 : vector<16xf32>
          scf.yield %add3A_698, %add3A_716, %add3A_734, %add3A_752 : vector<16xf32>, vector<16xf32>, vector<16xf32>, vector<16xf32>
        }
        %scan3A_660 = arith.constant 64 : i32
        %add3A_661 = arith.addf %scan3A_659#0, %scan3A_659#1 : vector<16xf32>
        %add3A_662 = arith.addf %add3A_661, %scan3A_659#2 : vector<16xf32>
        %add3A_663 = arith.addf %add3A_662, %scan3A_659#3 : vector<16xf32>
        %add3A_664 = arith.constant 0 : i32
        %add3A_665 = arith.addi %mul3A_543, %add3A_664 : i32
        %get3A = arith.index_cast %add3A_665 : i32 to index
        %get3A_666 = tpu.vector_load %arg17[%get3A] {strides = array<i32>} : memref<2048xf32, #tpu.memory_space<vmem>>, vector<16xf32>,
        %eq3A_667 = arith.constant 0 : i32
        %eq3A_668 = vector.broadcast %eq3A_667 : i32 to vector<16xi32>
        %eq3A_669 = arith.cmpi eq, %iota3A, %eq3A_668 : vector<16xi32>
        %min3A_670 = arith.minimumf %get3A_666, %add3A_663 : vector<16xf32>
        %select_n3A_671 = arith.select %eq3A_669, %min3A_670, %get3A_666 : vector<16xi1>, vector<16xf32>
        %add3A_672 = arith.constant 0 : i32
        %add3A_673 = arith.addi %mul3A_543, %add3A_672 : i32
        %swap3A_674 = arith.index_cast %add3A_673 : i32 to index
        %swap3A_675 = tpu.vector_load %arg17[%swap3A_674] {strides = array<i32>} : memref<2048xf32, #tpu.memory_space<vmem>>, vector<16xf32>,
        tpu.vector_store %arg17[%swap3A_674], %select_n3A_671 {strides = array<i32>} : memref<2048xf32, #tpu.memory_space<vmem>>, vector<16xf32>,
      } else {
      }
      %eq3A_644 = arith.constant 1 : i32
      %eq3A_645 = arith.cmpi eq, %select_n3A_30, %eq3A_644 : i32
      %eq3A_646 = arith.constant 31 : i32
      %eq3A_647 = arith.cmpi eq, %add3A_541, %eq3A_646 : i32
      %and3A_648 = arith.andi %eq3A_645, %eq3A_647 : i1
      %convert_element_type3A_649 = arith.extui %and3A_648 : i1 to i32
      %cond3A_650 = arith.constant 0 : i32
      %cond3A_651 = arith.cmpi ne, %convert_element_type3A_649, %cond3A_650 : i32
      scf.if %cond3A_651 {
        %add3A_652 = arith.constant 48 : i32
        %add3A_653 = vector.broadcast %add3A_652 : i32 to vector<16xi32>
        %add3A_654 = arith.addi %iota3A, %add3A_653 : vector<16xi32>
        %scan3A_655 = arith.constant 0 : i32
        %scan3A_656 = arith.constant 64 : i32
        %scan3A_657 = arith.addi %scan3A_655, %scan3A_656 : i32
        %scan3A_658 = arith.constant 1 : i32
        %scan3A_659:4 = scf.for %scan3A_676 = %scan3A_655 to %scan3A_657 step %scan3A_658 iter_args(%scan3A_677 = %broadcast_in_dim3A_61, %scan3A_678 = %broadcast_in_dim3A_61, %scan3A_679 = %broadcast_in_dim3A_61, %scan3A_680 = %broadcast_in_dim3A_61) -> (vector<16xf32>, vector<16xf32>, vector<16xf32>, vector<16xf32>)  : i32 {
          %mul3A_681 = arith.constant 4 : i32
          %mul3A_682 = arith.muli %scan3A_676, %mul3A_681 : i32
          %add3A_683 = arith.constant 0 : i32
          %add3A_684 = arith.addi %mul3A_682, %add3A_683 : i32
          %add3A_685 = vector.broadcast %add3A_684 : i32 to vector<16xi32>
          %add3A_686 = arith.addi %iota3A, %add3A_685 : vector<16xi32>
          %and3A_687 = arith.constant 255 : i32
          %and3A_688 = vector.broadcast %and3A_687 : i32 to vector<16xi32>
          %and3A_689 = arith.andi %add3A_686, %and3A_688 : vector<16xi32>
          %shift_right_arithmetic3A = arith.constant 3 : i32
          %shift_right_arithmetic3A_690 = vector.broadcast %shift_right_arithmetic3A : i32 to vector<16xi32>
          %shift_right_arithmetic3A_691 = arith.shrsi %and3A_689, %shift_right_arithmetic3A_690 : vector<16xi32>
          %and3A_692 = arith.constant 7 : i32
          %and3A_693 = vector.broadcast %and3A_692 : i32 to vector<16xi32>
          %and3A_694 = arith.andi %and3A_689, %and3A_693 : vector<16xi32>
          %gather3A = tpu.vector_load_idx %arg11[%shift_right_arithmetic3A_691, %and3A_694, %add3A_654] : memref<32x8x64xf32, #tpu.memory_space<vmem>>[vector<16xi32>, vector<16xi32>, vector<16xi32>], vector<16xf32>,
          %gather3A_695 = tpu.vector_load_idx %arg16[%and3A_689] : memref<256xf32, #tpu.memory_space<vmem>>[vector<16xi32>], vector<16xf32>,
          %sub3A_696 = arith.subf %gather3A, %gather3A_695 : vector<16xf32>
          %mul3A_697 = arith.mulf %sub3A_696, %sub3A_696 : vector<16xf32>
          %add3A_698 = arith.addf %scan3A_677, %mul3A_697 : vector<16xf32>
          %add3A_699 = arith.constant 1 : i32
          %add3A_700 = arith.addi %mul3A_682, %add3A_699 : i32
          %add3A_701 = vector.broadcast %add3A_700 : i32 to vector<16xi32>
          %add3A_702 = arith.addi %iota3A, %add3A_701 : vector<16xi32>
          %and3A_703 = arith.constant 255 : i32
          %and3A_704 = vector.broadcast %and3A_703 : i32 to vector<16xi32>
          %and3A_705 = arith.andi %add3A_702, %and3A_704 : vector<16xi32>
          %shift_right_arithmetic3A_706 = arith.constant 3 : i32
          %shift_right_arithmetic3A_707 = vector.broadcast %shift_right_arithmetic3A_706 : i32 to vector<16xi32>
          %shift_right_arithmetic3A_708 = arith.shrsi %and3A_705, %shift_right_arithmetic3A_707 : vector<16xi32>
          %and3A_709 = arith.constant 7 : i32
          %and3A_710 = vector.broadcast %and3A_709 : i32 to vector<16xi32>
          %and3A_711 = arith.andi %and3A_705, %and3A_710 : vector<16xi32>
          %gather3A_712 = tpu.vector_load_idx %arg11[%shift_right_arithmetic3A_708, %and3A_711, %add3A_654] : memref<32x8x64xf32, #tpu.memory_space<vmem>>[vector<16xi32>, vector<16xi32>, vector<16xi32>], vector<16xf32>,
          %gather3A_713 = tpu.vector_load_idx %arg16[%and3A_705] : memref<256xf32, #tpu.memory_space<vmem>>[vector<16xi32>], vector<16xf32>,
          %sub3A_714 = arith.subf %gather3A_712, %gather3A_713 : vector<16xf32>
          %mul3A_715 = arith.mulf %sub3A_714, %sub3A_714 : vector<16xf32>
          %add3A_716 = arith.addf %scan3A_678, %mul3A_715 : vector<16xf32>
          %add3A_717 = arith.constant 2 : i32
          %add3A_718 = arith.addi %mul3A_682, %add3A_717 : i32
          %add3A_719 = vector.broadcast %add3A_718 : i32 to vector<16xi32>
          %add3A_720 = arith.addi %iota3A, %add3A_719 : vector<16xi32>
          %and3A_721 = arith.constant 255 : i32
          %and3A_722 = vector.broadcast %and3A_721 : i32 to vector<16xi32>
          %and3A_723 = arith.andi %add3A_720, %and3A_722 : vector<16xi32>
          %shift_right_arithmetic3A_724 = arith.constant 3 : i32
          %shift_right_arithmetic3A_725 = vector.broadcast %shift_right_arithmetic3A_724 : i32 to vector<16xi32>
          %shift_right_arithmetic3A_726 = arith.shrsi %and3A_723, %shift_right_arithmetic3A_725 : vector<16xi32>
          %and3A_727 = arith.constant 7 : i32
          %and3A_728 = vector.broadcast %and3A_727 : i32 to vector<16xi32>
          %and3A_729 = arith.andi %and3A_723, %and3A_728 : vector<16xi32>
          %gather3A_730 = tpu.vector_load_idx %arg11[%shift_right_arithmetic3A_726, %and3A_729, %add3A_654] : memref<32x8x64xf32, #tpu.memory_space<vmem>>[vector<16xi32>, vector<16xi32>, vector<16xi32>], vector<16xf32>,
          %gather3A_731 = tpu.vector_load_idx %arg16[%and3A_723] : memref<256xf32, #tpu.memory_space<vmem>>[vector<16xi32>], vector<16xf32>,
          %sub3A_732 = arith.subf %gather3A_730, %gather3A_731 : vector<16xf32>
          %mul3A_733 = arith.mulf %sub3A_732, %sub3A_732 : vector<16xf32>
          %add3A_734 = arith.addf %scan3A_679, %mul3A_733 : vector<16xf32>
          %add3A_735 = arith.constant 3 : i32
          %add3A_736 = arith.addi %mul3A_682, %add3A_735 : i32
          %add3A_737 = vector.broadcast %add3A_736 : i32 to vector<16xi32>
          %add3A_738 = arith.addi %iota3A, %add3A_737 : vector<16xi32>
          %and3A_739 = arith.constant 255 : i32
          %and3A_740 = vector.broadcast %and3A_739 : i32 to vector<16xi32>
          %and3A_741 = arith.andi %add3A_738, %and3A_740 : vector<16xi32>
          %shift_right_arithmetic3A_742 = arith.constant 3 : i32
          %shift_right_arithmetic3A_743 = vector.broadcast %shift_right_arithmetic3A_742 : i32 to vector<16xi32>
          %shift_right_arithmetic3A_744 = arith.shrsi %and3A_741, %shift_right_arithmetic3A_743 : vector<16xi32>
          %and3A_745 = arith.constant 7 : i32
          %and3A_746 = vector.broadcast %and3A_745 : i32 to vector<16xi32>
          %and3A_747 = arith.andi %and3A_741, %and3A_746 : vector<16xi32>
          %gather3A_748 = tpu.vector_load_idx %arg11[%shift_right_arithmetic3A_744, %and3A_747, %add3A_654] : memref<32x8x64xf32, #tpu.memory_space<vmem>>[vector<16xi32>, vector<16xi32>, vector<16xi32>], vector<16xf32>,
          %gather3A_749 = tpu.vector_load_idx %arg16[%and3A_741] : memref<256xf32, #tpu.memory_space<vmem>>[vector<16xi32>], vector<16xf32>,
          %sub3A_750 = arith.subf %gather3A_748, %gather3A_749 : vector<16xf32>
          %mul3A_751 = arith.mulf %sub3A_750, %sub3A_750 : vector<16xf32>
          %add3A_752 = arith.addf %scan3A_680, %mul3A_751 : vector<16xf32>
          scf.yield %add3A_698, %add3A_716, %add3A_734, %add3A_752 : vector<16xf32>, vector<16xf32>, vector<16xf32>, vector<16xf32>
        }
        %scan3A_660 = arith.constant 64 : i32
        %add3A_661 = arith.addf %scan3A_659#0, %scan3A_659#1 : vector<16xf32>
        %add3A_662 = arith.addf %add3A_661, %scan3A_659#2 : vector<16xf32>
        %add3A_663 = arith.addf %add3A_662, %scan3A_659#3 : vector<16xf32>
        %add3A_664 = arith.constant 48 : i32
        %add3A_665 = arith.addi %mul3A_543, %add3A_664 : i32
        %get3A = arith.index_cast %add3A_665 : i32 to index
        %get3A_666 = tpu.vector_load %arg17[%get3A] {strides = array<i32>} : memref<2048xf32, #tpu.memory_space<vmem>>, vector<16xf32>,
        %eq3A_667 = arith.constant 15 : i32
        %eq3A_668 = vector.broadcast %eq3A_667 : i32 to vector<16xi32>
        %eq3A_669 = arith.cmpi eq, %iota3A, %eq3A_668 : vector<16xi32>
        %min3A_670 = arith.minimumf %get3A_666, %add3A_663 : vector<16xf32>
        %select_n3A_671 = arith.select %eq3A_669, %min3A_670, %get3A_666 : vector<16xi1>, vector<16xf32>
        %add3A_672 = arith.constant 48 : i32
        %add3A_673 = arith.addi %mul3A_543, %add3A_672 : i32
        %swap3A_674 = arith.index_cast %add3A_673 : i32 to index
        %swap3A_675 = tpu.vector_load %arg17[%swap3A_674] {strides = array<i32>} : memref<2048xf32, #tpu.memory_space<vmem>>, vector<16xf32>,
        tpu.vector_store %arg17[%swap3A_674], %select_n3A_671 {strides = array<i32>} : memref<2048xf32, #tpu.memory_space<vmem>>, vector<16xf32>,
      } else {
      }
    }
    %scan3A_126 = arith.constant 16 : i32
    %add3A_127 = arith.constant 1984 : i32
    %add3A_128 = arith.addi %mul3A_32, %add3A_127 : i32
    %jit3A_129 = arith.constant 128 : i32
    %div3A_130 = arith.divsi %add3A_128, %jit3A_129 : i32
    %sign3A_131 = arith.constant 0 : i32
    %sign3A_132 = arith.cmpi sgt, %add3A_128, %sign3A_131 : i32
    %sign3A_133 = arith.extui %sign3A_132 : i1 to i32
    %sign3A_134 = arith.constant 0 : i32
    %sign3A_135 = arith.cmpi slt, %add3A_128, %sign3A_134 : i32
    %sign3A_136 = arith.extui %sign3A_135 : i1 to i32
    %sign3A_137 = arith.subi %sign3A_133, %sign3A_136 : i32
    %sign3A_138 = arith.constant 0 : i32
    %sign3A_139 = arith.cmpi sgt, %jit3A_129, %sign3A_138 : i32
    %sign3A_140 = arith.extui %sign3A_139 : i1 to i32
    %sign3A_141 = arith.constant 0 : i32
    %sign3A_142 = arith.cmpi slt, %jit3A_129, %sign3A_141 : i32
    %sign3A_143 = arith.extui %sign3A_142 : i1 to i32
    %sign3A_144 = arith.subi %sign3A_140, %sign3A_143 : i32
    %ne3A_145 = arith.cmpi ne, %sign3A_137, %sign3A_144 : i32
    %rem3A_146 = arith.remsi %add3A_128, %jit3A_129 : i32
    %ne3A_147 = arith.constant 0 : i32
    %ne3A_148 = arith.cmpi ne, %rem3A_146, %ne3A_147 : i32
    %and3A_149 = arith.andi %ne3A_145, %ne3A_148 : i1
    %sub3A_150 = arith.constant 1 : i32
    %sub3A_151 = arith.subi %div3A_130, %sub3A_150 : i32
    %select_n3A_152 = arith.select %and3A_149, %sub3A_151, %div3A_130 : i32
    %jit3A_153 = arith.constant 128 : i32
    %eq3A_154 = arith.constant 0 : i32
    %eq3A_155 = arith.cmpi eq, %jit3A_153, %eq3A_154 : i32
    %jit3A_156 = arith.constant 1 : i32
    %select_n3A_157 = arith.select %eq3A_155, %jit3A_156, %jit3A_153 : i32
    %rem3A_158 = arith.remsi %add3A_128, %select_n3A_157 : i32
    %ne3A_159 = arith.constant 0 : i32
    %ne3A_160 = arith.cmpi ne, %rem3A_158, %ne3A_159 : i32
    %lt3A_161 = arith.constant 0 : i32
    %lt3A_162 = arith.cmpi slt, %rem3A_158, %lt3A_161 : i32
    %lt3A_163 = arith.constant 0 : i32
    %lt3A_164 = arith.cmpi slt, %select_n3A_157, %lt3A_163 : i32
    %ne3A_165 = arith.xori %lt3A_162, %lt3A_164 : i1
    %and3A_166 = arith.andi %ne3A_165, %ne3A_160 : i1
    %add3A_167 = arith.addi %rem3A_158, %select_n3A_157 : i32
    %select_n3A_168 = arith.select %and3A_166, %add3A_167, %rem3A_158 : i32
    %dma_wait3A_169 = arith.constant 1984 : i32
    %dma_wait3A_170 = tpu.memref_slice %arg8[%dma_wait3A_169] : memref<2048xi32, #tpu.memory_space<vmem>> -> memref<64xi32, #tpu.memory_space<vmem>>
    %dma_wait3A_171 = arith.constant 0 : i32
    %dma_wait3A_172 = arith.constant 0 : i32
    %dma_wait3A_173 = tpu.memref_slice %arg5[%dma_wait3A_171, %dma_wait3A_172] : memref<8192x256xf32, #tpu.memory_space<hbm>> -> memref<8192x256xf32, #tpu.memory_space<hbm>>
    tpu.wait_indirect_dma semaphore(%arg19 : memref<!tpu.dma_semaphore, #tpu.memory_space<semaphore_mem>>) src(%dma_wait3A_173 : memref<8192x256xf32, #tpu.memory_space<hbm>>) dst(%arg12 : memref<64x256xf32, #tpu.memory_space<vmem>>)
    %dma_wait3A_174 = arith.constant 1984 : i32
    %dma_wait3A_175 = tpu.memref_slice %arg9[%dma_wait3A_174] : memref<2048xi32, #tpu.memory_space<vmem>> -> memref<64xi32, #tpu.memory_space<vmem>>
    %dma_wait3A_176 = arith.constant 0 : i32
    %dma_wait3A_177 = arith.constant 0 : i32
    %dma_wait3A_178 = tpu.memref_slice %arg5[%dma_wait3A_176, %dma_wait3A_177] : memref<8192x256xf32, #tpu.memory_space<hbm>> -> memref<8192x256xf32, #tpu.memory_space<hbm>>
    tpu.wait_indirect_dma semaphore(%arg21 : memref<!tpu.dma_semaphore, #tpu.memory_space<semaphore_mem>>) src(%dma_wait3A_178 : memref<8192x256xf32, #tpu.memory_space<hbm>>) dst(%arg14 : memref<64x256xf32, #tpu.memory_space<vmem>>)
    %dma_wait3A_179 = arith.constant 0 : i32
    %dma_wait3A_180 = arith.constant 0 : i32
    %dma_wait3A_181 = tpu.memref_slice %arg2[%select_n3A, %dma_wait3A_179, %select_n3A_152, %dma_wait3A_180, %select_n3A_168] : memref<16x32x32x8x128xf32, #tpu.memory_space<hbm>> -> memref<1x32x1x8x64xf32, #tpu.memory_space<hbm>>
    %dma_wait3A_182 = tpu.memref_squeeze %dma_wait3A_181 : memref<1x32x1x8x64xf32, #tpu.memory_space<hbm>> -> memref<32x8x64xf32, #tpu.memory_space<hbm>>
    %dma_wait3A_183 = arith.constant 0 : i32
    %dma_wait3A_184 = arith.constant 0 : i32
    %dma_wait3A_185 = tpu.memref_slice %arg2[%select_n3A, %dma_wait3A_183, %select_n3A_152, %dma_wait3A_184, %select_n3A_168] : memref<16x32x32x8x128xf32, #tpu.memory_space<hbm>> -> memref<1x32x1x8x64xf32, #tpu.memory_space<hbm>>
    %dma_wait3A_186 = tpu.memref_squeeze %dma_wait3A_185 : memref<1x32x1x8x64xf32, #tpu.memory_space<hbm>> -> memref<32x8x64xf32, #tpu.memory_space<hbm>>
    tpu.wait_dma2 semaphore(%arg23 : memref<!tpu.dma_semaphore, #tpu.memory_space<semaphore_mem>>) src(%dma_wait3A_186 : memref<32x8x64xf32, #tpu.memory_space<hbm>>) dst(%arg10 : memref<32x8x64xf32, #tpu.memory_space<vmem>>)
    "tpu.region"() ({
      %run_scoped3A = tpu.sem_alloc : memref<!tpu.dma_semaphore, #tpu.memory_space<semaphore_mem>>
      %dma_start3A_187 = tpu.memref_slice %arg6[%select_n3A, %mul3A_32] : memref<16x4096xf32, #tpu.memory_space<hbm>> -> memref<1x2048xf32, #tpu.memory_space<hbm>>
      %dma_start3A_188 = tpu.memref_squeeze %dma_start3A_187 : memref<1x2048xf32, #tpu.memory_space<hbm>> -> memref<2048xf32, #tpu.memory_space<hbm>>
      %dma_start3A_189 = tpu.memref_slice %arg6[%select_n3A, %mul3A_32] : memref<16x4096xf32, #tpu.memory_space<hbm>> -> memref<1x2048xf32, #tpu.memory_space<hbm>>
      %dma_start3A_190 = tpu.memref_squeeze %dma_start3A_189 : memref<1x2048xf32, #tpu.memory_space<hbm>> -> memref<2048xf32, #tpu.memory_space<hbm>>
      tpu.enqueue_dma source(%arg17 : memref<2048xf32, #tpu.memory_space<vmem>>) target(%dma_start3A_190 : memref<2048xf32, #tpu.memory_space<hbm>>) target_semaphore(%run_scoped3A : memref<!tpu.dma_semaphore, #tpu.memory_space<semaphore_mem>>)
      %dma_wait3A_191 = tpu.memref_slice %arg6[%select_n3A, %mul3A_32] : memref<16x4096xf32, #tpu.memory_space<hbm>> -> memref<1x2048xf32, #tpu.memory_space<hbm>>
      %dma_wait3A_192 = tpu.memref_squeeze %dma_wait3A_191 : memref<1x2048xf32, #tpu.memory_space<hbm>> -> memref<2048xf32, #tpu.memory_space<hbm>>
      %dma_wait3A_193 = tpu.memref_slice %arg6[%select_n3A, %mul3A_32] : memref<16x4096xf32, #tpu.memory_space<hbm>> -> memref<1x2048xf32, #tpu.memory_space<hbm>>
      %dma_wait3A_194 = tpu.memref_squeeze %dma_wait3A_193 : memref<1x2048xf32, #tpu.memory_space<hbm>> -> memref<2048xf32, #tpu.memory_space<hbm>>
      tpu.wait_dma2 semaphore(%run_scoped3A : memref<!tpu.dma_semaphore, #tpu.memory_space<semaphore_mem>>) src(%arg17 : memref<2048xf32, #tpu.memory_space<vmem>>) dst(%dma_wait3A_194 : memref<2048xf32, #tpu.memory_space<hbm>>)
      tpu.yield
    }) : () -> ()
    "tpu.region"() ({
      %run_scoped3A = tpu.sem_alloc : memref<!tpu.dma_semaphore, #tpu.memory_space<semaphore_mem>>
      %dma_start3A_187 = tpu.memref_slice %arg7[%select_n3A, %mul3A_32] : memref<16x4096xf32, #tpu.memory_space<hbm>> -> memref<1x2048xf32, #tpu.memory_space<hbm>>
      %dma_start3A_188 = tpu.memref_squeeze %dma_start3A_187 : memref<1x2048xf32, #tpu.memory_space<hbm>> -> memref<2048xf32, #tpu.memory_space<hbm>>
      %dma_start3A_189 = tpu.memref_slice %arg7[%select_n3A, %mul3A_32] : memref<16x4096xf32, #tpu.memory_space<hbm>> -> memref<1x2048xf32, #tpu.memory_space<hbm>>
      %dma_start3A_190 = tpu.memref_squeeze %dma_start3A_189 : memref<1x2048xf32, #tpu.memory_space<hbm>> -> memref<2048xf32, #tpu.memory_space<hbm>>
      tpu.enqueue_dma source(%arg18 : memref<2048xf32, #tpu.memory_space<vmem>>) target(%dma_start3A_190 : memref<2048xf32, #tpu.memory_space<hbm>>) target_semaphore(%run_scoped3A : memref<!tpu.dma_semaphore, #tpu.memory_space<semaphore_mem>>)
      %dma_wait3A_191 = tpu.memref_slice %arg7[%select_n3A, %mul3A_32] : memref<16x4096xf32, #tpu.memory_space<hbm>> -> memref<1x2048xf32, #tpu.memory_space<hbm>>
      %dma_wait3A_192 = tpu.memref_squeeze %dma_wait3A_191 : memref<1x2048xf32, #tpu.memory_space<hbm>> -> memref<2048xf32, #tpu.memory_space<hbm>>
      %dma_wait3A_193 = tpu.memref_slice %arg7[%select_n3A, %mul3A_32] : memref<16x4096xf32, #tpu.memory_space<hbm>> -> memref<1x2048xf32, #tpu.memory_space<hbm>>
      %dma_wait3A_194 = tpu.memref_squeeze %dma_wait3A_193 : memref<1x2048xf32, #tpu.memory_space<hbm>> -> memref<2048xf32, #tpu.memory_space<hbm>>
      tpu.wait_dma2 semaphore(%run_scoped3A : memref<!tpu.dma_semaphore, #tpu.memory_space<semaphore_mem>>) src(%arg18 : memref<2048xf32, #tpu.memory_space<vmem>>) dst(%dma_wait3A_194 : memref<2048xf32, #tpu.memory_space<hbm>>)
      tpu.yield
    }) : () -> ()
    return
  }
}

module attributes {stable_mosaic.version = 14 : i64} {
  func.func @_finalize_body(%arg0: memref<16x4096xf32, #tpu.memory_space<vmem>>, %arg1: memref<16x4096xf32, #tpu.memory_space<vmem>>, %arg2: memref<16x1xi32, #tpu.memory_space<vmem>>, %arg3: memref<1x1xf32, #tpu.memory_space<vmem>>) attributes {dimension_semantics = [], scalar_prefetch = 0 : i64, scratch_operands = 0 : i64, tpu.core_type = #tpu.core_type<tc>} {
    %get3A = arith.constant 0 : index
    %get3A_0 = arith.constant 0 : index
    %get3A_1 = vector.load %arg0[%get3A, %get3A_0] : memref<16x4096xf32, #tpu.memory_space<vmem>>, vector<16x4096xf32>
    %sqrt3A = math.sqrt %get3A_1 : vector<16x4096xf32>
    %get3A_2 = arith.constant 0 : index
    %get3A_3 = arith.constant 0 : index
    %get3A_4 = vector.load %arg1[%get3A_2, %get3A_3] : memref<16x4096xf32, #tpu.memory_space<vmem>>, vector<16x4096xf32>
    %sqrt3A_5 = math.sqrt %get3A_4 : vector<16x4096xf32>
    %get3A_6 = arith.constant 0 : index
    %get3A_7 = arith.constant 0 : index
    %get3A_8 = vector.load %arg2[%get3A_6, %get3A_7] : memref<16x1xi32, #tpu.memory_space<vmem>>, vector<16x1xi32>
    %add3A = arith.constant 319 : i32
    %add3A_9 = vector.broadcast %add3A : i32 to vector<16x1xi32>
    %add3A_10 = arith.addi %get3A_8, %add3A_9 : vector<16x1xi32>
    %jit3A = arith.constant 320 : i32
    %div3A = vector.broadcast %jit3A : i32 to vector<16x1xi32>
    %div3A_11 = arith.divsi %add3A_10, %div3A : vector<16x1xi32>
    %sign3A = arith.constant 0 : i32
    %sign3A_12 = vector.broadcast %sign3A : i32 to vector<16x1xi32>
    %sign3A_13 = arith.cmpi sgt, %add3A_10, %sign3A_12 : vector<16x1xi32>
    %sign3A_14 = arith.extui %sign3A_13 : vector<16x1xi1> to vector<16x1xi32>
    %sign3A_15 = arith.constant 0 : i32
    %sign3A_16 = vector.broadcast %sign3A_15 : i32 to vector<16x1xi32>
    %sign3A_17 = arith.cmpi slt, %add3A_10, %sign3A_16 : vector<16x1xi32>
    %sign3A_18 = arith.extui %sign3A_17 : vector<16x1xi1> to vector<16x1xi32>
    %sign3A_19 = arith.subi %sign3A_14, %sign3A_18 : vector<16x1xi32>
    %sign3A_20 = arith.constant 0 : i32
    %sign3A_21 = arith.cmpi sgt, %jit3A, %sign3A_20 : i32
    %sign3A_22 = arith.extui %sign3A_21 : i1 to i32
    %sign3A_23 = arith.constant 0 : i32
    %sign3A_24 = arith.cmpi slt, %jit3A, %sign3A_23 : i32
    %sign3A_25 = arith.extui %sign3A_24 : i1 to i32
    %sign3A_26 = arith.subi %sign3A_22, %sign3A_25 : i32
    %ne3A = vector.broadcast %sign3A_26 : i32 to vector<16x1xi32>
    %ne3A_27 = arith.cmpi ne, %sign3A_19, %ne3A : vector<16x1xi32>
    %rem3A = vector.broadcast %jit3A : i32 to vector<16x1xi32>
    %rem3A_28 = arith.remsi %add3A_10, %rem3A : vector<16x1xi32>
    %ne3A_29 = arith.constant 0 : i32
    %ne3A_30 = vector.broadcast %ne3A_29 : i32 to vector<16x1xi32>
    %ne3A_31 = arith.cmpi ne, %rem3A_28, %ne3A_30 : vector<16x1xi32>
    %and3A = arith.andi %ne3A_27, %ne3A_31 : vector<16x1xi1>
    %sub3A = arith.constant 1 : i32
    %sub3A_32 = vector.broadcast %sub3A : i32 to vector<16x1xi32>
    %sub3A_33 = arith.subi %div3A_11, %sub3A_32 : vector<16x1xi32>
    %select_n3A = arith.select %and3A, %sub3A_33, %div3A_11 : vector<16x1xi1>, vector<16x1xi32>
    %min3A = arith.constant 4096 : i32
    %min3A_34 = vector.broadcast %min3A : i32 to vector<16x1xi32>
    %min3A_35 = arith.minsi %select_n3A, %min3A_34 : vector<16x1xi32>
    %iota3A = tpu.iota {dimensions = array<i32: 1>} : vector<16x4096xi32>
    %lt3A = vector.broadcast %min3A_35 : vector<16x1xi32> to vector<16x4096xi32>
    %lt3A_36 = arith.cmpi slt, %iota3A, %lt3A : vector<16x4096xi32>
    %convert_element_type3A = arith.extui %lt3A_36 : vector<16x4096xi1> to vector<16x4096xi32>
    %convert_element_type3A_37 = arith.sitofp %convert_element_type3A : vector<16x4096xi32> to vector<16x4096xf32>
    %sub3A_38 = arith.subf %sqrt3A, %sqrt3A_5 : vector<16x4096xf32>
    %add3A_39 = arith.constant 2.000000e-01 : f32
    %add3A_40 = vector.broadcast %add3A_39 : f32 to vector<16x4096xf32>
    %add3A_41 = arith.addf %sub3A_38, %add3A_40 : vector<16x4096xf32>
    %max3A = arith.constant 0.000000e+00 : f32
    %max3A_42 = vector.broadcast %max3A : f32 to vector<16x4096xf32>
    %max3A_43 = arith.maximumf %add3A_41, %max3A_42 : vector<16x4096xf32>
    %mul3A = arith.mulf %max3A_43, %convert_element_type3A_37 : vector<16x4096xf32>
    %reduce_sum3A = vector.shape_cast %mul3A : vector<16x4096xf32> to vector<1x16x4096xf32>
    %reduce_sum3A_44 = arith.constant dense<0.000000e+00> : vector<1xf32>
    %reduce_sum3A_45 = vector.multi_reduction <add>, %reduce_sum3A, %reduce_sum3A_44 [1, 2] : vector<1x16x4096xf32> to vector<1xf32>
    %reduce_sum3A_46 = vector.shape_cast %reduce_sum3A_45 : vector<1xf32> to vector<1x1x1xf32>
    %reduce_sum3A_47 = vector.extract %reduce_sum3A_46[0, 0, 0] : f32 from vector<1x1x1xf32>
    %reduce_sum3A_48 = vector.shape_cast %convert_element_type3A_37 : vector<16x4096xf32> to vector<1x16x4096xf32>
    %reduce_sum3A_49 = arith.constant dense<0.000000e+00> : vector<1xf32>
    %reduce_sum3A_50 = vector.multi_reduction <add>, %reduce_sum3A_48, %reduce_sum3A_49 [1, 2] : vector<1x16x4096xf32> to vector<1xf32>
    %reduce_sum3A_51 = vector.shape_cast %reduce_sum3A_50 : vector<1xf32> to vector<1x1x1xf32>
    %reduce_sum3A_52 = vector.extract %reduce_sum3A_51[0, 0, 0] : f32 from vector<1x1x1xf32>
    %add3A_53 = arith.constant 9.99999993E-9 : f32
    %add3A_54 = arith.addf %reduce_sum3A_52, %add3A_53 : f32
    %div3A_55 = arith.divf %reduce_sum3A_47, %add3A_54 : f32
    %broadcast_in_dim3A = vector.broadcast %div3A_55 : f32 to vector<1x1xf32>
    %swap3A = arith.constant 0 : index
    %swap3A_56 = arith.constant 0 : index
    %swap3A_57 = vector.load %arg3[%swap3A, %swap3A_56] : memref<1x1xf32, #tpu.memory_space<vmem>>, vector<1x1xf32>
    tpu.vector_store %arg3[%swap3A, %swap3A_56], %broadcast_in_dim3A {strides = array<i32>} : memref<1x1xf32, #tpu.memory_space<vmem>>, vector<1x1xf32>,
    return
  }
}

</mosaic_0001>

<sc_bundles>
// kernel: kernel.4.cloned.1.call-start
scs
__scs_entry_jumppad:
0x0: {  	(pc) =	sbr.rel $0x88, $3  }
0x1: {  	(tag) =	ssettag $0x0;
	lr =	simm.s32 $0x1  }
0x2: {  	[smem:$0x3F9D] =	sst lr;
	_ =	strace $0xD0000000  }
0x3: {  	_ = 	snop  }
0x4: {  	_ = 	snop  }
0x5: {  	_ = 	snop  }
0x6: {  	_ = 	snop  }
0x7: {  	_ = 	snop  }
__scs_overlays_trampoline_lowered:
0x8: {  	[smem:$0x3FAC] =	sst s0  }
0x9: {  	[smem:$0x3FAD] =	sst s1  }
0xa: {  	[smem:$0x3FAE] =	sst s2  }
0xb: {  	[smem:$0x3FAF] =	sst s3  }
0xc: {  	[smem:$0x3FB0] =	sst s4  }
0xd: {  	[smem:$0x3FB1] =	sst s5  }
0xe: {  	[smem:$0x3FB2] =	sst s6  }
0xf: {  	[smem:$0x3FB3] =	sst s7  }
0x10: {  	[smem:$0x3FB4] =	sst s8  }
0x11: {  	[smem:$0x3FB5] =	sst s9;
	s0 =	simm.s32 @!p0 $0x0  }
0x12: {  	s1 =	sld [smem:$0x3F9B];
	s0 =	simm.s32 @p0 $0x1  }
0x13: {  	[smem:$0x3FB6] =	sst s0;
	s0 =	simm.s32 @!p1 $0x0  }
0x14: {  	s2 =	sld [smem:$0x3F9A];
	s0 =	simm.s32 @p1 $0x1  }
0x15: {  	[smem:$0x3FB7] =	sst s0;
	s0 =	simm.s32 @!p2 $0x0  }
0x16: {  	s3 =	sld [smem:$0x3FDB];
	s0 =	simm.s32 @p2 $0x1  }
0x17: {  	s4 =	simm.s32 $0x1BF5;
	[smem:$0x3FB9] =	sst s0  }
0x18: {  	s0 =	sld [smem:$0x3F9C];
	_ =	swait.ge [sflag:s4], $0x0  }
0x19: {  	s7 =	sld [smem:$0x3F9D]  }
0x1a: {  	s8 =	sadd.s32 $0xFFFFE003, lr  }
0x1b: {  	s9 =	sadd.s32 $0xFFFFFEF7, lr;
	s5 =	simm.s32 $0xFFFFFFFF;
	p2 =	slt.u32 s8, $0xFFFFF086  }
0x1c: {  	p1 =	slt.u32 s9, $0xF7A;
	s5 =	simm.s32 @!p2 $0x0  }
0x1d: {  	s5 =	simm.s32 @p1 $0x1;
	p0 =	seq.s32 s7, s2  }
0x1e: {  	s7 =	smul.u32 @!p0 $0xF7A, s2;
	p2 =	seq.s32 @!p0 s5, $0x0  }
0x1f: {  	s9 =	smul.u32 $0xF7A, s1;
	s8 =	simm.s32 @!p0 $0x1BF5;
	p2 =	por !p2, p0  }
0x20: {  	[sflag:s8] =	ssyncset.s32 @!p0 $0xFFFFF086;
	s6 =	sadd.s32 @!p0 s3, s7;
	s7 =	simm.s32 @!p0 $0x108  }
0x21: {  	s3 =	sadd.s32 s3, s9;
	s6 =	sadd.s32 @!p0 $0x88, s6;
	s7 =	simm.s32 @p2 $0x1082  }
0x22: {  	[simem:s7], [sflag:s8] =	dma.local @!p0 [hbm:s6], $0xF7A  }
0x23: {  	s9 =	sor.u32 $0xD0000000, s2;
	s6 =	simm.s32 $0x108;
	_ =	swait.ge @!p0 [sflag:s8], $0x0  }
0x24: {  	s3 =	sadd.s32 $0x88, s3;
	s6 =	simm.s32 @!p1 $0x1082;
	[sflag:s4] =	ssyncset.s32 $0xFFFFF086  }
0x25: {  	[simem:s6], [sflag:s4] =	dma.local [hbm:s3], $0xF7A  }
0x26: {  	[smem:$0x3F9D] =	sst s1;
	(tag) =	ssettag s2;
	_ =	strace s9  }
0x27: {  	s1 =	sld [smem:$0x3FAD]  }
0x28: {  	s2 =	sld [smem:$0x3FAE]  }
0x29: {  	s4 =	sld [smem:$0x3FB0]  }
0x2a: {  	p0 =	seq.s32 s5, $0x0;
	s5 =	sld [smem:$0x3FB1]  }
0x2b: {  	s6 =	sld [smem:$0x3FB2]  }
0x2c: {  	s7 =	sld [smem:$0x3FB3]  }
0x2d: {  	s3 =	simm.s32 $0x108;
	s8 =	sld [smem:$0x3FB4]  }
0x2e: {  	s3 =	simm.s32 @!p0 $0x1082;
	s9 =	sld [smem:$0x3FB5]  }
0x2f: {  	lr =	sadd.s32 s0, s3;
	s0 =	sld [smem:$0x3FAC]  }
0x30: {  	s3 =	sld [smem:$0x3FAF]  }
0x31: {  	[smem:$0x3FB8] =	sst s10  }
0x32: {  	s10 =	sld [smem:$0x3FB6];
	_ =	sdelay $0x3  }
0x33: {  	p0 =	seq.s32 s10, $0x1;
	s10 =	sld [smem:$0x3FB8];
	_ =	sdelay $0x3  }
0x34: {  	[smem:$0x3FB8] =	sst s10  }
0x35: {  	s10 =	sld [smem:$0x3FB7];
	_ =	sdelay $0x3  }
0x36: {  	p1 =	seq.s32 s10, $0x1;
	s10 =	sld [smem:$0x3FB8];
	_ =	sdelay $0x3  }
0x37: {  	[smem:$0x3FB8] =	sst s10  }
0x38: {  	s10 =	sld [smem:$0x3FB9]  }
0x39: {  	_ = 	snop;
	(pc) =	sbr.ind lr, $3  }
0x3a: {  	_ = 	snop  }
0x3b: {  	_ = 	snop  }
0x3c: {  	p2 =	seq.s32 s10, $0x1;
	s10 =	sld [smem:$0x3FB8]  }
0x3d: {  	_ =	shalt  }
0x3e: {  	_ =	shalt  }
0x3f: {  	_ =	shalt  }
0x40: {  	_ =	shalt  }
0x41: {  	_ =	shalt  }
0x42: {  	_ =	shalt  }
0x43: {  	_ =	shalt  }
0x44: {  	_ =	shalt  }
0x45: {  	_ =	shalt  }
0x46: {  	_ =	shalt  }
0x47: {  	_ =	shalt  }
0x48: {  	_ =	shalt  }
0x49: {  	_ =	shalt  }
0x4a: {  	_ =	shalt  }
0x4b: {  	_ =	shalt  }
0x4c: {  	_ =	shalt  }
0x4d: {  	_ =	shalt  }
0x4e: {  	_ =	shalt  }
0x4f: {  	_ =	shalt  }
0x50: {  	_ =	shalt  }
0x51: {  	_ =	shalt  }
0x52: {  	_ =	shalt  }
0x53: {  	_ =	shalt  }
0x54: {  	_ =	shalt  }
0x55: {  	_ =	shalt  }
0x56: {  	_ =	shalt  }
0x57: {  	_ =	shalt  }
0x58: {  	_ =	shalt  }
0x59: {  	_ =	shalt  }
0x5a: {  	_ =	shalt  }
0x5b: {  	_ =	shalt  }
0x5c: {  	_ =	shalt  }
0x5d: {  	_ =	shalt  }
0x5e: {  	_ =	shalt  }
0x5f: {  	_ =	shalt  }
0x60: {  	_ =	shalt  }
0x61: {  	_ =	shalt  }
0x62: {  	_ =	shalt  }
0x63: {  	_ =	shalt  }
0x64: {  	_ =	shalt  }
0x65: {  	_ =	shalt  }
0x66: {  	_ =	shalt  }
0x67: {  	_ =	shalt  }
0x68: {  	_ =	shalt  }
0x69: {  	_ =	shalt  }
0x6a: {  	_ =	shalt  }
0x6b: {  	_ =	shalt  }
0x6c: {  	_ =	shalt  }
0x6d: {  	_ =	shalt  }
0x6e: {  	_ =	shalt  }
0x6f: {  	_ =	shalt  }
0x70: {  	_ =	shalt  }
0x71: {  	_ =	shalt  }
0x72: {  	_ =	shalt  }
0x73: {  	_ =	shalt  }
0x74: {  	_ =	shalt  }
0x75: {  	_ =	shalt  }
0x76: {  	_ =	shalt  }
0x77: {  	_ =	shalt  }
0x78: {  	_ =	shalt  }
0x79: {  	_ =	shalt  }
0x7a: {  	_ =	shalt  }
0x7b: {  	_ =	shalt  }
0x7c: {  	_ =	shalt  }
0x7d: {  	_ =	shalt  }
0x7e: {  	_ =	shalt  }
0x7f: {  	_ =	shalt  }
0x80: {  	_ =	shalt  }
0x81: {  	_ =	shalt  }
0x82: {  	_ =	shalt  }
0x83: {  	_ =	shalt  }
0x84: {  	_ =	shalt  }
0x85: {  	_ =	shalt  }
0x86: {  	_ =	shalt  }
0x87: {  	_ =	shalt  }
.Lfunc_end0:
.L_simem_size_0:
called_computation_lowered:
.L_overlay_start_0:
0x88: {  	s2 =	sld [smem:$0x3FD9]  }
0x89: {  	s3 =	sld [smem:$0x3FFE];
	_ =	sdelay $0x1  }
0x8a: {  	s1 =	srdreg.scid  }
0x8b: {  	s0 =	sand.u32 $0x1, s1  }
0x8c: {  	s17 =	sshll.u32 s0, $0xA;
	s2 =	sadd.s32 s3, s2  }
0x8d: {  	s2 =	sadd.s32 s2, s17  }
0x8e: {  	[smem:$0x3FC4] =	sst s2  }
0x8f: {  	_ = 	snop  }
0x90: {  	s2 =	sld [smem:$0x3FC9];
	(tm) =	ssettm $0x1  }
0x91: {  	s18 =	sld [smem:$0x3FFB];
	_ =	sdelay $0x3  }
0x92: {  	_ =	strace s18  }
0x93: {  	s3 =	sld [smem:$0x3FFC];
	_ =	sdelay $0x3  }
0x94: {  	_ =	strace s3  }
0x95: {  	s3 =	sld [smem:$0x3FFD];
	_ =	sdelay $0x3  }
0x96: {  	_ =	strace s3  }
0x97: {  	_ =	strace $0x8FFFFFFF  }
0x98: {  	s19 =	sld [smem:$0x3FDB];
	_ =	sdelay $0x1  }
0x99: {  	s4 =	simm.s32 $_scs_section_size  }
0x9a: {  	s5 =	simm.s32 $_size__tile_overlayer_lowered;
	s6 =	simm.s32 $_tile_overlayer_lowered  }
0x9b: {  	s22 =	simm.s32 $0x1BFF;
	s21 =	sshll.u32 s6, $0x1;
	s3 =	sadd.s32 s4, s19  }
0x9c: {  	s7 =	simm.s32 $0x0;
	s20 =	sshll.u32 s5, $0x1;
	s5 =	sadd.s32 s21, s3  }
0x9d: {  	[timem:s7], [sflag:s22] =	dma.local [hbm:s5], s20  }
0x9e: {  	_ =	swait.ge [sflag:s22], s20  }
0x9f: {  	s4 =	ssub.s32 $0x0, s20;
	[sflag:s22] =	ssyncset.done $0x0  }
0xa0: {  	[sflag:s22] =	ssyncadd.s32 s4;
	_ =	sdelay $0x1  }
0xa1: {  	s23 =	simm.s32 $0x1B8B  }
0xa2: {  	_ =	swait.ge [sflag:s23], $0x1  }
0xa3: {  	[sflag:s23] =	ssyncset.done $0x0  }
0xa4: {  	s25 =	simm.s32 $0x1B8E;
	s24 =	sld [smem:$0x3FFE];
	[sflag:s23] =	ssyncadd.s32 $0xFFFFFFFF  }
0xa5: {  	s26 =	simm.s32 $execute0_lowered;
	[smem:$0x3FD2] =	sst s25  }
0xa6: {  	s5 =	sshll.u32 s26, $0x1;
	_ =	strace $0x80000046;
	[dreg:$0x1] =	wrdreg $0xFFFFFFFF  }
0xa7: {  	s28 =	simm.s32 $_size_execute0_lowered;
	s3 =	sadd.s32 s3, s5;
	[dreg:$0x0] =	wrdreg $0x0  }
0xa8: {  	s5 =	sshll.u32 s28, $0x1;
	[dreg:$0x2] =	wrdreg s3  }
0xa9: {  	[dreg:$0x3] =	wrdreg s5  }
0xaa: {  	[dreg:$0x4] =	wrdreg $0xC0  }
0xab: {  	_ =	task [dreg:s7], $0x5FFFF  }
0xac: {  	[dreg:$0x1] =	wrdreg $0xFFFFFFFF  }
0xad: {  	[dreg:$0x0] =	wrdreg $0x60  }
0xae: {  	[dreg:$0x2] =	wrdreg s2  }
0xaf: {  	[dreg:$0x3] =	wrdreg s24  }
0xb0: {  	[dreg:$0x4] =	wrdreg $0x9  }
0xb1: {  	_ =	task.clear_ibuf [dreg:s7], $0x5FFFF;
	_ =	strace $0x90000046  }
0xb2: {  	s29 =	simm.s32 $0x9;
	_ =	strace $0x80000048  }
0xb3: {  	_ =	swait.ge [sflag:s29], $0x1  }
0xb4: {  	[sflag:s29] =	ssyncadd.s32 $0xFFFFFFFF  }
0xb5: {  	_ =	strace $0x90000048  }
0xb6: {  	_ =	sfence  }
0xb7: {  	s30 =	sld [smem:$0x0];
	_ =	sdelay $0x2  }
0xb8: {  	s31 =	sshll.u32 s1, $0xD;
	s1 =	sshrl.u32 s1, $0x2  }
0xb9: {  	s3 =	sand.u32 $0x4000, s31;
	s1 =	sadd.s32 s1, s30  }
0xba: {  	s0 =	sor.u32 s3, s0;
	s1 =	sshll.u32 s1, $0x11  }
0xbb: {  	s0 =	sor.u32 s1, s0  }
0xbc: {  	s0 =	sadd.s32 $0x8F2B, s0  }
0xbd: {  	[sflag:s0] =	ssyncadd.remote.s32 $0x1  }
0xbe: {  	_ =	sfence.sel $0xFFFF  }
0xbf: {  	[dreg:$0x0] =	wrdreg $0xFFFFFFFF;
	(pc) =	sbr.abs _section_cstart, $3  }
0xc0: {  	[dreg:$0x1] =	wrdreg $0xFFFFFFFF  }
0xc1: {  	_ =	task.clear_ibuf [dreg:s7], $0x2FFFF;
	_ =	strace $0x9FFFFFFF  }
0xc2: {  	(tm) =	ssettm $0x7FFFFFFF  }
0xc3: {  	_ =	shalt  }
tec
execute0_lowered:
.L_overlay_start_1:
0x0: {  	(tag) =	ssettag $0x1  }
0x1: {  	s0 =	srdreg.scid;
	s3 =	rddreg [dreg:$0x0]  }
0x2: {  	s4 =	stileid.u32;
	s18 =	rddreg [dreg:$0x1]  }
0x3: {  	s2 =	simm.s32 $0x1;
	s12 =	simm.s32 $0x0;
	s6 =	simm.s32 $0x1  }
0x4: {  	s17 =	simm.s32 $0x19000;
	s28 =	simm.s32 $0x1000;
	s1 =	sand.u32 $0x1, s0  }
0x5: {  	s29 =	simm.s32 $0x2;
	s30 =	simm.s32 $0x4;
	s0 =	sor.u32 s1, s4  }
0x6: {  	s31 =	simm.s32 $0x6;
	p0 =	seq.s32 s1, $0x1;
	p1 =	seq.s32 s0, $0x0  }
0x7: {  	[smem:$0x7FF] =	sst s12;
	s5 =	sadd.s32 $0x3000, s18;
	p1 =	por !p1, !p0  }
0x8: {  	s13 =	sadd.s32 $0x8, s3;
	s10 =	ssub.s32 $0x2, s1;
	p1 =	por !p1, !p1  }
0x9: {  	_ =	strace $0x80000047;
	s11 =	sshrl.u32 s10, $0x1;
	s2 =	simm.s32 @!p1 $0x0  }
0xa: {  	s8 =	sshll.u32 s1, $0xB;
	s20 =	ssub.s32 s10, s11;
	s2 =	ssub.s32 s4, s2  }
0xb: {  	p0 =	por !p0, !p0;
	s26 =	smax.u32 s20, $0x1;
	s7 =	sshll.u32 s2, $0xC  }
0xc: {  	s20 =	simm.s32 $0x5;
	[dreg:$0x8] =	wrdreg s26;
	s9 =	sor.u32 s8, s7  }
0xd: {  	s7 =	sshll.u32 s2, $0x14;
	s8 =	sshll.u32 s1, $0xE;
	s19 =	sshrl.u32 s9, $0x3  }
0xe: {  	s26 =	simm.s32 $0x15000;
	s9 =	sor.u32 s8, s7;
	s0 =	sadd.s32 s19, s18  }
0xf: {  	s2 =	simm.s32 $0x5000;
	s21 =	sshrl.u32 s9, $0x3;
	s22 =	sadd.s32 $0x43000, s0  }
0x10: {  	s19 =	simm.s32 $0x3;
	s23 =	sadd.s32 $0x1000, s0;
	[dreg:$0x3] =	wrdreg s22  }
.Ltmp0:
0x11: {  	s24 =	sadd.s32 s3, s21;
	[dreg:$0x4] =	wrdreg s23;
	(pc) =	sbr.rel .LBB2_1-.Ltmp0, $4  }
0x12: {  	v0 =	vlaneseq.u32;
	s18 =	simm.s32 $0x0;
	s25 =	sadd.s32 $0x47000, s0;
	[dreg:$0x5] =	wrdreg s24  }
0x13: {  	v1 =	vmul.u32 $0x100, v0;
	s0 =	sadd.s32 $0x45000, s0;
	s21 =	simm.s32 $0x40;
	[dreg:$0x6] =	wrdreg s25  }
0x14: {  	[dreg:$0x7] =	wrdreg s0;
	s22 =	simm.s32 $0x9000;
	s23 =	simm.s32 $0x11000  }
0x15: {  	v2 =	vor.u32 $0x10, v0;
	v4 =	vor.u32 $0x20, v0;
	v3 =	vor.u32 $0x1000, v1;
	s24 =	simm.s32 $0x80;
	s25 =	simm.s32 $0xD000;
	s0 =	simm.s32 $0x7  }
.LBB2_32:
0x16: {  	_ =	swait.ge [sflag:s6], $0x4000  }
0x17: {  	[sflag:s6] =	ssyncset.done $0x0  }
0x18: {  	[sflag:s6] =	ssyncadd.s32 $0xFFFFC000  }
0x19: {  	_ =	swait.ge [sflag:s19], $0x4000  }
0x1a: {  	[sflag:s19] =	ssyncset.done $0x0  }
0x1b: {  	[sflag:s19] =	ssyncadd.s32 $0xFFFFC000  }
0x1c: {  	_ =	swait.ge [sflag:s20], $0x4000  }
0x1d: {  	s12 =	simm.s32 $0x0;
	[sflag:s20] =	ssyncset.done $0x0  }
0x1e: {  	s10 =	simm.s32 $0x19100;
	s4 =	rddreg [dreg:$0x6];
	[sflag:s20] =	ssyncadd.s32 $0xFFFFC000  }
0x1f: {  	[hbm4b:s4+s12] =	stream.linear.scatter [tilespmem:s10], [sflag:$0x7], $0x800, $0x38;
	[tilespmem:$0x1A100] =	vst v63  }
0x20: {  	_ =	swait.ge [sflag:s0], $0x800  }
0x21: {  	[sflag:s0] =	ssyncset.done $0x0  }
0x22: {  	s15 =	simm.s32 $0x19900;
	s14 =	rddreg [dreg:$0x7];
	[sflag:s0] =	ssyncadd.s32 $0xFFFFF800  }
0x23: {  	[hbm4b:s14+s12] =	stream.linear.scatter [tilespmem:s15], [sflag:$0x7], $0x800, $0x38;
	[tilespmem:$0x1A100] =	vst v63  }
0x24: {  	_ =	swait.ge [sflag:s0], $0x800  }
0x25: {  	s18 =	sadd.s32 $0x1, s18;
	s16 =	rddreg [dreg:$0x8]  }
0x26: {  	p1 =	sne.s32 s18, s16  }
.Ltmp1:
0x27: {  	_ = 	snop;
	(pc) =	sbr.rel @!p1 .LBB2_33-.Ltmp1, $3  }
0x28: {  	_ =	sdelay $0x1  }
0x29: {  	[sflag:s0] =	ssyncset.done $0x0  }
0x2a: {  	[sflag:s0] =	ssyncadd.s32 $0xFFFFF800  }
.LBB2_1:
0x2b: {  	[tilespmem:s17], [sflag:$0x1] =	stream.linear.gather [hbm4b:s5+s12], $0x100, $0x38;
	[tilespmem:$0x1A100] =	vst v63  }
0x2c: {  	s4 =	rddreg [dreg:$0x3]  }
0x2d: {  	[tilespmem:s12], [sflag:$0x3] =	stream.linear.gather [hbm4b:s4+s12], $0x800, $0x38;
	[tilespmem:$0x1A100] =	vst v63  }
0x2e: {  	s15 =	rddreg [dreg:$0x4];
	s10 =	simm.s32 $0x800  }
0x2f: {  	[tilespmem:s10], [sflag:$0x5] =	stream.linear.gather [hbm4b:s15+s12], $0x800, $0x38;
	[tilespmem:$0x1A100] =	vst v63  }
0x30: {  	_ =	swait.ge [sflag:s6], $0x100  }
0x31: {  	[sflag:s6] =	ssyncset.done $0x0  }
0x32: {  	[sflag:s6] =	ssyncadd.s32 $0xFFFFFF00  }
0x33: {  	_ =	swait.ge [sflag:s19], $0x800  }
0x34: {  	[sflag:s19] =	ssyncset.done $0x0  }
0x35: {  	[sflag:s19] =	ssyncadd.s32 $0xFFFFF800  }
0x36: {  	_ =	swait.ge [sflag:s20], $0x800  }
0x37: {  	[sflag:s20] =	ssyncset.done $0x0  }
0x38: {  	[sflag:s20] =	ssyncadd.s32 $0xFFFFF800  }
0x39: {  	[tilespmem:s22], [sflag:$0x1] =	stream.indirect.gather [hbm4b:s5+s21], $0x100, s12, s21, $0xb8;
	[tilespmem:$0x1A100] =	vst v63  }
0x3a: {  	_ = 	snop  }
0x3b: {  	[tilespmem:s23], [sflag:$0x3] =	stream.indirect.gather [hbm4b:s5+s21], $0x100, s10, s21, $0xb8;
	[tilespmem:$0x1A100] =	vst v63  }
0x3c: {  	s16 =	simm.s32 $0x1000;
	s14 =	rddreg [dreg:$0x5];
	s10 =	simm.s32 $0x800  }
0x3d: {  	[tilespmem:s16], [sflag:$0x5] =	stream.strided.gather [hbm4b:s14+s21], $0x200, s24, s21, $0x38;
	[tilespmem:$0x1A100] =	vst v63  }
.LBB2_2:
0x3e: {  	p1 =	sne.s32 s10, $0xF800  }
.Ltmp2:
0x3f: {  	_ = 	snop;
	(pc) =	sbr.rel @p1 .LBB2_2-.Ltmp2, $4  }
0x40: {  	_ = 	snop  }
0x41: {  	s11 =	sshra.s32 s10, $0x2;
	s10 =	sadd.s32 $0x800, s10  }
0x42: {  	s14 =	sadd.s32 $0x1000, s14;
	s15 =	sadd.s32 $0x1000, s11;
	s11 =	simm.s32 $0x0  }
0x43: {  	[tilespmem:s15], [sflag:$0x5] =	stream.strided.gather [hbm4b:s14+s21], $0x200, s24, s21, $0x38;
	[tilespmem:$0x1A100] =	vst v63  }
.LBB2_3:
0x44: {  	s10 =	sshll.u32 s11, $0x7  }
0x45: {  	s14 =	sor.u32 $0x40, s10  }
0x46: {  	[tilespmem:s25], [sflag:$0x2] =	stream.indirect.gather [hbm4b:s5+s21], $0x100, s14, s21, $0xb8;
	[tilespmem:$0x1A100] =	vst v63  }
0x47: {  	s16 =	sshll.u32 s11, $0xA;
	s15 =	sadd.s32 $0x840, s10  }
0x48: {  	[tilespmem:s26], [sflag:$0x4] =	stream.indirect.gather [hbm4b:s5+s21], $0x100, s15, s21, $0xb8;
	[tilespmem:$0x1A100] =	vst v63  }
0x49: {  	s15 =	sadd.s32 s9, s16  }
0x4a: {  	s15 =	sshrl.u32 s15, $0x3  }
0x4b: {  	s16 =	simm.s32 $0x5000;
	s15 =	sadd.s32 s15, s13  }
0x4c: {  	[tilespmem:s16], [sflag:$0x6] =	stream.strided.gather [hbm4b:s15+s21], $0x200, s24, s21, $0x38;
	[tilespmem:$0x1A100] =	vst v63  }
0x4d: {  	s16 =	simm.s32 $0x800  }
.LBB2_4:
0x4e: {  	p1 =	sne.s32 s16, $0xF800  }
.Ltmp3:
0x4f: {  	_ = 	snop;
	(pc) =	sbr.rel @p1 .LBB2_4-.Ltmp3, $4  }
0x50: {  	_ = 	snop  }
0x51: {  	s12 =	sshra.s32 s16, $0x2;
	s16 =	sadd.s32 $0x800, s16  }
0x52: {  	s15 =	sadd.s32 $0x1000, s15;
	s12 =	sadd.s32 $0x5000, s12  }
0x53: {  	[tilespmem:s12], [sflag:$0x6] =	stream.strided.gather [hbm4b:s15+s21], $0x200, s24, s21, $0x38;
	[tilespmem:$0x1A100] =	vst v63  }
0x54: {  	_ =	swait.ge [sflag:s6], $0x4000  }
0x55: {  	s12 =	simm.s32 $0x0;
	[sflag:s6] =	ssyncset.done $0x0  }
0x56: {  	v5 =	vadd.s32 s12, v0;
	[sflag:s6] =	ssyncadd.s32 $0xFFFFC000  }
0x57: {  	v6 =	vand.u32 $0xFF, v5;
	_ =	swait.ge [sflag:s19], $0x4000  }
0x58: {  	s4 =	simm.s32 $0x3;
	v5 =	vshll.u32 v5, $0x6;
	v6 =	vor.u32 v1, v6;
	[sflag:s19] =	ssyncset.done $0x0  }
0x59: {  	v7 =	vadd.s32 s4, v0;
	v5 =	vand.u32 $0x3FC0, v5;
	[sflag:s19] =	ssyncadd.s32 $0xFFFFC000  }
0x5a: {  	v8 =	vand.u32 $0xFF, v7;
	v5 =	vor.u32 v0, v5;
	_ =	swait.ge [sflag:s20], $0x4000  }
0x5b: {  	v7 =	vshll.u32 v7, $0x6;
	v8 =	vor.u32 v1, v8;
	[sflag:s20] =	ssyncset.done $0x0  }
0x5c: {  	s15 =	simm.s32 $0x2;
	v7 =	vand.u32 $0x3FC0, v7;
	[sflag:s20] =	ssyncadd.s32 $0xFFFFC000  }
0x5d: {  	v9 =	vadd.s32 s15, v0;
	v7 =	vor.u32 v0, v7;
	v10 =	vld.idx.msk [tilespmem:v6+s22+$0x0], $0xffff  }
0x5e: {  	v11 =	vand.u32 $0xFF, v9;
	v9 =	vshll.u32 v9, $0x6;
	v6 =	vld.idx.msk [tilespmem:v6+s23+$0x0], $0xffff  }
0x5f: {  	v11 =	vor.u32 v1, v11;
	v9 =	vand.u32 $0x3FC0, v9;
	v12 =	vld.idx.msk [tilespmem:v5+s28+$0x0], $0xffff  }
0x60: {  	s16 =	simm.s32 $0x1;
	s4 =	simm.s32 $0x4;
	v9 =	vor.u32 v0, v9;
	v13 =	vld.idx.msk [tilespmem:v8+s22+$0x0], $0xffff  }
0x61: {  	v5 =	vadd.s32 s16, v0;
	v16 =	vld.idx.msk [tilespmem:v8+s23+$0x0], $0xffff;
	v8 =	vadd.s32 s4, v0  }
0x62: {  	v7 =	vld.idx.msk [tilespmem:v7+s28+$0x0], $0xffff;
	v14 =	vshll.u32 v5, $0x6;
	v5 =	vand.u32 $0xFF, v5;
	v18 =	vand.u32 $0xFF, v8  }
0x63: {  	s15 =	simm.s32 $0x7;
	v8 =	vshll.u32 v8, $0x6;
	v14 =	vand.u32 $0x3FC0, v14;
	v15 =	vor.u32 v1, v5  }
0x64: {  	v17 =	vld.idx.msk [tilespmem:v11+s22+$0x0], $0xffff;
	v20 =	vor.u32 v1, v18;
	v18 =	vadd.s32 s15, v0;
	v14 =	vor.u32 v0, v14  }
0x65: {  	v10 =	vsub.f32 v12, v10;
	v6 =	vsub.f32 v12, v6;
	v12 =	vld.idx.msk [tilespmem:v9+s28+$0x0], $0xffff;
	v9 =	vand.u32 $0x3FC0, v8  }
0x66: {  	v11 =	vld.idx.msk [tilespmem:v11+s23+$0x0], $0xffff;
	v5 =	vimm.f32 $0.0e+00;
	v19 =	vshll.u32 v18, $0x6;
	v26 =	vor.u32 v0, v9  }
0x67: {  	v9 =	vsub.f32 v7, v13;
	v7 =	vsub.f32 v7, v16;
	v13 =	vand.u32 $0x3FC0, v19  }
0x68: {  	s16 =	simm.s32 $0x6;
	v16 =	vand.u32 $0xFF, v18;
	v8 =	vmul.f32 v10, v10;
	v10 =	vld.idx.msk [tilespmem:v15+s23+$0x0], $0xffff;
	v6 =	vmul.f32 v6, v6  }
0x69: {  	v18 =	vor.u32 v0, v13;
	v21 =	vor.u32 v1, v16;
	v13 =	vadd.s32 s16, v0;
	v14 =	vld.idx.msk [tilespmem:v14+s28+$0x0], $0xffff  }
0x6a: {  	v25 =	vld.idx.msk [tilespmem:v15+s22+$0x0], $0xffff;
	v7 =	vmul.f32 v7, v7;
	v6 =	vadd.f32 v6, v5;
	v17 =	vsub.f32 v12, v17  }
0x6b: {  	v11 =	vsub.f32 v12, v11;
	v12 =	vshll.u32 v13, $0x6;
	v13 =	vand.u32 $0xFF, v13  }
0x6c: {  	v7 =	vadd.f32 v7, v5;
	v12 =	vand.u32 $0x3FC0, v12;
	v22 =	vor.u32 v1, v13  }
0x6d: {  	v15 =	vld.idx.msk [tilespmem:v20+s22+$0x0], $0xffff;
	v13 =	vimm.f32 $0.0e+00;
	v23 =	vmul.f32 v11, v11;
	v19 =	vor.u32 v0, v12  }
0x6e: {  	v16 =	vld.idx.msk [tilespmem:v20+s23+$0x0], $0xffff;
	v12 =	vimm.f32 $0.0e+00;
	v11 =	vimm.f32 $0.0e+00;
	v24 =	vsub.f32 v14, v10  }
0x6f: {  	s15 =	simm.s32 $0x8;
	s16 =	simm.s32 $0x5;
	v20 =	vld.idx.msk [tilespmem:v26+s28+$0x0], $0xffff;
	v25 =	vsub.f32 v14, v25;
	v14 =	vimm.f32 $0.0e+00;
	v10 =	vimm.f32 $0.0e+00  }
.LBB2_6:
0x70: {  	p1 =	sne.s32 s15, $0xFC;
	v26 =	vadd.s32 s16, v0;
	v27 =	vld.idx.msk [tilespmem:v21+s22+$0x0], $0xffff;
	v24 =	vmul.f32 v24, v24;
	v5 =	vadd.f32 v23, v5  }
0x71: {  	v23 =	vshll.u32 v26, $0x6;
	v26 =	vand.u32 $0xFF, v26;
	v25 =	vmul.f32 v25, v25  }
0x72: {  	v23 =	vand.u32 $0x3FC0, v23;
	v26 =	vor.u32 v1, v26;
	v21 =	vld.idx.msk [tilespmem:v21+s23+$0x0], $0xffff;
	v12 =	vadd.f32 v24, v12  }
0x73: {  	v17 =	vmul.f32 v17, v17;
	v23 =	vor.u32 v0, v23;
	v18 =	vld.idx.msk [tilespmem:v18+s28+$0x0], $0xffff;
	v13 =	vadd.f32 v25, v13  }
0x74: {  	v14 =	vadd.f32 v8, v14;
	v8 =	vmul.f32 v9, v9;
	v24 =	vadd.s32 s15, v0;
	v25 =	vld.idx.msk [tilespmem:v22+s22+$0x0], $0xffff  }
0x75: {  	v10 =	vadd.f32 v17, v10;
	v9 =	vand.u32 $0xFF, v24;
	v15 =	vsub.f32 v20, v15;
	v22 =	vld.idx.msk [tilespmem:v22+s23+$0x0], $0xffff  }
0x76: {  	v11 =	vadd.f32 v8, v11;
	v17 =	vshll.u32 v24, $0x6;
	v16 =	vsub.f32 v20, v16;
	v19 =	vld.idx.msk [tilespmem:v19+s28+$0x0], $0xffff  }
0x77: {  	s12 =	sadd.s32 $0x3, s15;
	v17 =	vand.u32 $0x3FC0, v17;
	v20 =	vor.u32 v1, v9;
	v8 =	vmul.f32 v15, v15;
	v24 =	vld.idx.msk [tilespmem:v26+s23+$0x0], $0xffff  }
0x78: {  	v28 =	vor.u32 v0, v17;
	v15 =	vadd.s32 s12, v0;
	v16 =	vmul.f32 v16, v16;
	v29 =	vld.idx.msk [tilespmem:v23+s28+$0x0], $0xffff  }
0x79: {  	v17 =	vshll.u32 v15, $0x6;
	v9 =	vsub.f32 v18, v27;
	v23 =	vsub.f32 v18, v21;
	v26 =	vld.idx.msk [tilespmem:v26+s22+$0x0], $0xffff  }
0x7a: {  	v15 =	vand.u32 $0xFF, v15;
	v17 =	vand.u32 $0x3FC0, v17;
	v6 =	vadd.f32 v16, v6  }
.Ltmp4:
0x7b: {  	s12 =	sadd.s32 $0x2, s15;
	v21 =	vor.u32 v1, v15;
	v18 =	vor.u32 v0, v17;
	v16 =	vmul.f32 v23, v23;
	(pc) =	sbr.rel @p1 .LBB2_6-.Ltmp4, $4  }
0x7c: {  	v23 =	vadd.s32 s12, v0;
	v17 =	vsub.f32 v19, v25;
	v19 =	vsub.f32 v19, v22;
	v15 =	vld.idx.msk [tilespmem:v20+s22+$0x0], $0xffff  }
0x7d: {  	v22 =	vshll.u32 v23, $0x6;
	v25 =	vand.u32 $0xFF, v23;
	v7 =	vadd.f32 v16, v7  }
0x7e: {  	v22 =	vand.u32 $0x3FC0, v22;
	v24 =	vsub.f32 v29, v24;
	v23 =	vmul.f32 v19, v19;
	v16 =	vld.idx.msk [tilespmem:v20+s23+$0x0], $0xffff  }
0x7f: {  	s16 =	sadd.s32 $0x1, s15;
	s15 =	sadd.s32 $0x4, s15;
	v19 =	vor.u32 v0, v22;
	v22 =	vor.u32 v1, v25;
	v25 =	vsub.f32 v29, v26;
	v20 =	vld.idx.msk [tilespmem:v28+s28+$0x0], $0xffff  }
0x80: {  	_ = 	snop  }
0x81: {  	v26 =	vadd.s32 s16, v0  }
0x82: {  	v27 =	vshll.u32 v26, $0x6;
	v26 =	vand.u32 $0xFF, v26  }
0x83: {  	v27 =	vand.u32 $0x3FC0, v27;
	v26 =	vor.u32 v1, v26  }
0x84: {  	v28 =	vld.idx.msk [tilespmem:v21+s22+$0x0], $0xffff;
	v27 =	vor.u32 v0, v27  }
0x85: {  	v21 =	vld.idx.msk [tilespmem:v21+s23+$0x0], $0xffff  }
0x86: {  	v18 =	vld.idx.msk [tilespmem:v18+s28+$0x0], $0xffff  }
0x87: {  	v29 =	vld.idx.msk [tilespmem:v22+s22+$0x0], $0xffff  }
0x88: {  	v24 =	vmul.f32 v24, v24;
	v5 =	vadd.f32 v23, v5;
	v23 =	vld.idx.msk [tilespmem:v26+s22+$0x0], $0xffff  }
0x89: {  	v17 =	vmul.f32 v17, v17;
	v27 =	vld.idx.msk [tilespmem:v27+s28+$0x0], $0xffff  }
0x8a: {  	v9 =	vmul.f32 v9, v9;
	v12 =	vadd.f32 v24, v12;
	v24 =	vld.idx.msk [tilespmem:v26+s23+$0x0], $0xffff  }
0x8b: {  	v8 =	vadd.f32 v8, v14;
	v14 =	vld.idx.msk [tilespmem:v19+s28+$0x0], $0xffff;
	v25 =	vmul.f32 v25, v25;
	v10 =	vadd.f32 v17, v10  }
0x8c: {  	v19 =	vld.idx.msk [tilespmem:v22+s23+$0x0], $0xffff;
	v9 =	vadd.f32 v9, v11;
	v16 =	vsub.f32 v20, v16  }
0x8d: {  	v13 =	vadd.f32 v25, v13;
	v15 =	vsub.f32 v20, v15  }
0x8e: {  	v11 =	vmul.f32 v16, v16;
	v16 =	vsub.f32 v18, v28;
	v17 =	vsub.f32 v27, v23  }
0x8f: {  	v15 =	vmul.f32 v15, v15;
	v18 =	vsub.f32 v18, v21;
	v20 =	vsub.f32 v27, v24  }
0x90: {  	v6 =	vadd.f32 v11, v6;
	v11 =	vsub.f32 v14, v29;
	v17 =	vmul.f32 v17, v17  }
0x91: {  	v18 =	vmul.f32 v18, v18;
	v14 =	vsub.f32 v14, v19;
	v19 =	vmul.f32 v20, v20  }
0x92: {  	v8 =	vadd.f32 v15, v8;
	v11 =	vmul.f32 v11, v11;
	v13 =	vadd.f32 v17, v13  }
0x93: {  	v7 =	vadd.f32 v18, v7;
	v14 =	vmul.f32 v14, v14;
	v12 =	vadd.f32 v19, v12  }
0x94: {  	s12 =	simm.s32 $0x0;
	v15 =	vmul.f32 v16, v16;
	v10 =	vadd.f32 v11, v10;
	v8 =	vadd.f32 v13, v8  }
0x95: {  	v5 =	vadd.f32 v14, v5;
	v11 =	vadd.s32 s12, v0;
	v6 =	vadd.f32 v12, v6  }
0x96: {  	v9 =	vadd.f32 v15, v9;
	v8 =	vadd.f32 v10, v8;
	v10 =	vand.u32 $0xFF, v11  }
0x97: {  	s4 =	simm.s32 $0x3;
	v5 =	vadd.f32 v5, v6;
	v6 =	vshll.u32 v11, $0x6;
	v10 =	vor.u32 v3, v10  }
0x98: {  	v6 =	vand.u32 $0x3FC0, v6;
	v8 =	vadd.f32 v9, v8;
	v9 =	vadd.s32 s4, v0  }
0x99: {  	v5 =	vadd.f32 v7, v5;
	v6 =	vor.u32 v2, v6;
	v7 =	vand.u32 $0xFF, v9  }
0x9a: {  	s15 =	simm.s32 $0x2;
	[tilespmem:s10+$0x19100] =	vst v8;
	v8 =	vshll.u32 v9, $0x6;
	v7 =	vor.u32 v3, v7  }
0x9b: {  	[tilespmem:s10+$0x19900] =	vst v5;
	v5 =	vand.u32 $0x3FC0, v8;
	v8 =	vadd.s32 s15, v0  }
0x9c: {  	v5 =	vor.u32 v2, v5;
	v9 =	vld.idx.msk [tilespmem:v10+s22+$0x0], $0xffff;
	v11 =	vand.u32 $0xFF, v8  }
0x9d: {  	s16 =	simm.s32 $0x1;
	v8 =	vshll.u32 v8, $0x6;
	v10 =	vld.idx.msk [tilespmem:v10+s23+$0x0], $0xffff;
	v11 =	vor.u32 v3, v11  }
0x9e: {  	v8 =	vand.u32 $0x3FC0, v8;
	v12 =	vld.idx.msk [tilespmem:v6+s28+$0x0], $0xffff;
	v6 =	vadd.s32 s16, v0  }
0x9f: {  	s4 =	simm.s32 $0x4;
	v8 =	vor.u32 v2, v8;
	v14 =	vshll.u32 v6, $0x6;
	v6 =	vand.u32 $0xFF, v6;
	v13 =	vld.idx.msk [tilespmem:v7+s22+$0x0], $0xffff  }
0xa0: {  	v16 =	vadd.s32 s4, v0;
	v14 =	vand.u32 $0x3FC0, v14;
	v15 =	vor.u32 v3, v6;
	v7 =	vld.idx.msk [tilespmem:v7+s23+$0x0], $0xffff  }
0xa1: {  	v18 =	vand.u32 $0xFF, v16;
	v16 =	vshll.u32 v16, $0x6;
	v14 =	vor.u32 v2, v14;
	v5 =	vld.idx.msk [tilespmem:v5+s28+$0x0], $0xffff  }
0xa2: {  	v16 =	vand.u32 $0x3FC0, v16;
	v19 =	vor.u32 v3, v18;
	s15 =	simm.s32 $0x7;
	v17 =	vld.idx.msk [tilespmem:v11+s22+$0x0], $0xffff  }
0xa3: {  	v26 =	vor.u32 v2, v16;
	v16 =	vadd.s32 s15, v0;
	v11 =	vld.idx.msk [tilespmem:v11+s23+$0x0], $0xffff;
	v10 =	vsub.f32 v12, v10  }
0xa4: {  	v18 =	vshll.u32 v16, $0x6;
	v16 =	vand.u32 $0xFF, v16;
	v9 =	vsub.f32 v12, v9;
	v12 =	vld.idx.msk [tilespmem:v8+s28+$0x0], $0xffff  }
0xa5: {  	v20 =	vor.u32 v3, v16;
	v6 =	vimm.f32 $0.0e+00;
	v21 =	vld.idx.msk [tilespmem:v15+s23+$0x0], $0xffff;
	v10 =	vmul.f32 v10, v10  }
0xa6: {  	s16 =	simm.s32 $0x6;
	v8 =	vmul.f32 v9, v9;
	v14 =	vld.idx.msk [tilespmem:v14+s28+$0x0], $0xffff;
	v9 =	vsub.f32 v5, v13;
	v5 =	vsub.f32 v5, v7  }
0xa7: {  	v25 =	vld.idx.msk [tilespmem:v15+s22+$0x0], $0xffff;
	v13 =	vand.u32 $0x3FC0, v18;
	v7 =	vadd.f32 v10, v6;
	v10 =	vadd.s32 s16, v0  }
0xa8: {  	v18 =	vor.u32 v2, v13;
	v13 =	vimm.f32 $0.0e+00;
	v5 =	vmul.f32 v5, v5  }
0xa9: {  	v17 =	vsub.f32 v12, v17;
	v11 =	vsub.f32 v12, v11;
	v12 =	vshll.u32 v10, $0x6  }
0xaa: {  	v10 =	vand.u32 $0xFF, v10;
	v12 =	vand.u32 $0x3FC0, v12;
	v5 =	vadd.f32 v5, v6  }
0xab: {  	v16 =	vld.idx.msk [tilespmem:v19+s23+$0x0], $0xffff;
	v24 =	vsub.f32 v14, v21;
	v23 =	vmul.f32 v11, v11;
	v22 =	vor.u32 v2, v12  }
0xac: {  	v15 =	vld.idx.msk [tilespmem:v19+s22+$0x0], $0xffff;
	v21 =	vor.u32 v3, v10;
	v25 =	vsub.f32 v14, v25;
	v12 =	vimm.f32 $0.0e+00  }
0xad: {  	s15 =	simm.s32 $0x8;
	v19 =	vld.idx.msk [tilespmem:v26+s28+$0x0], $0xffff;
	s16 =	simm.s32 $0x5;
	v14 =	vimm.f32 $0.0e+00;
	v11 =	vimm.f32 $0.0e+00;
	v10 =	vimm.f32 $0.0e+00  }
.LBB2_8:
0xae: {  	p1 =	sne.s32 s15, $0xFC;
	v26 =	vadd.s32 s16, v0;
	v27 =	vld.idx.msk [tilespmem:v20+s22+$0x0], $0xffff;
	v24 =	vmul.f32 v24, v24;
	v6 =	vadd.f32 v23, v6  }
0xaf: {  	v23 =	vshll.u32 v26, $0x6;
	v26 =	vand.u32 $0xFF, v26;
	v25 =	vmul.f32 v25, v25  }
0xb0: {  	v23 =	vand.u32 $0x3FC0, v23;
	v26 =	vor.u32 v3, v26;
	v20 =	vld.idx.msk [tilespmem:v20+s23+$0x0], $0xffff;
	v12 =	vadd.f32 v24, v12  }
0xb1: {  	v17 =	vmul.f32 v17, v17;
	v23 =	vor.u32 v2, v23;
	v18 =	vld.idx.msk [tilespmem:v18+s28+$0x0], $0xffff;
	v13 =	vadd.f32 v25, v13  }
0xb2: {  	v14 =	vadd.f32 v8, v14;
	v8 =	vmul.f32 v9, v9;
	v24 =	vadd.s32 s15, v0;
	v25 =	vld.idx.msk [tilespmem:v21+s22+$0x0], $0xffff  }
0xb3: {  	v11 =	vadd.f32 v17, v11;
	v9 =	vand.u32 $0xFF, v24;
	v15 =	vsub.f32 v19, v15;
	v21 =	vld.idx.msk [tilespmem:v21+s23+$0x0], $0xffff  }
0xb4: {  	v10 =	vadd.f32 v8, v10;
	v17 =	vshll.u32 v24, $0x6;
	v16 =	vsub.f32 v19, v16;
	v19 =	vld.idx.msk [tilespmem:v22+s28+$0x0], $0xffff  }
0xb5: {  	s12 =	sadd.s32 $0x3, s15;
	v17 =	vand.u32 $0x3FC0, v17;
	v22 =	vor.u32 v3, v9;
	v8 =	vmul.f32 v15, v15;
	v24 =	vld.idx.msk [tilespmem:v26+s23+$0x0], $0xffff  }
0xb6: {  	v28 =	vor.u32 v2, v17;
	v15 =	vadd.s32 s12, v0;
	v16 =	vmul.f32 v16, v16;
	v29 =	vld.idx.msk [tilespmem:v23+s28+$0x0], $0xffff  }
0xb7: {  	v17 =	vshll.u32 v15, $0x6;
	v9 =	vsub.f32 v18, v27;
	v23 =	vsub.f32 v18, v20;
	v26 =	vld.idx.msk [tilespmem:v26+s22+$0x0], $0xffff  }
0xb8: {  	v15 =	vand.u32 $0xFF, v15;
	v17 =	vand.u32 $0x3FC0, v17;
	v7 =	vadd.f32 v16, v7  }
.Ltmp5:
0xb9: {  	s12 =	sadd.s32 $0x2, s15;
	v20 =	vor.u32 v3, v15;
	v18 =	vor.u32 v2, v17;
	v16 =	vmul.f32 v23, v23;
	(pc) =	sbr.rel @p1 .LBB2_8-.Ltmp5, $4  }
0xba: {  	v23 =	vadd.s32 s12, v0;
	v17 =	vsub.f32 v19, v25;
	v19 =	vsub.f32 v19, v21;
	v15 =	vld.idx.msk [tilespmem:v22+s22+$0x0], $0xffff  }
0xbb: {  	v21 =	vshll.u32 v23, $0x6;
	v25 =	vand.u32 $0xFF, v23;
	v5 =	vadd.f32 v16, v5  }
0xbc: {  	v21 =	vand.u32 $0x3FC0, v21;
	v24 =	vsub.f32 v29, v24;
	v23 =	vmul.f32 v19, v19;
	v16 =	vld.idx.msk [tilespmem:v22+s23+$0x0], $0xffff  }
0xbd: {  	s16 =	sadd.s32 $0x1, s15;
	s15 =	sadd.s32 $0x4, s15;
	v22 =	vor.u32 v2, v21;
	v21 =	vor.u32 v3, v25;
	v25 =	vsub.f32 v29, v26;
	v19 =	vld.idx.msk [tilespmem:v28+s28+$0x0], $0xffff  }
0xbe: {  	_ = 	snop  }
0xbf: {  	v26 =	vadd.s32 s16, v0  }
0xc0: {  	v27 =	vshll.u32 v26, $0x6;
	v26 =	vand.u32 $0xFF, v26  }
0xc1: {  	v27 =	vand.u32 $0x3FC0, v27;
	v26 =	vor.u32 v3, v26  }
0xc2: {  	v28 =	vld.idx.msk [tilespmem:v20+s22+$0x0], $0xffff;
	v27 =	vor.u32 v2, v27  }
0xc3: {  	v20 =	vld.idx.msk [tilespmem:v20+s23+$0x0], $0xffff  }
0xc4: {  	v18 =	vld.idx.msk [tilespmem:v18+s28+$0x0], $0xffff  }
0xc5: {  	v30 =	vld.idx.msk [tilespmem:v21+s22+$0x0], $0xffff  }
0xc6: {  	v29 =	vld.idx.msk [tilespmem:v26+s22+$0x0], $0xffff  }
0xc7: {  	v24 =	vmul.f32 v24, v24;
	v17 =	vmul.f32 v17, v17;
	v27 =	vld.idx.msk [tilespmem:v27+s28+$0x0], $0xffff  }
0xc8: {  	v6 =	vadd.f32 v23, v6;
	v8 =	vadd.f32 v8, v14;
	v9 =	vmul.f32 v9, v9;
	v23 =	vld.idx.msk [tilespmem:v26+s23+$0x0], $0xffff  }
0xc9: {  	v22 =	vld.idx.msk [tilespmem:v22+s28+$0x0], $0xffff;
	v25 =	vmul.f32 v25, v25;
	v12 =	vadd.f32 v24, v12;
	v11 =	vadd.f32 v17, v11  }
0xca: {  	v9 =	vadd.f32 v9, v10;
	v14 =	vsub.f32 v19, v15;
	v15 =	vld.idx.msk [tilespmem:v21+s23+$0x0], $0xffff  }
0xcb: {  	v13 =	vadd.f32 v25, v13;
	v16 =	vsub.f32 v19, v16  }
0xcc: {  	v10 =	vmul.f32 v14, v14;
	v14 =	vsub.f32 v18, v28;
	v17 =	vsub.f32 v27, v29  }
0xcd: {  	v18 =	vsub.f32 v18, v20;
	v20 =	vsub.f32 v27, v23  }
0xce: {  	v19 =	vsub.f32 v22, v30;
	v16 =	vmul.f32 v16, v16;
	v17 =	vmul.f32 v17, v17  }
0xcf: {  	v8 =	vadd.f32 v10, v8;
	v10 =	vsub.f32 v22, v15;
	v15 =	vmul.f32 v20, v20  }
0xd0: {  	v13 =	vadd.f32 v17, v13;
	v17 =	vmul.f32 v19, v19  }
0xd1: {  	v7 =	vadd.f32 v16, v7;
	v10 =	vmul.f32 v10, v10;
	v12 =	vadd.f32 v15, v12  }
0xd2: {  	v14 =	vmul.f32 v14, v14;
	v11 =	vadd.f32 v17, v11;
	v8 =	vadd.f32 v13, v8  }
0xd3: {  	s12 =	simm.s32 $0x1;
	v6 =	vadd.f32 v10, v6;
	v13 =	vmul.f32 v18, v18;
	v7 =	vadd.f32 v12, v7  }
0xd4: {  	v9 =	vadd.f32 v14, v9;
	v8 =	vadd.f32 v11, v8;
	v11 =	vadd.s32 s12, v0  }
0xd5: {  	v5 =	vadd.f32 v13, v5;
	v7 =	vadd.f32 v6, v7;
	v6 =	vor.u32 $0x2000, v1  }
0xd6: {  	s4 =	simm.s32 $0x3;
	v10 =	vshll.u32 v11, $0x6;
	v11 =	vand.u32 $0xFF, v11;
	v8 =	vadd.f32 v9, v8  }
0xd7: {  	v9 =	vand.u32 $0x3FC0, v10;
	v10 =	vadd.s32 s4, v0;
	v11 =	vor.u32 v6, v11  }
0xd8: {  	s15 =	simm.s32 $0x2;
	v5 =	vadd.f32 v5, v7;
	v9 =	vor.u32 v4, v9;
	v12 =	vshll.u32 v10, $0x6  }
0xd9: {  	v10 =	vand.u32 $0xFF, v10;
	v7 =	vand.u32 $0x3FC0, v12;
	v12 =	vadd.s32 s15, v0  }
0xda: {  	v10 =	vor.u32 v6, v10;
	[tilespmem:s10+$0x19110] =	vst v8;
	v8 =	vshll.u32 v12, $0x6  }
0xdb: {  	[tilespmem:s10+$0x19910] =	vst v5;
	v7 =	vor.u32 v4, v7;
	v5 =	vand.u32 $0x3FC0, v8  }
0xdc: {  	v8 =	vand.u32 $0xFF, v12;
	v12 =	vor.u32 v4, v5;
	v21 =	vld.idx.msk [tilespmem:v11+s22+$0x0], $0xffff  }
0xdd: {  	s16 =	simm.s32 $0x0;
	v8 =	vor.u32 v6, v8;
	v11 =	vld.idx.msk [tilespmem:v11+s23+$0x0], $0xffff  }
0xde: {  	v5 =	vadd.s32 s16, v0;
	v9 =	vld.idx.msk [tilespmem:v9+s28+$0x0], $0xffff  }
0xdf: {  	s4 =	simm.s32 $0x4;
	v13 =	vand.u32 $0xFF, v5;
	v15 =	vshll.u32 v5, $0x6;
	v14 =	vld.idx.msk [tilespmem:v10+s23+$0x0], $0xffff  }
0xe0: {  	v16 =	vadd.s32 s4, v0;
	s15 =	simm.s32 $0x5;
	v22 =	vor.u32 v6, v13;
	v13 =	vand.u32 $0x3FC0, v15;
	v7 =	vld.idx.msk [tilespmem:v7+s28+$0x0], $0xffff  }
0xe1: {  	v18 =	vand.u32 $0xFF, v16;
	v15 =	vadd.s32 s15, v0;
	v28 =	vor.u32 v4, v13;
	v13 =	vld.idx.msk [tilespmem:v12+s28+$0x0], $0xffff  }
0xe2: {  	s16 =	simm.s32 $0x6;
	v5 =	vimm.f32 $0.0e+00;
	v19 =	vshll.u32 v15, $0x6;
	v26 =	vand.u32 $0xFF, v15;
	v20 =	vld.idx.msk [tilespmem:v8+s22+$0x0], $0xffff  }
0xe3: {  	v15 =	vimm.f32 $0.0e+00;
	v12 =	vadd.s32 s16, v0;
	v17 =	vld.idx.msk [tilespmem:v8+s23+$0x0], $0xffff;
	v8 =	vand.u32 $0x3FC0, v19  }
0xe4: {  	v19 =	vld.idx.msk [tilespmem:v10+s22+$0x0], $0xffff;
	v10 =	vimm.f32 $0.0e+00;
	v23 =	vand.u32 $0xFF, v12;
	v12 =	vshll.u32 v12, $0x6  }
0xe5: {  	v27 =	vor.u32 v4, v8;
	v25 =	vsub.f32 v9, v21;
	v24 =	vsub.f32 v9, v11  }
0xe6: {  	v9 =	vimm.f32 $0.0e+00;
	v12 =	vand.u32 $0x3FC0, v12;
	v21 =	vld.idx.msk [tilespmem:v22+s22+$0x0], $0xffff;
	v14 =	vsub.f32 v7, v14  }
0xe7: {  	v8 =	vimm.f32 $0.0e+00;
	v11 =	vimm.f32 $0.0e+00;
	v22 =	vld.idx.msk [tilespmem:v22+s23+$0x0], $0xffff;
	v29 =	vor.u32 v4, v12  }
0xe8: {  	s15 =	simm.s32 $0x8;
	s16 =	simm.s32 $0x7;
	v28 =	vld.idx.msk [tilespmem:v28+s28+$0x0], $0xffff;
	v12 =	vimm.f32 $0.0e+00;
	v30 =	vmul.f32 v14, v14;
	v14 =	vimm.f32 $0.0e+00  }
.LBB2_10:
0xe9: {  	p1 =	sne.s32 s15, $0xFC;
	v31 =	vadd.s32 s16, v0;
	v20 =	vsub.f32 v13, v20  }
0xea: {  	v32 =	vshll.u32 v31, $0x6;
	v31 =	vand.u32 $0xFF, v31;
	v5 =	vadd.f32 v30, v5  }
0xeb: {  	v26 =	vor.u32 v6, v26;
	v30 =	vand.u32 $0x3FC0, v32;
	v31 =	vor.u32 v6, v31  }
0xec: {  	v23 =	vor.u32 v6, v23;
	v32 =	vor.u32 v6, v18;
	v18 =	vor.u32 v4, v30  }
0xed: {  	v25 =	vmul.f32 v25, v25;
	v17 =	vsub.f32 v13, v17;
	v7 =	vsub.f32 v7, v19  }
0xee: {  	v19 =	vsub.f32 v28, v21;
	v21 =	vsub.f32 v28, v22;
	v22 =	vmul.f32 v24, v24;
	v30 =	vld.idx.msk [tilespmem:v27+s28+$0x0], $0xffff  }
0xef: {  	v15 =	vadd.f32 v25, v15;
	v20 =	vmul.f32 v20, v20;
	v17 =	vmul.f32 v17, v17;
	v13 =	vld.idx.msk [tilespmem:v29+s28+$0x0], $0xffff  }
0xf0: {  	v19 =	vmul.f32 v19, v19;
	v14 =	vadd.f32 v22, v14;
	v22 =	vmul.f32 v7, v7;
	v24 =	vld.idx.msk [tilespmem:v31+s23+$0x0], $0xffff  }
0xf1: {  	v9 =	vadd.f32 v20, v9;
	v8 =	vadd.f32 v17, v8;
	v7 =	vld.idx.msk [tilespmem:v18+s28+$0x0], $0xffff;
	v18 =	vmul.f32 v21, v21  }
0xf2: {  	v16 =	vshll.u32 v16, $0x6;
	v12 =	vadd.f32 v19, v12;
	v10 =	vadd.f32 v22, v10;
	v25 =	vld.idx.msk [tilespmem:v26+s22+$0x0], $0xffff  }
0xf3: {  	v17 =	vand.u32 $0x3FC0, v16;
	v33 =	vld.idx.msk [tilespmem:v26+s23+$0x0], $0xffff;
	v11 =	vadd.f32 v18, v11  }
0xf4: {  	s12 =	sadd.s32 $0x1, s15;
	s16 =	sadd.s32 $0x2, s15;
	v16 =	vadd.s32 s15, v0;
	v28 =	vor.u32 v4, v17;
	v20 =	vld.idx.msk [tilespmem:v23+s22+$0x0], $0xffff  }
.Ltmp6:
0xf5: {  	v19 =	vadd.s32 s12, v0;
	v21 =	vadd.s32 s16, v0;
	v18 =	vand.u32 $0xFF, v16;
	v17 =	vld.idx.msk [tilespmem:v23+s23+$0x0], $0xffff;
	(pc) =	sbr.rel @p1 .LBB2_10-.Ltmp6, $4  }
0xf6: {  	v22 =	vshll.u32 v19, $0x6;
	v26 =	vand.u32 $0xFF, v19;
	v23 =	vand.u32 $0xFF, v21;
	v19 =	vld.idx.msk [tilespmem:v31+s22+$0x0], $0xffff  }
0xf7: {  	v29 =	vshll.u32 v21, $0x6;
	v22 =	vand.u32 $0x3FC0, v22;
	v31 =	vsub.f32 v7, v24;
	v21 =	vld.idx.msk [tilespmem:v32+s22+$0x0], $0xffff  }
0xf8: {  	v27 =	vor.u32 v4, v22;
	v24 =	vand.u32 $0x3FC0, v29;
	v25 =	vsub.f32 v30, v25;
	v22 =	vld.idx.msk [tilespmem:v32+s23+$0x0], $0xffff  }
0xf9: {  	s16 =	sadd.s32 $0x3, s15;
	s15 =	sadd.s32 $0x4, s15;
	v29 =	vor.u32 v4, v24;
	v24 =	vsub.f32 v30, v33;
	v30 =	vmul.f32 v31, v31;
	v28 =	vld.idx.msk [tilespmem:v28+s28+$0x0], $0xffff  }
0xfa: {  	_ = 	snop  }
0xfb: {  	v26 =	vor.u32 v6, v26  }
0xfc: {  	v31 =	vadd.s32 s16, v0  }
0xfd: {  	v23 =	vor.u32 v6, v23;
	v16 =	vshll.u32 v16, $0x6;
	v18 =	vor.u32 v6, v18  }
0xfe: {  	v27 =	vld.idx.msk [tilespmem:v27+s28+$0x0], $0xffff;
	v20 =	vsub.f32 v13, v20;
	v13 =	vsub.f32 v13, v17;
	v17 =	vmul.f32 v25, v25  }
0xff: {  	v29 =	vld.idx.msk [tilespmem:v29+s28+$0x0], $0xffff;
	v32 =	vshll.u32 v31, $0x6;
	v31 =	vand.u32 $0xFF, v31;
	v16 =	vand.u32 $0x3FC0, v16  }
0x100: {  	v5 =	vadd.f32 v30, v5;
	v7 =	vsub.f32 v7, v19;
	v32 =	vand.u32 $0x3FC0, v32;
	v30 =	vld.idx.msk [tilespmem:v26+s22+$0x0], $0xffff  }
0x101: {  	v31 =	vor.u32 v6, v31;
	v16 =	vor.u32 v4, v16;
	v15 =	vadd.f32 v17, v15;
	v25 =	vld.idx.msk [tilespmem:v26+s23+$0x0], $0xffff  }
0x102: {  	v17 =	vmul.f32 v20, v20;
	v19 =	vsub.f32 v28, v21;
	v21 =	vmul.f32 v24, v24;
	v24 =	vld.idx.msk [tilespmem:v23+s22+$0x0], $0xffff  }
0x103: {  	v13 =	vmul.f32 v13, v13;
	v32 =	vor.u32 v4, v32;
	v20 =	vld.idx.msk [tilespmem:v18+s22+$0x0], $0xffff  }
0x104: {  	v9 =	vadd.f32 v17, v9;
	v17 =	vld.idx.msk [tilespmem:v18+s23+$0x0], $0xffff  }
0x105: {  	v22 =	vsub.f32 v28, v22;
	v8 =	vadd.f32 v13, v8;
	v13 =	vld.idx.msk [tilespmem:v23+s23+$0x0], $0xffff  }
0x106: {  	v7 =	vmul.f32 v7, v7;
	v16 =	vld.idx.msk [tilespmem:v16+s28+$0x0], $0xffff  }
0x107: {  	v19 =	vmul.f32 v19, v19;
	v14 =	vadd.f32 v21, v14;
	v21 =	vmul.f32 v22, v22;
	v33 =	vld.idx.msk [tilespmem:v31+s23+$0x0], $0xffff  }
0x108: {  	v7 =	vadd.f32 v7, v10;
	v32 =	vld.idx.msk [tilespmem:v32+s28+$0x0], $0xffff  }
0x109: {  	v12 =	vadd.f32 v19, v12;
	v10 =	vadd.f32 v21, v11;
	v11 =	vld.idx.msk [tilespmem:v31+s22+$0x0], $0xffff  }
0x10a: {  	v19 =	vsub.f32 v27, v30;
	v21 =	vsub.f32 v27, v25  }
0x10b: {  	v22 =	vsub.f32 v29, v24;
	v20 =	vsub.f32 v16, v20  }
0x10c: {  	v13 =	vsub.f32 v29, v13;
	v16 =	vsub.f32 v16, v17  }
0x10d: {  	v17 =	vmul.f32 v19, v19;
	v18 =	vsub.f32 v32, v33;
	v19 =	vmul.f32 v20, v20  }
0x10e: {  	v11 =	vsub.f32 v32, v11;
	v20 =	vmul.f32 v21, v21;
	v16 =	vmul.f32 v16, v16  }
0x10f: {  	v15 =	vadd.f32 v17, v15;
	v17 =	vmul.f32 v22, v22;
	v12 =	vadd.f32 v19, v12  }
0x110: {  	v13 =	vmul.f32 v13, v13;
	v14 =	vadd.f32 v20, v14;
	v10 =	vadd.f32 v16, v10  }
0x111: {  	v11 =	vmul.f32 v11, v11;
	v9 =	vadd.f32 v17, v9;
	v12 =	vadd.f32 v15, v12  }
0x112: {  	v8 =	vadd.f32 v13, v8;
	v15 =	vmul.f32 v18, v18;
	v10 =	vadd.f32 v14, v10  }
0x113: {  	s12 =	simm.s32 $0x1;
	v7 =	vadd.f32 v11, v7;
	v9 =	vadd.f32 v9, v12  }
0x114: {  	v5 =	vadd.f32 v15, v5;
	v8 =	vadd.f32 v8, v10;
	v10 =	vadd.s32 s12, v0  }
0x115: {  	s15 =	simm.s32 $0x3;
	v14 =	vshll.u32 v10, $0x6  }
0x116: {  	v9 =	vadd.f32 v7, v9;
	v8 =	vadd.f32 v5, v8;
	v5 =	vadd.s32 s15, v0  }
0x117: {  	v7 =	vor.u32 $0x3000, v1;
	v14 =	vand.u32 $0x3FC0, v14;
	v12 =	vand.u32 $0xFF, v5  }
0x118: {  	s15 =	simm.s32 $0x2;
	v11 =	vshll.u32 v5, $0x6;
	v5 =	vor.u32 $0x30, v0;
	v13 =	vor.u32 v7, v12  }
0x119: {  	s16 =	simm.s32 $0x0;
	v11 =	vand.u32 $0x3FC0, v11;
	v12 =	vadd.s32 s15, v0;
	v14 =	vor.u32 v5, v14  }
0x11a: {  	v15 =	vadd.s32 s16, v0;
	v11 =	vor.u32 v5, v11;
	v16 =	vshll.u32 v12, $0x6  }
0x11b: {  	[tilespmem:s10+$0x19120] =	vst v9;
	v9 =	vshll.u32 v15, $0x6;
	v16 =	vand.u32 $0x3FC0, v16  }
0x11c: {  	[tilespmem:s10+$0x19920] =	vst v8;
	v8 =	vand.u32 $0x3FC0, v9;
	v9 =	vor.u32 v5, v16  }
0x11d: {  	v10 =	vand.u32 $0xFF, v10;
	v16 =	vor.u32 v5, v8;
	v23 =	vld.idx.msk [tilespmem:v13+s23+$0x0], $0xffff  }
0x11e: {  	s4 =	simm.s32 $0x4;
	v24 =	vor.u32 v7, v10;
	v10 =	vand.u32 $0xFF, v12;
	v18 =	vld.idx.msk [tilespmem:v14+s28+$0x0], $0xffff  }
0x11f: {  	v12 =	vor.u32 v7, v10;
	v10 =	vimm.f32 $0.0e+00;
	v14 =	vadd.s32 s4, v0;
	v8 =	vld.idx.msk [tilespmem:v11+s28+$0x0], $0xffff  }
0x120: {  	s15 =	simm.s32 $0x5;
	v27 =	vld.idx.msk [tilespmem:v13+s22+$0x0], $0xffff;
	v13 =	vimm.f32 $0.0e+00;
	v11 =	vand.u32 $0xFF, v15;
	v21 =	vand.u32 $0xFF, v14  }
0x121: {  	v20 =	vor.u32 v7, v11;
	v11 =	vadd.s32 s15, v0;
	v19 =	vld.idx.msk [tilespmem:v9+s28+$0x0], $0xffff;
	v9 =	vshll.u32 v14, $0x6  }
0x122: {  	s16 =	simm.s32 $0x6;
	v17 =	vld.idx.msk [tilespmem:v16+s28+$0x0], $0xffff;
	v15 =	vshll.u32 v11, $0x6;
	v29 =	vand.u32 $0xFF, v11;
	v16 =	vimm.f32 $0.0e+00  }
0x123: {  	v22 =	vld.idx.msk [tilespmem:v24+s22+$0x0], $0xffff;
	v11 =	vimm.f32 $0.0e+00;
	v26 =	vand.u32 $0x3FC0, v9;
	v9 =	vadd.s32 s16, v0  }
0x124: {  	v25 =	vld.idx.msk [tilespmem:v12+s23+$0x0], $0xffff;
	v30 =	vand.u32 $0x3FC0, v15;
	v15 =	vimm.f32 $0.0e+00;
	v14 =	vsub.f32 v8, v23  }
0x125: {  	v28 =	vand.u32 $0xFF, v9;
	v32 =	vshll.u32 v9, $0x6;
	v9 =	vimm.f32 $0.0e+00;
	v23 =	vld.idx.msk [tilespmem:v24+s23+$0x0], $0xffff  }
0x126: {  	s15 =	simm.s32 $0x8;
	s16 =	simm.s32 $0x7;
	v24 =	vld.idx.msk [tilespmem:v12+s22+$0x0], $0xffff;
	v12 =	vimm.f32 $0.0e+00;
	v31 =	vmul.f32 v14, v14;
	v14 =	vimm.f32 $0.0e+00  }
.LBB2_12:
0x127: {  	p1 =	sne.s32 s15, $0xFC;
	v32 =	vand.u32 $0x3FC0, v32;
	v33 =	vadd.s32 s16, v0;
	v34 =	vld.idx.msk [tilespmem:v20+s22+$0x0], $0xffff  }
0x128: {  	v35 =	vshll.u32 v33, $0x6;
	v33 =	vand.u32 $0xFF, v33;
	v36 =	vld.idx.msk [tilespmem:v20+s23+$0x0], $0xffff;
	v10 =	vadd.f32 v31, v10  }
0x129: {  	v20 =	vand.u32 $0x3FC0, v35;
	v31 =	vor.u32 v7, v33  }
0x12a: {  	v30 =	vor.u32 v5, v30;
	v32 =	vor.u32 v5, v32;
	v33 =	vor.u32 v5, v20  }
0x12b: {  	v26 =	vor.u32 v5, v26;
	v29 =	vor.u32 v7, v29;
	v35 =	vor.u32 v7, v28  }
0x12c: {  	v20 =	vor.u32 v7, v21;
	v21 =	vsub.f32 v18, v22;
	v18 =	vsub.f32 v18, v23  }
0x12d: {  	v22 =	vsub.f32 v19, v24;
	v19 =	vsub.f32 v19, v25  }
0x12e: {  	v24 =	vsub.f32 v8, v27;
	v23 =	vsub.f32 v17, v34;
	v21 =	vmul.f32 v21, v21;
	v25 =	vld.idx.msk [tilespmem:v31+s23+$0x0], $0xffff  }
0x12f: {  	v27 =	vmul.f32 v18, v18;
	v22 =	vmul.f32 v22, v22;
	v17 =	vsub.f32 v17, v36;
	v8 =	vld.idx.msk [tilespmem:v33+s28+$0x0], $0xffff  }
0x130: {  	v24 =	vmul.f32 v24, v24;
	v16 =	vadd.f32 v21, v16;
	v21 =	vmul.f32 v19, v19;
	v18 =	vld.idx.msk [tilespmem:v30+s28+$0x0], $0xffff  }
0x131: {  	v23 =	vmul.f32 v23, v23;
	v11 =	vadd.f32 v27, v11;
	v28 =	vmul.f32 v17, v17;
	v19 =	vld.idx.msk [tilespmem:v32+s28+$0x0], $0xffff  }
0x132: {  	v27 =	vadd.s32 s15, v0;
	v12 =	vadd.f32 v22, v12;
	v9 =	vadd.f32 v21, v9;
	v17 =	vld.idx.msk [tilespmem:v26+s28+$0x0], $0xffff  }
.Ltmp7:
0x133: {  	s12 =	sadd.s32 $0x1, s15;
	v13 =	vadd.f32 v24, v13;
	v21 =	vand.u32 $0xFF, v27;
	v15 =	vadd.f32 v23, v15;
	v22 =	vld.idx.msk [tilespmem:v29+s22+$0x0], $0xffff;
	(pc) =	sbr.rel @p1 .LBB2_12-.Ltmp7, $4  }
0x134: {  	v24 =	vshll.u32 v27, $0x6;
	v27 =	vadd.s32 s12, v0;
	s12 =	sadd.s32 $0x2, s15;
	v14 =	vadd.f32 v28, v14;
	v23 =	vld.idx.msk [tilespmem:v29+s23+$0x0], $0xffff  }
0x135: {  	v32 =	vadd.s32 s12, v0;
	v26 =	vand.u32 $0x3FC0, v24;
	v33 =	vsub.f32 v8, v25;
	v24 =	vld.idx.msk [tilespmem:v35+s22+$0x0], $0xffff  }
0x136: {  	v30 =	vshll.u32 v27, $0x6;
	v28 =	vand.u32 $0xFF, v32;
	v29 =	vand.u32 $0xFF, v27;
	v25 =	vld.idx.msk [tilespmem:v35+s23+$0x0], $0xffff  }
0x137: {  	s16 =	sadd.s32 $0x3, s15;
	s15 =	sadd.s32 $0x4, s15;
	v30 =	vand.u32 $0x3FC0, v30;
	v32 =	vshll.u32 v32, $0x6;
	v27 =	vld.idx.msk [tilespmem:v31+s22+$0x0], $0xffff;
	v31 =	vmul.f32 v33, v33  }
0x138: {  	_ = 	snop  }
0x139: {  	v30 =	vor.u32 v5, v30  }
0x13a: {  	v26 =	vor.u32 v5, v26  }
0x13b: {  	v29 =	vor.u32 v7, v29  }
0x13c: {  	v35 =	vld.idx.msk [tilespmem:v20+s22+$0x0], $0xffff  }
0x13d: {  	v41 =	vld.idx.msk [tilespmem:v20+s23+$0x0], $0xffff;
	v28 =	vor.u32 v7, v28  }
0x13e: {  	v21 =	vor.u32 v7, v21;
	v30 =	vld.idx.msk [tilespmem:v30+s28+$0x0], $0xffff  }
0x13f: {  	v45 =	vld.idx.msk [tilespmem:v26+s28+$0x0], $0xffff  }
0x140: {  	v33 =	vadd.s32 s16, v0;
	v32 =	vand.u32 $0x3FC0, v32;
	v22 =	vsub.f32 v18, v22;
	v48 =	vld.idx.msk [tilespmem:v29+s22+$0x0], $0xffff  }
0x141: {  	v34 =	vshll.u32 v33, $0x6;
	v33 =	vand.u32 $0xFF, v33;
	v32 =	vor.u32 v5, v32;
	v49 =	vld.idx.msk [tilespmem:v29+s23+$0x0], $0xffff  }
0x142: {  	v10 =	vadd.f32 v31, v10;
	v43 =	vsub.f32 v18, v23;
	v33 =	vor.u32 v7, v33;
	v52 =	vld.idx.msk [tilespmem:v28+s22+$0x0], $0xffff  }
0x143: {  	v34 =	vand.u32 $0x3FC0, v34;
	v44 =	vsub.f32 v19, v24;
	v22 =	vmul.f32 v22, v22;
	v54 =	vld.idx.msk [tilespmem:v21+s22+$0x0], $0xffff  }
0x144: {  	v34 =	vor.u32 v5, v34;
	v46 =	vsub.f32 v19, v25;
	v18 =	vmul.f32 v43, v43;
	v55 =	vld.idx.msk [tilespmem:v21+s23+$0x0], $0xffff  }
0x145: {  	v8 =	vsub.f32 v8, v27;
	v51 =	vmul.f32 v44, v44;
	v47 =	vsub.f32 v17, v35;
	v56 =	vld.idx.msk [tilespmem:v28+s23+$0x0], $0xffff  }
0x146: {  	v16 =	vadd.f32 v22, v16;
	v50 =	vsub.f32 v17, v41;
	v19 =	vmul.f32 v46, v46;
	v42 =	vld.idx.msk [tilespmem:v32+s28+$0x0], $0xffff  }
0x147: {  	v11 =	vadd.f32 v18, v11;
	v8 =	vmul.f32 v8, v8;
	v36 =	vld.idx.msk [tilespmem:v33+s23+$0x0], $0xffff;
	v53 =	vmul.f32 v47, v47  }
0x148: {  	v12 =	vadd.f32 v51, v12;
	v17 =	vmul.f32 v50, v50;
	v9 =	vadd.f32 v19, v9;
	v58 =	vld.idx.msk [tilespmem:v33+s22+$0x0], $0xffff  }
0x149: {  	v34 =	vld.idx.msk [tilespmem:v34+s28+$0x0], $0xffff;
	v8 =	vadd.f32 v8, v13;
	v15 =	vadd.f32 v53, v15  }
0x14a: {  	v57 =	vadd.f32 v17, v14;
	v60 =	vsub.f32 v30, v48  }
0x14b: {  	v61 =	vsub.f32 v30, v49;
	v62 =	vsub.f32 v45, v54  }
0x14c: {  	v18 =	vsub.f32 v45, v55;
	v23 =	vsub.f32 v42, v52;
	v20 =	vmul.f32 v60, v60  }
0x14d: {  	v19 =	vsub.f32 v42, v56;
	v22 =	vmul.f32 v62, v62;
	v21 =	vmul.f32 v61, v61  }
0x14e: {  	v18 =	vmul.f32 v18, v18;
	v59 =	vsub.f32 v34, v36;
	v14 =	vsub.f32 v34, v58  }
0x14f: {  	v23 =	vmul.f32 v23, v23;
	v16 =	vadd.f32 v20, v16;
	v15 =	vadd.f32 v22, v15  }
0x150: {  	v19 =	vmul.f32 v19, v19;
	v11 =	vadd.f32 v21, v11;
	v13 =	vadd.f32 v18, v57  }
0x151: {  	v14 =	vmul.f32 v14, v14;
	v12 =	vadd.f32 v23, v12;
	v15 =	vadd.f32 v16, v15  }
0x152: {  	s12 =	sor.u32 s1, s11;
	v63 =	vmul.f32 v59, v59;
	v9 =	vadd.f32 v19, v9;
	v11 =	vadd.f32 v11, v13  }
0x153: {  	p1 =	sne.s32 s12, $0x0;
	v8 =	vadd.f32 v14, v8;
	v12 =	vadd.f32 v12, v15  }
.Ltmp8:
0x154: {  	v10 =	vadd.f32 v63, v10;
	v9 =	vadd.f32 v9, v11;
	(pc) =	sbr.rel @p1 .LBB2_17-.Ltmp8, $4  }
0x155: {  	v8 =	vadd.f32 v8, v12  }
0x156: {  	v9 =	vadd.f32 v10, v9  }
0x157: {  	[tilespmem:s10+$0x19130] =	vst v8  }
0x158: {  	[tilespmem:s10+$0x19930] =	vst v9  }
0x159: {  	s12 =	simm.s32 $0x1  }
0x15a: {  	s4 =	simm.s32 $0x0;
	s15 =	simm.s32 $0x2;
	v8 =	vadd.s32 s12, v0  }
0x15b: {  	v10 =	vadd.s32 s4, v0;
	v11 =	vadd.s32 s15, v0;
	v13 =	vand.u32 $0xFF, v8  }
0x15c: {  	v9 =	vshll.u32 v8, $0x6;
	v12 =	vshll.u32 v10, $0x6;
	v10 =	vand.u32 $0xFF, v10  }
0x15d: {  	v8 =	vshll.u32 v11, $0x6;
	v11 =	vand.u32 $0xFF, v11;
	v9 =	vand.u32 $0x3FC0, v9  }
0x15e: {  	v12 =	vand.u32 $0x3FC0, v12;
	v9 =	vor.u32 v0, v9  }
0x15f: {  	s16 =	simm.s32 $0x3;
	v8 =	vand.u32 $0x3FC0, v8;
	v12 =	vor.u32 v0, v12  }
0x160: {  	v15 =	vadd.s32 s16, v0;
	v14 =	vor.u32 v0, v8;
	v13 =	vld.idx.msk [tilespmem:v13+s17+$0x0], $0xffff  }
0x161: {  	v16 =	vshll.u32 v15, $0x6;
	v20 =	vld.idx.msk [tilespmem:v10+s17+$0x0], $0xffff  }
0x162: {  	s4 =	simm.s32 $0x5;
	s15 =	simm.s32 $0x6;
	v15 =	vand.u32 $0xFF, v15;
	v16 =	vand.u32 $0x3FC0, v16;
	v11 =	vld.idx.msk [tilespmem:v11+s17+$0x0], $0xffff  }
0x163: {  	v17 =	vadd.s32 s4, v0;
	v18 =	vadd.s32 s15, v0;
	v16 =	vor.u32 v0, v16;
	v9 =	vld.idx.msk [tilespmem:v9+s28+$0x0], $0xffff  }
0x164: {  	v19 =	vshll.u32 v18, $0x6;
	v21 =	vand.u32 $0xFF, v17;
	v10 =	vshll.u32 v17, $0x6;
	v12 =	vld.idx.msk [tilespmem:v12+s28+$0x0], $0xffff  }
0x165: {  	s15 =	simm.s32 $0x4;
	v8 =	vimm.f32 $0.0e+00;
	v19 =	vand.u32 $0x3FC0, v19;
	v10 =	vand.u32 $0x3FC0, v10;
	v23 =	vld.idx.msk [tilespmem:v14+s28+$0x0], $0xffff  }
0x166: {  	v22 =	vor.u32 v0, v19;
	v14 =	vadd.s32 s15, v0;
	v25 =	vor.u32 v0, v10  }
0x167: {  	s16 =	simm.s32 $0x7;
	v10 =	vand.u32 $0xFF, v18;
	v19 =	vshll.u32 v14, $0x6;
	v18 =	vand.u32 $0xFF, v14;
	v14 =	vld.idx.msk [tilespmem:v15+s17+$0x0], $0xffff  }
0x168: {  	v15 =	vld.idx.msk [tilespmem:v16+s28+$0x0], $0xffff;
	v19 =	vand.u32 $0x3FC0, v19;
	v9 =	vsub.f32 v9, v13;
	v13 =	vadd.s32 s16, v0  }
0x169: {  	v19 =	vor.u32 v0, v19;
	v12 =	vsub.f32 v12, v20;
	v17 =	vshll.u32 v13, $0x6  }
0x16a: {  	v23 =	vsub.f32 v23, v11;
	v11 =	vimm.f32 $0.0e+00;
	v16 =	vand.u32 $0x3FC0, v17  }
0x16b: {  	v17 =	vand.u32 $0xFF, v13;
	v24 =	vmul.f32 v9, v9;
	v13 =	vld.idx.msk [tilespmem:v22+s28+$0x0], $0xffff;
	v22 =	vmul.f32 v12, v12  }
0x16c: {  	s15 =	simm.s32 $0x8;
	v12 =	vimm.f32 $0.0e+00;
	v9 =	vimm.f32 $0.0e+00;
	v20 =	vor.u32 v0, v16;
	v16 =	vld.idx.msk [tilespmem:v25+s28+$0x0], $0xffff  }
.LBB2_15:
0x16d: {  	v25 =	vadd.s32 s15, v0;
	s12 =	sadd.s32 $0x1, s15;
	s16 =	sadd.s32 $0x2, s15;
	s4 =	sadd.s32 $0x3, s15;
	v26 =	vld.idx.msk [tilespmem:v21+s17+$0x0], $0xffff;
	v8 =	vadd.f32 v24, v8;
	v14 =	vsub.f32 v15, v14  }
0x16e: {  	p1 =	sne.s32 s15, $0xFC;
	s15 =	sadd.s32 $0x4, s15;
	v21 =	vadd.s32 s12, v0;
	v15 =	vadd.s32 s16, v0;
	v24 =	vld.idx.msk [tilespmem:v18+s17+$0x0], $0xffff;
	v18 =	vmul.f32 v23, v23  }
0x16f: {  	v23 =	vshll.u32 v21, $0x6;
	v27 =	vshll.u32 v15, $0x6;
	v28 =	vld.idx.msk [tilespmem:v19+s28+$0x0], $0xffff;
	v19 =	vmul.f32 v14, v14  }
0x170: {  	v12 =	vadd.f32 v22, v12;
	v14 =	vand.u32 $0x3FC0, v23;
	v23 =	vand.u32 $0x3FC0, v27;
	v27 =	vld.idx.msk [tilespmem:v10+s17+$0x0], $0xffff  }
0x171: {  	v22 =	vor.u32 v0, v14;
	v23 =	vor.u32 v0, v23;
	v14 =	vld.idx.msk [tilespmem:v17+s17+$0x0], $0xffff;
	v9 =	vadd.f32 v19, v9  }
0x172: {  	v10 =	vand.u32 $0xFF, v15;
	v11 =	vadd.f32 v18, v11;
	v29 =	vmovc v13;
	v17 =	vshll.u32 v25, $0x6;
	v15 =	vld.idx.msk [tilespmem:v20+s28+$0x0], $0xffff  }
.Ltmp9:
0x173: {  	v21 =	vand.u32 $0xFF, v21;
	v13 =	vand.u32 $0x3FC0, v17;
	v16 =	vsub.f32 v16, v26;
	(pc) =	sbr.rel @p1 .LBB2_15-.Ltmp9, $4  }
0x174: {  	v18 =	vand.u32 $0xFF, v25;
	v17 =	vadd.s32 s4, v0  }
0x175: {  	v19 =	vor.u32 v0, v13;
	v20 =	vshll.u32 v17, $0x6;
	v25 =	vsub.f32 v28, v24  }
0x176: {  	v17 =	vand.u32 $0xFF, v17;
	v20 =	vand.u32 $0x3FC0, v20;
	v24 =	vmul.f32 v16, v16;
	v13 =	vld.idx.msk [tilespmem:v23+s28+$0x0], $0xffff  }
0x177: {  	v20 =	vor.u32 v0, v20;
	v23 =	vsub.f32 v29, v27;
	v16 =	vld.idx.msk [tilespmem:v22+s28+$0x0], $0xffff;
	v22 =	vmul.f32 v25, v25  }
0x178: {  	_ =	sdelay $0x3  }
0x179: {  	v21 =	vld.idx.msk [tilespmem:v21+s17+$0x0], $0xffff  }
0x17a: {  	v18 =	vld.idx.msk [tilespmem:v18+s17+$0x0], $0xffff  }
0x17b: {  	v19 =	vld.idx.msk [tilespmem:v19+s28+$0x0], $0xffff  }
0x17c: {  	v10 =	vld.idx.msk [tilespmem:v10+s17+$0x0], $0xffff  }
0x17d: {  	v17 =	vld.idx.msk [tilespmem:v17+s17+$0x0], $0xffff  }
0x17e: {  	v20 =	vld.idx.msk [tilespmem:v20+s28+$0x0], $0xffff  }
0x17f: {  	v8 =	vadd.f32 v24, v8  }
0x180: {  	v16 =	vsub.f32 v16, v21;
	v18 =	vsub.f32 v19, v18  }
0x181: {  	v14 =	vsub.f32 v15, v14;
	v59 =	vmul.f32 v23, v23;
	v12 =	vadd.f32 v22, v12  }
0x182: {  	v10 =	vsub.f32 v13, v10;
	v16 =	vmul.f32 v16, v16;
	v18 =	vmul.f32 v18, v18  }
0x183: {  	v60 =	vmul.f32 v14, v14;
	v11 =	vadd.f32 v59, v11;
	v61 =	vsub.f32 v20, v17  }
0x184: {  	v10 =	vmul.f32 v10, v10;
	v8 =	vadd.f32 v16, v8;
	v12 =	vadd.f32 v18, v12  }
0x185: {  	v9 =	vadd.f32 v60, v9  }
0x186: {  	v62 =	vmul.f32 v61, v61;
	v10 =	vadd.f32 v10, v11;
	v8 =	vadd.f32 v8, v12  }
0x187: {  	v63 =	vld [tilespmem:s10+$0x19100]  }
0x188: {  	v9 =	vadd.f32 v62, v9;
	v8 =	vadd.f32 v10, v8;
	_ =	sdelay $0x1  }
0x189: {  	v8 =	vadd.f32 v9, v8;
	_ =	sdelay $0x1  }
0x18a: {  	vm0 =	vmmov $0x1;
	v8 =	vmin.f32 v63, v8  }
0x18b: {  	v8 =	vsel vm0, v8, v63  }
0x18c: {  	[tilespmem:s10+$0x19100] =	vst v8  }
.LBB2_17:
0x18d: {  	s4 =	sshll.u32 s11, $0x1  }
0x18e: {  	s4 =	smin.u32 s4, $0x1D  }
0x18f: {  	s4 =	sshll.u32 s4, $0x6  }
0x190: {  	s12 =	sadd.s32 $0x80, s4  }
0x191: {  	[tilespmem:s22], [sflag:$0x1] =	stream.indirect.gather [hbm4b:s5+s21], $0x100, s12, s21, $0xb8;
	[tilespmem:$0x1A100] =	vst v63  }
0x192: {  	s12 =	sshll.u32 s12, $0x3  }
0x193: {  	s15 =	sadd.s32 $0x880, s4;
	s12 =	sadd.s32 s8, s12  }
0x194: {  	[tilespmem:s23], [sflag:$0x3] =	stream.indirect.gather [hbm4b:s5+s21], $0x100, s15, s21, $0xb8;
	[tilespmem:$0x1A100] =	vst v63  }
0x195: {  	s12 =	sand.u32 $0xFC00, s12  }
0x196: {  	s4 =	sand.u32 $0x40, s4;
	s12 =	sadd.s32 s7, s12  }
0x197: {  	s4 =	sor.u32 s4, s12  }
0x198: {  	s4 =	sshrl.u32 s4, $0x3  }
0x199: {  	s16 =	simm.s32 $0x1000;
	s15 =	sadd.s32 s3, s4  }
0x19a: {  	[tilespmem:s16], [sflag:$0x5] =	stream.strided.gather [hbm4b:s15+s21], $0x200, s24, s21, $0x38;
	[tilespmem:$0x1A100] =	vst v63  }
0x19b: {  	s16 =	simm.s32 $0x800  }
.LBB2_18:
0x19c: {  	p1 =	sne.s32 s16, $0xF800  }
.Ltmp10:
0x19d: {  	_ = 	snop;
	(pc) =	sbr.rel @p1 .LBB2_18-.Ltmp10, $4  }
0x19e: {  	_ = 	snop  }
0x19f: {  	s4 =	sshra.s32 s16, $0x2;
	s16 =	sadd.s32 $0x800, s16  }
0x1a0: {  	s15 =	sadd.s32 $0x1000, s15;
	s4 =	sadd.s32 $0x1000, s4  }
0x1a1: {  	[tilespmem:s4], [sflag:$0x5] =	stream.strided.gather [hbm4b:s15+s21], $0x200, s24, s21, $0x38;
	[tilespmem:$0x1A100] =	vst v63  }
0x1a2: {  	_ =	swait.ge [sflag:s29], $0x4000  }
0x1a3: {  	s4 =	simm.s32 $0x0;
	[sflag:s29] =	ssyncset.done $0x0  }
0x1a4: {  	v8 =	vadd.s32 s4, v0;
	[sflag:s29] =	ssyncadd.s32 $0xFFFFC000  }
0x1a5: {  	v9 =	vand.u32 $0xFF, v8;
	_ =	swait.ge [sflag:s30], $0x4000  }
0x1a6: {  	s12 =	simm.s32 $0x3;
	v8 =	vshll.u32 v8, $0x6;
	v9 =	vor.u32 v1, v9;
	[sflag:s30] =	ssyncset.done $0x0  }
0x1a7: {  	v10 =	vadd.s32 s12, v0;
	v8 =	vand.u32 $0x3FC0, v8;
	[sflag:s30] =	ssyncadd.s32 $0xFFFFC000  }
0x1a8: {  	v11 =	vand.u32 $0xFF, v10;
	v8 =	vor.u32 v0, v8;
	_ =	swait.ge [sflag:s31], $0x4000  }
0x1a9: {  	v10 =	vshll.u32 v10, $0x6;
	v11 =	vor.u32 v1, v11;
	[sflag:s31] =	ssyncset.done $0x0  }
0x1aa: {  	s15 =	simm.s32 $0x2;
	v10 =	vand.u32 $0x3FC0, v10;
	[sflag:s31] =	ssyncadd.s32 $0xFFFFC000  }
0x1ab: {  	v12 =	vadd.s32 s15, v0;
	v10 =	vor.u32 v0, v10;
	v13 =	vld.idx.msk [tilespmem:v9+s25+$0x0], $0xffff  }
0x1ac: {  	v14 =	vand.u32 $0xFF, v12;
	v12 =	vshll.u32 v12, $0x6;
	v9 =	vld.idx.msk [tilespmem:v9+s26+$0x0], $0xffff  }
0x1ad: {  	v14 =	vor.u32 v1, v14;
	v12 =	vand.u32 $0x3FC0, v12;
	v15 =	vld.idx.msk [tilespmem:v8+s2+$0x0], $0xffff  }
0x1ae: {  	s16 =	simm.s32 $0x1;
	s12 =	simm.s32 $0x4;
	v12 =	vor.u32 v0, v12;
	v16 =	vld.idx.msk [tilespmem:v11+s25+$0x0], $0xffff  }
0x1af: {  	v8 =	vadd.s32 s16, v0;
	v19 =	vld.idx.msk [tilespmem:v11+s26+$0x0], $0xffff;
	v11 =	vadd.s32 s12, v0  }
0x1b0: {  	v10 =	vld.idx.msk [tilespmem:v10+s2+$0x0], $0xffff;
	v17 =	vshll.u32 v8, $0x6;
	v8 =	vand.u32 $0xFF, v8;
	v21 =	vand.u32 $0xFF, v11  }
0x1b1: {  	s15 =	simm.s32 $0x7;
	v11 =	vshll.u32 v11, $0x6;
	v17 =	vand.u32 $0x3FC0, v17;
	v18 =	vor.u32 v1, v8  }
0x1b2: {  	v20 =	vld.idx.msk [tilespmem:v14+s25+$0x0], $0xffff;
	v23 =	vor.u32 v1, v21;
	v21 =	vadd.s32 s15, v0;
	v17 =	vor.u32 v0, v17  }
0x1b3: {  	v13 =	vsub.f32 v15, v13;
	v9 =	vsub.f32 v15, v9;
	v15 =	vld.idx.msk [tilespmem:v12+s2+$0x0], $0xffff;
	v12 =	vand.u32 $0x3FC0, v11  }
0x1b4: {  	v14 =	vld.idx.msk [tilespmem:v14+s26+$0x0], $0xffff;
	v8 =	vimm.f32 $0.0e+00;
	v22 =	vshll.u32 v21, $0x6;
	v29 =	vor.u32 v0, v12  }
0x1b5: {  	v12 =	vsub.f32 v10, v16;
	v10 =	vsub.f32 v10, v19;
	v16 =	vand.u32 $0x3FC0, v22  }
0x1b6: {  	s16 =	simm.s32 $0x6;
	v19 =	vand.u32 $0xFF, v21;
	v11 =	vmul.f32 v13, v13;
	v13 =	vld.idx.msk [tilespmem:v18+s26+$0x0], $0xffff;
	v9 =	vmul.f32 v9, v9  }
0x1b7: {  	v21 =	vor.u32 v0, v16;
	v24 =	vor.u32 v1, v19;
	v16 =	vadd.s32 s16, v0;
	v17 =	vld.idx.msk [tilespmem:v17+s2+$0x0], $0xffff  }
0x1b8: {  	v28 =	vld.idx.msk [tilespmem:v18+s25+$0x0], $0xffff;
	v10 =	vmul.f32 v10, v10;
	v9 =	vadd.f32 v9, v8;
	v20 =	vsub.f32 v15, v20  }
0x1b9: {  	v14 =	vsub.f32 v15, v14;
	v15 =	vshll.u32 v16, $0x6;
	v16 =	vand.u32 $0xFF, v16  }
0x1ba: {  	v10 =	vadd.f32 v10, v8;
	v15 =	vand.u32 $0x3FC0, v15;
	v25 =	vor.u32 v1, v16  }
0x1bb: {  	v18 =	vld.idx.msk [tilespmem:v23+s25+$0x0], $0xffff;
	v16 =	vimm.f32 $0.0e+00;
	v26 =	vmul.f32 v14, v14;
	v22 =	vor.u32 v0, v15  }
0x1bc: {  	v19 =	vld.idx.msk [tilespmem:v23+s26+$0x0], $0xffff;
	v15 =	vimm.f32 $0.0e+00;
	v14 =	vimm.f32 $0.0e+00;
	v27 =	vsub.f32 v17, v13  }
0x1bd: {  	s15 =	simm.s32 $0x8;
	s16 =	simm.s32 $0x5;
	v23 =	vld.idx.msk [tilespmem:v29+s2+$0x0], $0xffff;
	v28 =	vsub.f32 v17, v28;
	v17 =	vimm.f32 $0.0e+00;
	v13 =	vimm.f32 $0.0e+00  }
.LBB2_20:
0x1be: {  	p1 =	sne.s32 s15, $0xFC;
	v29 =	vadd.s32 s16, v0;
	v30 =	vld.idx.msk [tilespmem:v24+s25+$0x0], $0xffff;
	v27 =	vmul.f32 v27, v27;
	v8 =	vadd.f32 v26, v8  }
0x1bf: {  	v26 =	vshll.u32 v29, $0x6;
	v29 =	vand.u32 $0xFF, v29;
	v28 =	vmul.f32 v28, v28  }
0x1c0: {  	v26 =	vand.u32 $0x3FC0, v26;
	v29 =	vor.u32 v1, v29;
	v24 =	vld.idx.msk [tilespmem:v24+s26+$0x0], $0xffff;
	v15 =	vadd.f32 v27, v15  }
0x1c1: {  	v20 =	vmul.f32 v20, v20;
	v26 =	vor.u32 v0, v26;
	v21 =	vld.idx.msk [tilespmem:v21+s2+$0x0], $0xffff;
	v16 =	vadd.f32 v28, v16  }
0x1c2: {  	v17 =	vadd.f32 v11, v17;
	v11 =	vmul.f32 v12, v12;
	v27 =	vadd.s32 s15, v0;
	v28 =	vld.idx.msk [tilespmem:v25+s25+$0x0], $0xffff  }
0x1c3: {  	v13 =	vadd.f32 v20, v13;
	v12 =	vand.u32 $0xFF, v27;
	v18 =	vsub.f32 v23, v18;
	v25 =	vld.idx.msk [tilespmem:v25+s26+$0x0], $0xffff  }
0x1c4: {  	v14 =	vadd.f32 v11, v14;
	v20 =	vshll.u32 v27, $0x6;
	v19 =	vsub.f32 v23, v19;
	v22 =	vld.idx.msk [tilespmem:v22+s2+$0x0], $0xffff  }
0x1c5: {  	s4 =	sadd.s32 $0x3, s15;
	v20 =	vand.u32 $0x3FC0, v20;
	v23 =	vor.u32 v1, v12;
	v11 =	vmul.f32 v18, v18;
	v27 =	vld.idx.msk [tilespmem:v29+s26+$0x0], $0xffff  }
0x1c6: {  	v31 =	vor.u32 v0, v20;
	v18 =	vadd.s32 s4, v0;
	v19 =	vmul.f32 v19, v19;
	v32 =	vld.idx.msk [tilespmem:v26+s2+$0x0], $0xffff  }
0x1c7: {  	v20 =	vshll.u32 v18, $0x6;
	v12 =	vsub.f32 v21, v30;
	v26 =	vsub.f32 v21, v24;
	v29 =	vld.idx.msk [tilespmem:v29+s25+$0x0], $0xffff  }
0x1c8: {  	v18 =	vand.u32 $0xFF, v18;
	v20 =	vand.u32 $0x3FC0, v20;
	v9 =	vadd.f32 v19, v9  }
.Ltmp11:
0x1c9: {  	s4 =	sadd.s32 $0x2, s15;
	v24 =	vor.u32 v1, v18;
	v21 =	vor.u32 v0, v20;
	v19 =	vmul.f32 v26, v26;
	(pc) =	sbr.rel @p1 .LBB2_20-.Ltmp11, $4  }
0x1ca: {  	v26 =	vadd.s32 s4, v0;
	v20 =	vsub.f32 v22, v28;
	v22 =	vsub.f32 v22, v25;
	v18 =	vld.idx.msk [tilespmem:v23+s25+$0x0], $0xffff  }
0x1cb: {  	v25 =	vshll.u32 v26, $0x6;
	v28 =	vand.u32 $0xFF, v26;
	v10 =	vadd.f32 v19, v10  }
0x1cc: {  	v25 =	vand.u32 $0x3FC0, v25;
	v27 =	vsub.f32 v32, v27;
	v26 =	vmul.f32 v22, v22;
	v19 =	vld.idx.msk [tilespmem:v23+s26+$0x0], $0xffff  }
0x1cd: {  	s16 =	sadd.s32 $0x1, s15;
	s15 =	sadd.s32 $0x4, s15;
	v22 =	vor.u32 v0, v25;
	v25 =	vor.u32 v1, v28;
	v28 =	vsub.f32 v32, v29;
	v23 =	vld.idx.msk [tilespmem:v31+s2+$0x0], $0xffff  }
0x1ce: {  	_ =	sdelay $0x1  }
0x1cf: {  	v29 =	vadd.s32 s16, v0  }
0x1d0: {  	v30 =	vshll.u32 v29, $0x6;
	v29 =	vand.u32 $0xFF, v29  }
0x1d1: {  	v31 =	vld.idx.msk [tilespmem:v24+s25+$0x0], $0xffff;
	v30 =	vand.u32 $0x3FC0, v30;
	v29 =	vor.u32 v1, v29  }
0x1d2: {  	v24 =	vld.idx.msk [tilespmem:v24+s26+$0x0], $0xffff;
	v30 =	vor.u32 v0, v30  }
0x1d3: {  	v21 =	vld.idx.msk [tilespmem:v21+s2+$0x0], $0xffff  }
0x1d4: {  	v32 =	vld.idx.msk [tilespmem:v25+s25+$0x0], $0xffff  }
0x1d5: {  	v11 =	vadd.f32 v11, v17;
	v17 =	vld.idx.msk [tilespmem:v22+s2+$0x0], $0xffff  }
0x1d6: {  	v27 =	vmul.f32 v27, v27;
	v8 =	vadd.f32 v26, v8;
	v26 =	vld.idx.msk [tilespmem:v29+s25+$0x0], $0xffff  }
0x1d7: {  	v20 =	vmul.f32 v20, v20;
	v12 =	vmul.f32 v12, v12;
	v30 =	vld.idx.msk [tilespmem:v30+s2+$0x0], $0xffff  }
0x1d8: {  	v28 =	vmul.f32 v28, v28;
	v15 =	vadd.f32 v27, v15;
	v19 =	vsub.f32 v23, v19;
	v27 =	vld.idx.msk [tilespmem:v29+s26+$0x0], $0xffff  }
0x1d9: {  	v22 =	vld.idx.msk [tilespmem:v25+s26+$0x0], $0xffff;
	v13 =	vadd.f32 v20, v13;
	v12 =	vadd.f32 v12, v14  }
0x1da: {  	v16 =	vadd.f32 v28, v16;
	v18 =	vsub.f32 v23, v18;
	v14 =	vmul.f32 v19, v19  }
0x1db: {  	v19 =	vsub.f32 v21, v31;
	v21 =	vsub.f32 v21, v24  }
0x1dc: {  	v9 =	vadd.f32 v14, v9;
	v20 =	vsub.f32 v30, v26  }
0x1dd: {  	v18 =	vmul.f32 v18, v18;
	v14 =	vsub.f32 v17, v32;
	v23 =	vsub.f32 v30, v27  }
0x1de: {  	v21 =	vmul.f32 v21, v21;
	v17 =	vsub.f32 v17, v22;
	v20 =	vmul.f32 v20, v20  }
0x1df: {  	v11 =	vadd.f32 v18, v11;
	v18 =	vmul.f32 v19, v19;
	v22 =	vmul.f32 v23, v23  }
0x1e0: {  	v14 =	vmul.f32 v14, v14;
	v10 =	vadd.f32 v21, v10;
	v16 =	vadd.f32 v20, v16  }
0x1e1: {  	v17 =	vmul.f32 v17, v17;
	v12 =	vadd.f32 v18, v12;
	v15 =	vadd.f32 v22, v15  }
0x1e2: {  	s12 =	simm.s32 $0x1;
	v13 =	vadd.f32 v14, v13;
	v11 =	vadd.f32 v16, v11  }
0x1e3: {  	v8 =	vadd.f32 v17, v8;
	v9 =	vadd.f32 v15, v9;
	v15 =	vadd.s32 s12, v0  }
0x1e4: {  	s4 =	simm.s32 $0x0;
	v17 =	vshll.u32 v15, $0x6;
	v15 =	vand.u32 $0xFF, v15;
	v11 =	vadd.f32 v13, v11  }
0x1e5: {  	v14 =	vadd.s32 s4, v0;
	v8 =	vadd.f32 v8, v9;
	v15 =	vor.u32 v3, v15  }
0x1e6: {  	v13 =	vand.u32 $0xFF, v14;
	v11 =	vadd.f32 v12, v11  }
0x1e7: {  	v13 =	vor.u32 v3, v13;
	v8 =	vadd.f32 v10, v8  }
0x1e8: {  	s15 =	simm.s32 $0x3;
	v9 =	vshll.u32 v14, $0x6;
	v17 =	vand.u32 $0x3FC0, v17;
	[tilespmem:s14+$0x19100] =	vst v11  }
0x1e9: {  	v9 =	vand.u32 $0x3FC0, v9;
	v17 =	vor.u32 v2, v17;
	v12 =	vadd.s32 s15, v0;
	[tilespmem:s14+$0x19900] =	vst v8  }
0x1ea: {  	v9 =	vor.u32 v2, v9;
	v10 =	vand.u32 $0xFF, v12;
	v11 =	vshll.u32 v12, $0x6;
	v22 =	vld.idx.msk [tilespmem:v15+s26+$0x0], $0xffff  }
0x1eb: {  	s16 =	simm.s32 $0x2;
	v10 =	vor.u32 v3, v10;
	v8 =	vand.u32 $0x3FC0, v11;
	v15 =	vld.idx.msk [tilespmem:v15+s25+$0x0], $0xffff  }
0x1ec: {  	v11 =	vadd.s32 s16, v0;
	v8 =	vor.u32 v2, v8;
	v12 =	vld.idx.msk [tilespmem:v13+s25+$0x0], $0xffff  }
0x1ed: {  	v14 =	vand.u32 $0xFF, v11;
	v11 =	vshll.u32 v11, $0x6;
	v13 =	vld.idx.msk [tilespmem:v13+s26+$0x0], $0xffff  }
0x1ee: {  	s14 =	simm.s32 $0x4;
	v17 =	vld.idx.msk [tilespmem:v17+s2+$0x0], $0xffff;
	v14 =	vor.u32 v3, v14;
	v11 =	vand.u32 $0x3FC0, v11  }
0x1ef: {  	v19 =	vadd.s32 s14, v0;
	v9 =	vld.idx.msk [tilespmem:v9+s2+$0x0], $0xffff;
	v11 =	vor.u32 v2, v11  }
0x1f0: {  	v21 =	vand.u32 $0xFF, v19;
	v19 =	vshll.u32 v19, $0x6;
	v16 =	vld.idx.msk [tilespmem:v10+s25+$0x0], $0xffff  }
0x1f1: {  	s15 =	simm.s32 $0x7;
	v19 =	vand.u32 $0x3FC0, v19;
	v18 =	vld.idx.msk [tilespmem:v8+s2+$0x0], $0xffff  }
0x1f2: {  	v29 =	vor.u32 v2, v19;
	v19 =	vadd.s32 s15, v0;
	v10 =	vld.idx.msk [tilespmem:v10+s26+$0x0], $0xffff  }
0x1f3: {  	v23 =	vor.u32 v3, v21;
	v21 =	vshll.u32 v19, $0x6;
	v20 =	vld.idx.msk [tilespmem:v14+s25+$0x0], $0xffff  }
0x1f4: {  	v8 =	vimm.f32 $0.0e+00;
	v12 =	vsub.f32 v9, v12;
	v9 =	vsub.f32 v9, v13;
	v13 =	vld.idx.msk [tilespmem:v11+s2+$0x0], $0xffff  }
0x1f5: {  	v27 =	vsub.f32 v17, v22;
	v28 =	vsub.f32 v17, v15;
	v15 =	vimm.f32 $0.0e+00;
	v14 =	vld.idx.msk [tilespmem:v14+s26+$0x0], $0xffff  }
0x1f6: {  	v17 =	vimm.f32 $0.0e+00;
	v11 =	vmul.f32 v12, v12;
	v12 =	vsub.f32 v18, v16  }
0x1f7: {  	v10 =	vsub.f32 v18, v10;
	v16 =	vand.u32 $0x3FC0, v21;
	v18 =	vand.u32 $0xFF, v19  }
0x1f8: {  	s16 =	simm.s32 $0x6;
	v9 =	vmul.f32 v9, v9;
	v21 =	vor.u32 v2, v16;
	v24 =	vor.u32 v3, v18  }
0x1f9: {  	v16 =	vadd.s32 s16, v0;
	v10 =	vmul.f32 v10, v10;
	v20 =	vsub.f32 v13, v20  }
0x1fa: {  	v13 =	vsub.f32 v13, v14;
	v14 =	vshll.u32 v16, $0x6;
	v16 =	vand.u32 $0xFF, v16  }
0x1fb: {  	v9 =	vadd.f32 v9, v8;
	v19 =	vld.idx.msk [tilespmem:v23+s26+$0x0], $0xffff;
	v14 =	vand.u32 $0x3FC0, v14;
	v25 =	vor.u32 v3, v16  }
0x1fc: {  	v18 =	vld.idx.msk [tilespmem:v23+s25+$0x0], $0xffff;
	v16 =	vimm.f32 $0.0e+00;
	v10 =	vadd.f32 v10, v8;
	v26 =	vmul.f32 v13, v13  }
0x1fd: {  	s14 =	simm.s32 $0x8;
	s15 =	simm.s32 $0x5;
	v23 =	vld.idx.msk [tilespmem:v29+s2+$0x0], $0xffff;
	v22 =	vor.u32 v2, v14;
	v13 =	vimm.f32 $0.0e+00;
	v14 =	vimm.f32 $0.0e+00  }
.LBB2_22:
0x1fe: {  	p1 =	sne.s32 s14, $0xFC;
	v29 =	vadd.s32 s15, v0;
	v30 =	vld.idx.msk [tilespmem:v24+s25+$0x0], $0xffff;
	v27 =	vmul.f32 v27, v27;
	v8 =	vadd.f32 v26, v8  }
0x1ff: {  	v26 =	vshll.u32 v29, $0x6;
	v29 =	vand.u32 $0xFF, v29;
	v28 =	vmul.f32 v28, v28  }
0x200: {  	v26 =	vand.u32 $0x3FC0, v26;
	v29 =	vor.u32 v3, v29;
	v24 =	vld.idx.msk [tilespmem:v24+s26+$0x0], $0xffff;
	v15 =	vadd.f32 v27, v15  }
0x201: {  	v20 =	vmul.f32 v20, v20;
	v26 =	vor.u32 v2, v26;
	v21 =	vld.idx.msk [tilespmem:v21+s2+$0x0], $0xffff;
	v16 =	vadd.f32 v28, v16  }
0x202: {  	v17 =	vadd.f32 v11, v17;
	v11 =	vmul.f32 v12, v12;
	v27 =	vadd.s32 s14, v0;
	v28 =	vld.idx.msk [tilespmem:v25+s25+$0x0], $0xffff  }
0x203: {  	v13 =	vadd.f32 v20, v13;
	v12 =	vand.u32 $0xFF, v27;
	v18 =	vsub.f32 v23, v18;
	v25 =	vld.idx.msk [tilespmem:v25+s26+$0x0], $0xffff  }
0x204: {  	v14 =	vadd.f32 v11, v14;
	v20 =	vshll.u32 v27, $0x6;
	v19 =	vsub.f32 v23, v19;
	v22 =	vld.idx.msk [tilespmem:v22+s2+$0x0], $0xffff  }
0x205: {  	s4 =	sadd.s32 $0x3, s14;
	v20 =	vand.u32 $0x3FC0, v20;
	v23 =	vor.u32 v3, v12;
	v11 =	vmul.f32 v18, v18;
	v27 =	vld.idx.msk [tilespmem:v29+s26+$0x0], $0xffff  }
0x206: {  	v31 =	vor.u32 v2, v20;
	v18 =	vadd.s32 s4, v0;
	v19 =	vmul.f32 v19, v19;
	v32 =	vld.idx.msk [tilespmem:v26+s2+$0x0], $0xffff  }
0x207: {  	v20 =	vshll.u32 v18, $0x6;
	v12 =	vsub.f32 v21, v30;
	v26 =	vsub.f32 v21, v24;
	v29 =	vld.idx.msk [tilespmem:v29+s25+$0x0], $0xffff  }
0x208: {  	v18 =	vand.u32 $0xFF, v18;
	v20 =	vand.u32 $0x3FC0, v20;
	v9 =	vadd.f32 v19, v9  }
.Ltmp12:
0x209: {  	s4 =	sadd.s32 $0x2, s14;
	v24 =	vor.u32 v3, v18;
	v21 =	vor.u32 v2, v20;
	v19 =	vmul.f32 v26, v26;
	(pc) =	sbr.rel @p1 .LBB2_22-.Ltmp12, $4  }
0x20a: {  	v26 =	vadd.s32 s4, v0;
	v20 =	vsub.f32 v22, v28;
	v22 =	vsub.f32 v22, v25;
	v18 =	vld.idx.msk [tilespmem:v23+s25+$0x0], $0xffff  }
0x20b: {  	v25 =	vshll.u32 v26, $0x6;
	v28 =	vand.u32 $0xFF, v26;
	v10 =	vadd.f32 v19, v10  }
0x20c: {  	v25 =	vand.u32 $0x3FC0, v25;
	v27 =	vsub.f32 v32, v27;
	v26 =	vmul.f32 v22, v22;
	v19 =	vld.idx.msk [tilespmem:v23+s26+$0x0], $0xffff  }
0x20d: {  	s15 =	sadd.s32 $0x1, s14;
	s14 =	sadd.s32 $0x4, s14;
	v22 =	vor.u32 v2, v25;
	v25 =	vor.u32 v3, v28;
	v28 =	vsub.f32 v32, v29;
	v23 =	vld.idx.msk [tilespmem:v31+s2+$0x0], $0xffff  }
0x20e: {  	_ =	sdelay $0x1  }
0x20f: {  	v29 =	vadd.s32 s15, v0  }
0x210: {  	v30 =	vshll.u32 v29, $0x6;
	v29 =	vand.u32 $0xFF, v29  }
0x211: {  	v31 =	vld.idx.msk [tilespmem:v24+s25+$0x0], $0xffff;
	v30 =	vand.u32 $0x3FC0, v30;
	v29 =	vor.u32 v3, v29  }
0x212: {  	v24 =	vld.idx.msk [tilespmem:v24+s26+$0x0], $0xffff;
	v30 =	vor.u32 v2, v30  }
0x213: {  	v21 =	vld.idx.msk [tilespmem:v21+s2+$0x0], $0xffff  }
0x214: {  	v32 =	vld.idx.msk [tilespmem:v25+s25+$0x0], $0xffff  }
0x215: {  	v11 =	vadd.f32 v11, v17;
	v17 =	vld.idx.msk [tilespmem:v22+s2+$0x0], $0xffff  }
0x216: {  	v27 =	vmul.f32 v27, v27;
	v8 =	vadd.f32 v26, v8;
	v26 =	vld.idx.msk [tilespmem:v29+s25+$0x0], $0xffff  }
0x217: {  	v20 =	vmul.f32 v20, v20;
	v12 =	vmul.f32 v12, v12;
	v30 =	vld.idx.msk [tilespmem:v30+s2+$0x0], $0xffff  }
0x218: {  	v28 =	vmul.f32 v28, v28;
	v15 =	vadd.f32 v27, v15;
	v19 =	vsub.f32 v23, v19;
	v27 =	vld.idx.msk [tilespmem:v29+s26+$0x0], $0xffff  }
0x219: {  	v22 =	vld.idx.msk [tilespmem:v25+s26+$0x0], $0xffff;
	v13 =	vadd.f32 v20, v13;
	v12 =	vadd.f32 v12, v14  }
0x21a: {  	v16 =	vadd.f32 v28, v16;
	v18 =	vsub.f32 v23, v18;
	v14 =	vmul.f32 v19, v19  }
0x21b: {  	v19 =	vsub.f32 v21, v31;
	v21 =	vsub.f32 v21, v24  }
0x21c: {  	v9 =	vadd.f32 v14, v9;
	v20 =	vsub.f32 v30, v26  }
0x21d: {  	v18 =	vmul.f32 v18, v18;
	v14 =	vsub.f32 v17, v32;
	v23 =	vsub.f32 v30, v27  }
0x21e: {  	v21 =	vmul.f32 v21, v21;
	v17 =	vsub.f32 v17, v22;
	v20 =	vmul.f32 v20, v20  }
0x21f: {  	v11 =	vadd.f32 v18, v11;
	v18 =	vmul.f32 v19, v19;
	v22 =	vmul.f32 v23, v23  }
0x220: {  	v14 =	vmul.f32 v14, v14;
	v10 =	vadd.f32 v21, v10;
	v16 =	vadd.f32 v20, v16  }
0x221: {  	v17 =	vmul.f32 v17, v17;
	v12 =	vadd.f32 v18, v12;
	v15 =	vadd.f32 v22, v15  }
0x222: {  	s12 =	simm.s32 $0x1;
	v13 =	vadd.f32 v14, v13;
	v11 =	vadd.f32 v16, v11  }
0x223: {  	v8 =	vadd.f32 v17, v8;
	v9 =	vadd.f32 v15, v9;
	v15 =	vadd.s32 s12, v0  }
0x224: {  	s4 =	simm.s32 $0x0;
	v17 =	vshll.u32 v15, $0x6;
	v15 =	vand.u32 $0xFF, v15;
	v11 =	vadd.f32 v13, v11  }
0x225: {  	v14 =	vadd.s32 s4, v0;
	v8 =	vadd.f32 v8, v9;
	v15 =	vor.u32 v6, v15  }
0x226: {  	v13 =	vand.u32 $0xFF, v14;
	v11 =	vadd.f32 v12, v11  }
0x227: {  	v13 =	vor.u32 v6, v13;
	v8 =	vadd.f32 v10, v8  }
0x228: {  	s15 =	simm.s32 $0x3;
	v9 =	vshll.u32 v14, $0x6;
	v17 =	vand.u32 $0x3FC0, v17;
	[tilespmem:s10+$0x19150] =	vst v11  }
0x229: {  	v9 =	vand.u32 $0x3FC0, v9;
	v17 =	vor.u32 v4, v17;
	v12 =	vadd.s32 s15, v0;
	[tilespmem:s10+$0x19950] =	vst v8  }
0x22a: {  	v9 =	vor.u32 v4, v9;
	v10 =	vand.u32 $0xFF, v12;
	v11 =	vshll.u32 v12, $0x6;
	v22 =	vld.idx.msk [tilespmem:v15+s26+$0x0], $0xffff  }
0x22b: {  	s16 =	simm.s32 $0x2;
	v10 =	vor.u32 v6, v10;
	v8 =	vand.u32 $0x3FC0, v11;
	v15 =	vld.idx.msk [tilespmem:v15+s25+$0x0], $0xffff  }
0x22c: {  	v11 =	vadd.s32 s16, v0;
	v8 =	vor.u32 v4, v8;
	v12 =	vld.idx.msk [tilespmem:v13+s25+$0x0], $0xffff  }
0x22d: {  	v14 =	vand.u32 $0xFF, v11;
	v11 =	vshll.u32 v11, $0x6;
	v13 =	vld.idx.msk [tilespmem:v13+s26+$0x0], $0xffff  }
0x22e: {  	s14 =	simm.s32 $0x4;
	v17 =	vld.idx.msk [tilespmem:v17+s2+$0x0], $0xffff;
	v14 =	vor.u32 v6, v14;
	v11 =	vand.u32 $0x3FC0, v11  }
0x22f: {  	v19 =	vadd.s32 s14, v0;
	v9 =	vld.idx.msk [tilespmem:v9+s2+$0x0], $0xffff;
	v11 =	vor.u32 v4, v11  }
0x230: {  	v21 =	vand.u32 $0xFF, v19;
	v19 =	vshll.u32 v19, $0x6;
	v16 =	vld.idx.msk [tilespmem:v10+s25+$0x0], $0xffff  }
0x231: {  	v19 =	vand.u32 $0x3FC0, v19;
	s15 =	simm.s32 $0x7;
	v18 =	vld.idx.msk [tilespmem:v8+s2+$0x0], $0xffff  }
0x232: {  	v29 =	vor.u32 v4, v19;
	v19 =	vadd.s32 s15, v0;
	v10 =	vld.idx.msk [tilespmem:v10+s26+$0x0], $0xffff  }
0x233: {  	v23 =	vor.u32 v6, v21;
	v21 =	vshll.u32 v19, $0x6;
	v20 =	vld.idx.msk [tilespmem:v14+s25+$0x0], $0xffff  }
0x234: {  	v8 =	vimm.f32 $0.0e+00;
	v12 =	vsub.f32 v9, v12;
	v9 =	vsub.f32 v9, v13;
	v13 =	vld.idx.msk [tilespmem:v11+s2+$0x0], $0xffff  }
0x235: {  	v27 =	vsub.f32 v17, v22;
	v28 =	vsub.f32 v17, v15;
	v15 =	vimm.f32 $0.0e+00;
	v14 =	vld.idx.msk [tilespmem:v14+s26+$0x0], $0xffff  }
0x236: {  	v17 =	vimm.f32 $0.0e+00;
	v11 =	vmul.f32 v12, v12;
	v12 =	vsub.f32 v18, v16  }
0x237: {  	v10 =	vsub.f32 v18, v10;
	v16 =	vand.u32 $0x3FC0, v21;
	v18 =	vand.u32 $0xFF, v19  }
0x238: {  	s16 =	simm.s32 $0x6;
	v9 =	vmul.f32 v9, v9;
	v21 =	vor.u32 v4, v16;
	v24 =	vor.u32 v6, v18  }
0x239: {  	v16 =	vadd.s32 s16, v0;
	v10 =	vmul.f32 v10, v10;
	v20 =	vsub.f32 v13, v20  }
0x23a: {  	v13 =	vsub.f32 v13, v14;
	v14 =	vshll.u32 v16, $0x6;
	v16 =	vand.u32 $0xFF, v16  }
0x23b: {  	v9 =	vadd.f32 v9, v8;
	v19 =	vld.idx.msk [tilespmem:v23+s26+$0x0], $0xffff;
	v14 =	vand.u32 $0x3FC0, v14;
	v25 =	vor.u32 v6, v16  }
0x23c: {  	v18 =	vld.idx.msk [tilespmem:v23+s25+$0x0], $0xffff;
	v16 =	vimm.f32 $0.0e+00;
	v10 =	vadd.f32 v10, v8;
	v26 =	vmul.f32 v13, v13  }
0x23d: {  	s14 =	simm.s32 $0x8;
	s15 =	simm.s32 $0x5;
	v23 =	vld.idx.msk [tilespmem:v29+s2+$0x0], $0xffff;
	v22 =	vor.u32 v4, v14;
	v13 =	vimm.f32 $0.0e+00;
	v14 =	vimm.f32 $0.0e+00  }
.LBB2_24:
0x23e: {  	p1 =	sne.s32 s14, $0xFC;
	v29 =	vadd.s32 s15, v0;
	v30 =	vld.idx.msk [tilespmem:v24+s25+$0x0], $0xffff;
	v27 =	vmul.f32 v27, v27;
	v8 =	vadd.f32 v26, v8  }
0x23f: {  	v26 =	vshll.u32 v29, $0x6;
	v29 =	vand.u32 $0xFF, v29;
	v28 =	vmul.f32 v28, v28  }
0x240: {  	v26 =	vand.u32 $0x3FC0, v26;
	v29 =	vor.u32 v6, v29;
	v24 =	vld.idx.msk [tilespmem:v24+s26+$0x0], $0xffff;
	v15 =	vadd.f32 v27, v15  }
0x241: {  	v20 =	vmul.f32 v20, v20;
	v26 =	vor.u32 v4, v26;
	v21 =	vld.idx.msk [tilespmem:v21+s2+$0x0], $0xffff;
	v16 =	vadd.f32 v28, v16  }
0x242: {  	v17 =	vadd.f32 v11, v17;
	v11 =	vmul.f32 v12, v12;
	v27 =	vadd.s32 s14, v0;
	v28 =	vld.idx.msk [tilespmem:v25+s25+$0x0], $0xffff  }
0x243: {  	v13 =	vadd.f32 v20, v13;
	v12 =	vand.u32 $0xFF, v27;
	v18 =	vsub.f32 v23, v18;
	v25 =	vld.idx.msk [tilespmem:v25+s26+$0x0], $0xffff  }
0x244: {  	v14 =	vadd.f32 v11, v14;
	v20 =	vshll.u32 v27, $0x6;
	v19 =	vsub.f32 v23, v19;
	v22 =	vld.idx.msk [tilespmem:v22+s2+$0x0], $0xffff  }
0x245: {  	s4 =	sadd.s32 $0x3, s14;
	v20 =	vand.u32 $0x3FC0, v20;
	v23 =	vor.u32 v6, v12;
	v11 =	vmul.f32 v18, v18;
	v27 =	vld.idx.msk [tilespmem:v29+s26+$0x0], $0xffff  }
0x246: {  	v31 =	vor.u32 v4, v20;
	v18 =	vadd.s32 s4, v0;
	v19 =	vmul.f32 v19, v19;
	v32 =	vld.idx.msk [tilespmem:v26+s2+$0x0], $0xffff  }
0x247: {  	v20 =	vshll.u32 v18, $0x6;
	v12 =	vsub.f32 v21, v30;
	v26 =	vsub.f32 v21, v24;
	v29 =	vld.idx.msk [tilespmem:v29+s25+$0x0], $0xffff  }
0x248: {  	v18 =	vand.u32 $0xFF, v18;
	v20 =	vand.u32 $0x3FC0, v20;
	v9 =	vadd.f32 v19, v9  }
.Ltmp13:
0x249: {  	s4 =	sadd.s32 $0x2, s14;
	v24 =	vor.u32 v6, v18;
	v21 =	vor.u32 v4, v20;
	v19 =	vmul.f32 v26, v26;
	(pc) =	sbr.rel @p1 .LBB2_24-.Ltmp13, $4  }
0x24a: {  	v26 =	vadd.s32 s4, v0;
	v20 =	vsub.f32 v22, v28;
	v22 =	vsub.f32 v22, v25;
	v18 =	vld.idx.msk [tilespmem:v23+s25+$0x0], $0xffff  }
0x24b: {  	v25 =	vshll.u32 v26, $0x6;
	v28 =	vand.u32 $0xFF, v26;
	v10 =	vadd.f32 v19, v10  }
0x24c: {  	v25 =	vand.u32 $0x3FC0, v25;
	v27 =	vsub.f32 v32, v27;
	v26 =	vmul.f32 v22, v22;
	v19 =	vld.idx.msk [tilespmem:v23+s26+$0x0], $0xffff  }
0x24d: {  	s15 =	sadd.s32 $0x1, s14;
	s14 =	sadd.s32 $0x4, s14;
	v22 =	vor.u32 v4, v25;
	v25 =	vor.u32 v6, v28;
	v28 =	vsub.f32 v32, v29;
	v23 =	vld.idx.msk [tilespmem:v31+s2+$0x0], $0xffff  }
0x24e: {  	_ = 	snop  }
0x24f: {  	v29 =	vadd.s32 s15, v0  }
0x250: {  	v30 =	vshll.u32 v29, $0x6;
	v29 =	vand.u32 $0xFF, v29  }
0x251: {  	v30 =	vand.u32 $0x3FC0, v30;
	v6 =	vor.u32 v6, v29  }
0x252: {  	v31 =	vld.idx.msk [tilespmem:v24+s25+$0x0], $0xffff;
	v30 =	vor.u32 v4, v30  }
0x253: {  	v24 =	vld.idx.msk [tilespmem:v24+s26+$0x0], $0xffff  }
0x254: {  	v21 =	vld.idx.msk [tilespmem:v21+s2+$0x0], $0xffff  }
0x255: {  	v11 =	vadd.f32 v11, v17;
	v17 =	vld.idx.msk [tilespmem:v22+s2+$0x0], $0xffff  }
0x256: {  	v8 =	vadd.f32 v26, v8;
	v26 =	vld.idx.msk [tilespmem:v6+s25+$0x0], $0xffff  }
0x257: {  	v27 =	vmul.f32 v27, v27;
	v20 =	vmul.f32 v20, v20;
	v30 =	vld.idx.msk [tilespmem:v30+s2+$0x0], $0xffff  }
0x258: {  	v12 =	vmul.f32 v12, v12;
	v6 =	vld.idx.msk [tilespmem:v6+s26+$0x0], $0xffff  }
0x259: {  	v28 =	vmul.f32 v28, v28;
	v29 =	vld.idx.msk [tilespmem:v25+s25+$0x0], $0xffff;
	v15 =	vadd.f32 v27, v15;
	v13 =	vadd.f32 v20, v13  }
0x25a: {  	v22 =	vld.idx.msk [tilespmem:v25+s26+$0x0], $0xffff;
	v12 =	vadd.f32 v12, v14;
	v19 =	vsub.f32 v23, v19  }
0x25b: {  	v16 =	vadd.f32 v28, v16;
	v18 =	vsub.f32 v23, v18  }
0x25c: {  	v14 =	vmul.f32 v19, v19;
	v19 =	vsub.f32 v21, v31;
	v20 =	vsub.f32 v30, v26  }
0x25d: {  	v18 =	vmul.f32 v18, v18;
	v21 =	vsub.f32 v21, v24;
	v6 =	vsub.f32 v30, v6  }
0x25e: {  	v9 =	vadd.f32 v14, v9;
	v14 =	vsub.f32 v17, v29;
	v20 =	vmul.f32 v20, v20  }
0x25f: {  	v21 =	vmul.f32 v21, v21;
	v17 =	vsub.f32 v17, v22;
	v6 =	vmul.f32 v6, v6  }
0x260: {  	v11 =	vadd.f32 v18, v11;
	v14 =	vmul.f32 v14, v14;
	v16 =	vadd.f32 v20, v16  }
0x261: {  	v10 =	vadd.f32 v21, v10;
	v17 =	vmul.f32 v17, v17;
	v6 =	vadd.f32 v6, v15  }
0x262: {  	s4 =	simm.s32 $0x0;
	v13 =	vadd.f32 v14, v13;
	v15 =	vmul.f32 v19, v19;
	v11 =	vadd.f32 v16, v11  }
0x263: {  	v8 =	vadd.f32 v17, v8;
	v6 =	vadd.f32 v6, v9;
	v9 =	vadd.s32 s4, v0  }
0x264: {  	v12 =	vadd.f32 v15, v12;
	v11 =	vadd.f32 v13, v11;
	v13 =	vand.u32 $0xFF, v9  }
0x265: {  	v6 =	vadd.f32 v8, v6;
	v8 =	vshll.u32 v9, $0x6;
	v9 =	vor.u32 v7, v13  }
0x266: {  	s15 =	simm.s32 $0x3;
	v8 =	vand.u32 $0x3FC0, v8;
	v11 =	vadd.f32 v12, v11  }
0x267: {  	v12 =	vadd.s32 s15, v0;
	v6 =	vadd.f32 v10, v6;
	v8 =	vor.u32 v5, v8  }
0x268: {  	v10 =	vand.u32 $0xFF, v12;
	[tilespmem:s10+$0x19160] =	vst v11  }
0x269: {  	s16 =	simm.s32 $0x2;
	v11 =	vshll.u32 v12, $0x6;
	v10 =	vor.u32 v7, v10;
	[tilespmem:s10+$0x19960] =	vst v6  }
0x26a: {  	v6 =	vand.u32 $0x3FC0, v11;
	v11 =	vadd.s32 s16, v0;
	v12 =	vld.idx.msk [tilespmem:v9+s25+$0x0], $0xffff  }
0x26b: {  	v6 =	vor.u32 v5, v6;
	v13 =	vand.u32 $0xFF, v11;
	v11 =	vshll.u32 v11, $0x6;
	v14 =	vld.idx.msk [tilespmem:v9+s26+$0x0], $0xffff  }
0x26c: {  	s12 =	simm.s32 $0x1;
	v13 =	vor.u32 v7, v13;
	v9 =	vand.u32 $0x3FC0, v11;
	v8 =	vld.idx.msk [tilespmem:v8+s2+$0x0], $0xffff  }
0x26d: {  	v11 =	vadd.s32 s12, v0;
	v15 =	vor.u32 v5, v9  }
0x26e: {  	v9 =	vshll.u32 v11, $0x6;
	v11 =	vand.u32 $0xFF, v11;
	v16 =	vld.idx.msk [tilespmem:v10+s25+$0x0], $0xffff  }
0x26f: {  	s14 =	simm.s32 $0x4;
	v9 =	vand.u32 $0x3FC0, v9;
	v17 =	vor.u32 v7, v11;
	v18 =	vld.idx.msk [tilespmem:v10+s26+$0x0], $0xffff  }
0x270: {  	v10 =	vadd.s32 s14, v0;
	v11 =	vor.u32 v5, v9;
	v9 =	vimm.f32 $0.0e+00;
	v6 =	vld.idx.msk [tilespmem:v6+s2+$0x0], $0xffff  }
0x271: {  	v20 =	vand.u32 $0xFF, v10;
	v10 =	vshll.u32 v10, $0x6;
	v19 =	vld.idx.msk [tilespmem:v13+s25+$0x0], $0xffff;
	v12 =	vsub.f32 v8, v12  }
0x272: {  	s15 =	simm.s32 $0x7;
	v21 =	vor.u32 v7, v20;
	v8 =	vsub.f32 v8, v14;
	v14 =	vld.idx.msk [tilespmem:v15+s2+$0x0], $0xffff;
	v15 =	vand.u32 $0x3FC0, v10  }
0x273: {  	v13 =	vld.idx.msk [tilespmem:v13+s26+$0x0], $0xffff;
	v10 =	vmul.f32 v12, v12;
	v28 =	vor.u32 v5, v15;
	v15 =	vadd.s32 s15, v0  }
0x274: {  	v12 =	vld.idx.msk [tilespmem:v17+s26+$0x0], $0xffff;
	v8 =	vmul.f32 v8, v8;
	v20 =	vshll.u32 v15, $0x6;
	v15 =	vand.u32 $0xFF, v15  }
0x275: {  	s16 =	simm.s32 $0x6;
	v27 =	vld.idx.msk [tilespmem:v11+s2+$0x0], $0xffff;
	v11 =	vsub.f32 v6, v16;
	v6 =	vsub.f32 v6, v18;
	v16 =	vand.u32 $0x3FC0, v20  }
0x276: {  	v29 =	vld.idx.msk [tilespmem:v17+s25+$0x0], $0xffff;
	v8 =	vadd.f32 v8, v9;
	v23 =	vor.u32 v7, v15;
	v15 =	vadd.s32 s16, v0  }
0x277: {  	v20 =	vor.u32 v5, v16;
	v6 =	vmul.f32 v6, v6;
	v19 =	vsub.f32 v14, v19  }
0x278: {  	v13 =	vsub.f32 v14, v13;
	v14 =	vshll.u32 v15, $0x6;
	v15 =	vand.u32 $0xFF, v15  }
0x279: {  	v16 =	vimm.f32 $0.0e+00;
	v14 =	vand.u32 $0x3FC0, v14;
	v24 =	vor.u32 v7, v15  }
0x27a: {  	v17 =	vld.idx.msk [tilespmem:v21+s25+$0x0], $0xffff;
	v15 =	vimm.f32 $0.0e+00;
	v6 =	vadd.f32 v6, v9;
	v26 =	vsub.f32 v27, v12  }
0x27b: {  	v18 =	vld.idx.msk [tilespmem:v21+s26+$0x0], $0xffff;
	v25 =	vmul.f32 v13, v13;
	v22 =	vor.u32 v5, v14;
	v27 =	vsub.f32 v27, v29  }
0x27c: {  	s14 =	simm.s32 $0x8;
	s15 =	simm.s32 $0x5;
	v21 =	vld.idx.msk [tilespmem:v28+s2+$0x0], $0xffff;
	v14 =	vimm.f32 $0.0e+00;
	v13 =	vimm.f32 $0.0e+00;
	v12 =	vimm.f32 $0.0e+00  }
.LBB2_26:
0x27d: {  	p1 =	sne.s32 s14, $0xFC;
	v28 =	vadd.s32 s15, v0;
	v29 =	vld.idx.msk [tilespmem:v23+s25+$0x0], $0xffff;
	v26 =	vmul.f32 v26, v26;
	v9 =	vadd.f32 v25, v9  }
0x27e: {  	v25 =	vshll.u32 v28, $0x6;
	v28 =	vand.u32 $0xFF, v28;
	v27 =	vmul.f32 v27, v27  }
0x27f: {  	v25 =	vand.u32 $0x3FC0, v25;
	v28 =	vor.u32 v7, v28;
	v23 =	vld.idx.msk [tilespmem:v23+s26+$0x0], $0xffff;
	v14 =	vadd.f32 v26, v14  }
0x280: {  	v19 =	vmul.f32 v19, v19;
	v25 =	vor.u32 v5, v25;
	v20 =	vld.idx.msk [tilespmem:v20+s2+$0x0], $0xffff;
	v15 =	vadd.f32 v27, v15  }
0x281: {  	v16 =	vadd.f32 v10, v16;
	v10 =	vmul.f32 v11, v11;
	v26 =	vadd.s32 s14, v0;
	v27 =	vld.idx.msk [tilespmem:v24+s25+$0x0], $0xffff  }
0x282: {  	v13 =	vadd.f32 v19, v13;
	v11 =	vand.u32 $0xFF, v26;
	v17 =	vsub.f32 v21, v17;
	v24 =	vld.idx.msk [tilespmem:v24+s26+$0x0], $0xffff  }
0x283: {  	v12 =	vadd.f32 v10, v12;
	v19 =	vshll.u32 v26, $0x6;
	v18 =	vsub.f32 v21, v18;
	v21 =	vld.idx.msk [tilespmem:v22+s2+$0x0], $0xffff  }
0x284: {  	s4 =	sadd.s32 $0x3, s14;
	v19 =	vand.u32 $0x3FC0, v19;
	v22 =	vor.u32 v7, v11;
	v10 =	vmul.f32 v17, v17;
	v26 =	vld.idx.msk [tilespmem:v28+s26+$0x0], $0xffff  }
0x285: {  	v30 =	vor.u32 v5, v19;
	v17 =	vadd.s32 s4, v0;
	v18 =	vmul.f32 v18, v18;
	v31 =	vld.idx.msk [tilespmem:v25+s2+$0x0], $0xffff  }
0x286: {  	v19 =	vshll.u32 v17, $0x6;
	v11 =	vsub.f32 v20, v29;
	v25 =	vsub.f32 v20, v23;
	v28 =	vld.idx.msk [tilespmem:v28+s25+$0x0], $0xffff  }
0x287: {  	v17 =	vand.u32 $0xFF, v17;
	v19 =	vand.u32 $0x3FC0, v19;
	v8 =	vadd.f32 v18, v8  }
.Ltmp14:
0x288: {  	s4 =	sadd.s32 $0x2, s14;
	v23 =	vor.u32 v7, v17;
	v20 =	vor.u32 v5, v19;
	v18 =	vmul.f32 v25, v25;
	(pc) =	sbr.rel @p1 .LBB2_26-.Ltmp14, $4  }
0x289: {  	v25 =	vadd.s32 s4, v0;
	v19 =	vsub.f32 v21, v27;
	v21 =	vsub.f32 v21, v24;
	v17 =	vld.idx.msk [tilespmem:v22+s25+$0x0], $0xffff  }
0x28a: {  	v24 =	vshll.u32 v25, $0x6;
	v27 =	vand.u32 $0xFF, v25;
	v6 =	vadd.f32 v18, v6  }
0x28b: {  	v26 =	vsub.f32 v31, v26;
	v25 =	vmul.f32 v21, v21;
	v18 =	vld.idx.msk [tilespmem:v22+s26+$0x0], $0xffff;
	v22 =	vand.u32 $0x3FC0, v24  }
0x28c: {  	s15 =	sadd.s32 $0x1, s14;
	s14 =	sadd.s32 $0x4, s14;
	v24 =	vor.u32 v7, v27;
	v27 =	vsub.f32 v31, v28;
	v21 =	vld.idx.msk [tilespmem:v30+s2+$0x0], $0xffff;
	v22 =	vor.u32 v5, v22  }
0x28d: {  	_ = 	snop  }
0x28e: {  	v28 =	vadd.s32 s15, v0  }
0x28f: {  	v29 =	vshll.u32 v28, $0x6;
	v28 =	vand.u32 $0xFF, v28  }
0x290: {  	v29 =	vand.u32 $0x3FC0, v29;
	v7 =	vor.u32 v7, v28  }
0x291: {  	v30 =	vld.idx.msk [tilespmem:v23+s25+$0x0], $0xffff;
	v29 =	vor.u32 v5, v29  }
0x292: {  	v20 =	vld.idx.msk [tilespmem:v20+s2+$0x0], $0xffff  }
0x293: {  	v53 =	vld.idx.msk [tilespmem:v24+s25+$0x0], $0xffff  }
0x294: {  	v22 =	vld.idx.msk [tilespmem:v22+s2+$0x0], $0xffff  }
0x295: {  	v31 =	vld.idx.msk [tilespmem:v7+s25+$0x0], $0xffff  }
0x296: {  	v26 =	vmul.f32 v26, v26;
	v9 =	vadd.f32 v25, v9;
	v19 =	vmul.f32 v19, v19;
	v29 =	vld.idx.msk [tilespmem:v29+s2+$0x0], $0xffff  }
0x297: {  	v10 =	vadd.f32 v10, v16;
	v11 =	vmul.f32 v11, v11;
	v27 =	vmul.f32 v27, v27;
	v7 =	vld.idx.msk [tilespmem:v7+s26+$0x0], $0xffff  }
0x298: {  	v52 =	vld.idx.msk [tilespmem:v23+s26+$0x0], $0xffff;
	v14 =	vadd.f32 v26, v14;
	v13 =	vadd.f32 v19, v13  }
0x299: {  	v55 =	vld.idx.msk [tilespmem:v24+s26+$0x0], $0xffff;
	v11 =	vadd.f32 v11, v12;
	v15 =	vadd.f32 v27, v15  }
0x29a: {  	v54 =	vsub.f32 v21, v17;
	v18 =	vsub.f32 v21, v18  }
0x29b: {  	v57 =	vsub.f32 v20, v30;
	v56 =	vsub.f32 v29, v31  }
0x29c: {  	v58 =	vsub.f32 v22, v53;
	v7 =	vsub.f32 v29, v7  }
0x29d: {  	v20 =	vsub.f32 v20, v52;
	v16 =	vmul.f32 v54, v54;
	v12 =	vmul.f32 v56, v56  }
0x29e: {  	v17 =	vsub.f32 v22, v55;
	v18 =	vmul.f32 v18, v18;
	v7 =	vmul.f32 v7, v7  }
0x29f: {  	v59 =	vmul.f32 v58, v58;
	v10 =	vadd.f32 v16, v10;
	v12 =	vadd.f32 v12, v15  }
0x2a0: {  	v60 =	vmul.f32 v17, v17;
	v8 =	vadd.f32 v18, v8;
	v7 =	vadd.f32 v7, v14  }
0x2a1: {  	v61 =	vmul.f32 v57, v57;
	v13 =	vadd.f32 v59, v13;
	v10 =	vadd.f32 v12, v10  }
0x2a2: {  	p1 =	sne.s32 s11, $0xF;
	v62 =	vmul.f32 v20, v20;
	v9 =	vadd.f32 v60, v9;
	v7 =	vadd.f32 v7, v8  }
0x2a3: {  	p1 =	por p1, p0;
	v63 =	vadd.f32 v61, v11;
	v10 =	vadd.f32 v13, v10  }
.Ltmp15:
0x2a4: {  	v6 =	vadd.f32 v62, v6;
	v7 =	vadd.f32 v9, v7;
	(pc) =	sbr.rel @!p1 .LBB2_28-.Ltmp15, $4  }
0x2a5: {  	v8 =	vadd.f32 v63, v10  }
0x2a6: {  	v6 =	vadd.f32 v6, v7  }
0x2a7: {  	[tilespmem:s10+$0x19170] =	vst v8  }
0x2a8: {  	[tilespmem:s10+$0x19970] =	vst v6  }
0x2a9: {  	s11 =	sadd.s32 $0x1, s11  }
0x2aa: {  	p1 =	sne.s32 s11, $0x10  }
.Ltmp16:
0x2ab: {  	_ = 	snop;
	(pc) =	sbr.rel @p1 .LBB2_3-.Ltmp16, $4  }
.Ltmp17:
0x2ac: {  	_ = 	snop;
	(pc) =	sbr.rel @!p1 .LBB2_32-.Ltmp17, $4  }
0x2ad: {  	_ = 	snop  }
0x2ae: {  	_ = 	snop  }
0x2af: {  	_ = 	snop  }
0x2b0: {  	_ = 	snop  }
.LBB2_28:
0x2b1: {  	s4 =	simm.s32 $0x1  }
0x2b2: {  	s16 =	simm.s32 $0x0;
	s11 =	simm.s32 $0x2;
	v6 =	vadd.s32 s4, v0  }
0x2b3: {  	v8 =	vadd.s32 s16, v0;
	v9 =	vadd.s32 s11, v0;
	v11 =	vand.u32 $0xFF, v6  }
0x2b4: {  	v7 =	vshll.u32 v6, $0x6;
	v10 =	vshll.u32 v8, $0x6;
	v8 =	vand.u32 $0xFF, v8  }
0x2b5: {  	v6 =	vshll.u32 v9, $0x6;
	v9 =	vand.u32 $0xFF, v9;
	v7 =	vand.u32 $0x3FC0, v7  }
0x2b6: {  	v10 =	vand.u32 $0x3FC0, v10;
	v7 =	vor.u32 v5, v7  }
0x2b7: {  	s12 =	simm.s32 $0x3;
	v6 =	vand.u32 $0x3FC0, v6;
	v10 =	vor.u32 v5, v10  }
0x2b8: {  	v13 =	vadd.s32 s12, v0;
	v12 =	vor.u32 v5, v6;
	v11 =	vld.idx.msk [tilespmem:v11+s17+$0x0], $0xffff  }
0x2b9: {  	v14 =	vshll.u32 v13, $0x6;
	v18 =	vld.idx.msk [tilespmem:v8+s17+$0x0], $0xffff  }
0x2ba: {  	s14 =	simm.s32 $0x5;
	s11 =	simm.s32 $0x6;
	v13 =	vand.u32 $0xFF, v13;
	v14 =	vand.u32 $0x3FC0, v14;
	v9 =	vld.idx.msk [tilespmem:v9+s17+$0x0], $0xffff  }
0x2bb: {  	v15 =	vadd.s32 s14, v0;
	v16 =	vadd.s32 s11, v0;
	v14 =	vor.u32 v5, v14;
	v7 =	vld.idx.msk [tilespmem:v7+s2+$0x0], $0xffff  }
0x2bc: {  	v19 =	vand.u32 $0xFF, v15;
	v17 =	vshll.u32 v16, $0x6;
	v8 =	vshll.u32 v15, $0x6;
	v10 =	vld.idx.msk [tilespmem:v10+s2+$0x0], $0xffff  }
0x2bd: {  	s15 =	simm.s32 $0x4;
	v6 =	vimm.f32 $0.0e+00;
	v17 =	vand.u32 $0x3FC0, v17;
	v8 =	vand.u32 $0x3FC0, v8;
	v21 =	vld.idx.msk [tilespmem:v12+s2+$0x0], $0xffff  }
0x2be: {  	v20 =	vor.u32 v5, v17;
	v12 =	vadd.s32 s15, v0;
	v23 =	vor.u32 v5, v8  }
0x2bf: {  	s16 =	simm.s32 $0x7;
	v8 =	vand.u32 $0xFF, v16;
	v17 =	vshll.u32 v12, $0x6;
	v16 =	vand.u32 $0xFF, v12;
	v12 =	vld.idx.msk [tilespmem:v13+s17+$0x0], $0xffff  }
0x2c0: {  	v13 =	vld.idx.msk [tilespmem:v14+s2+$0x0], $0xffff;
	v17 =	vand.u32 $0x3FC0, v17;
	v7 =	vsub.f32 v7, v11;
	v11 =	vadd.s32 s16, v0  }
0x2c1: {  	v17 =	vor.u32 v5, v17;
	v10 =	vsub.f32 v10, v18;
	v15 =	vshll.u32 v11, $0x6  }
0x2c2: {  	v21 =	vsub.f32 v21, v9;
	v9 =	vimm.f32 $0.0e+00;
	v14 =	vand.u32 $0x3FC0, v15  }
0x2c3: {  	v15 =	vand.u32 $0xFF, v11;
	v22 =	vmul.f32 v7, v7;
	v11 =	vld.idx.msk [tilespmem:v20+s2+$0x0], $0xffff;
	v20 =	vmul.f32 v10, v10  }
0x2c4: {  	s11 =	simm.s32 $0x8;
	v10 =	vimm.f32 $0.0e+00;
	v7 =	vimm.f32 $0.0e+00;
	v18 =	vor.u32 v5, v14;
	v14 =	vld.idx.msk [tilespmem:v23+s2+$0x0], $0xffff  }
.LBB2_29:
0x2c5: {  	v23 =	vadd.s32 s11, v0;
	s4 =	sadd.s32 $0x1, s11;
	s12 =	sadd.s32 $0x2, s11;
	s14 =	sadd.s32 $0x3, s11;
	v24 =	vld.idx.msk [tilespmem:v19+s17+$0x0], $0xffff;
	v6 =	vadd.f32 v22, v6;
	v12 =	vsub.f32 v13, v12  }
0x2c6: {  	p1 =	sne.s32 s11, $0xFC;
	s11 =	sadd.s32 $0x4, s11;
	v19 =	vadd.s32 s4, v0;
	v13 =	vadd.s32 s12, v0;
	v22 =	vld.idx.msk [tilespmem:v16+s17+$0x0], $0xffff;
	v16 =	vmul.f32 v21, v21  }
0x2c7: {  	v21 =	vshll.u32 v19, $0x6;
	v25 =	vshll.u32 v13, $0x6;
	v26 =	vld.idx.msk [tilespmem:v17+s2+$0x0], $0xffff;
	v17 =	vmul.f32 v12, v12  }
0x2c8: {  	v10 =	vadd.f32 v20, v10;
	v12 =	vand.u32 $0x3FC0, v21;
	v21 =	vand.u32 $0x3FC0, v25;
	v25 =	vld.idx.msk [tilespmem:v8+s17+$0x0], $0xffff  }
0x2c9: {  	v20 =	vor.u32 v5, v12;
	v21 =	vor.u32 v5, v21;
	v12 =	vld.idx.msk [tilespmem:v15+s17+$0x0], $0xffff;
	v7 =	vadd.f32 v17, v7  }
0x2ca: {  	v8 =	vand.u32 $0xFF, v13;
	v9 =	vadd.f32 v16, v9;
	v27 =	vmovc v11;
	v15 =	vshll.u32 v23, $0x6;
	v13 =	vld.idx.msk [tilespmem:v18+s2+$0x0], $0xffff  }
.Ltmp18:
0x2cb: {  	v19 =	vand.u32 $0xFF, v19;
	v11 =	vand.u32 $0x3FC0, v15;
	v14 =	vsub.f32 v14, v24;
	(pc) =	sbr.rel @p1 .LBB2_29-.Ltmp18, $4  }
0x2cc: {  	v16 =	vand.u32 $0xFF, v23;
	v15 =	vadd.s32 s14, v0  }
0x2cd: {  	v17 =	vor.u32 v5, v11;
	v18 =	vshll.u32 v15, $0x6;
	v23 =	vsub.f32 v26, v22  }
0x2ce: {  	v15 =	vand.u32 $0xFF, v15;
	v18 =	vand.u32 $0x3FC0, v18;
	v22 =	vmul.f32 v14, v14;
	v11 =	vld.idx.msk [tilespmem:v21+s2+$0x0], $0xffff  }
0x2cf: {  	v18 =	vor.u32 v5, v18;
	v21 =	vsub.f32 v27, v25;
	v14 =	vld.idx.msk [tilespmem:v20+s2+$0x0], $0xffff;
	v20 =	vmul.f32 v23, v23  }
0x2d0: {  	_ =	sdelay $0x3  }
0x2d1: {  	v5 =	vld.idx.msk [tilespmem:v19+s17+$0x0], $0xffff  }
0x2d2: {  	v16 =	vld.idx.msk [tilespmem:v16+s17+$0x0], $0xffff  }
0x2d3: {  	v17 =	vld.idx.msk [tilespmem:v17+s2+$0x0], $0xffff;
	_ =	sdelay $0x1  }
0x2d4: {  	v8 =	vld.idx.msk [tilespmem:v8+s17+$0x0], $0xffff  }
0x2d5: {  	v15 =	vld.idx.msk [tilespmem:v15+s17+$0x0], $0xffff  }
0x2d6: {  	v18 =	vld.idx.msk [tilespmem:v18+s2+$0x0], $0xffff;
	v5 =	vsub.f32 v14, v5  }
0x2d7: {  	v6 =	vadd.f32 v22, v6;
	v60 =	vsub.f32 v17, v16  }
0x2d8: {  	v12 =	vsub.f32 v13, v12;
	v61 =	vmul.f32 v21, v21;
	v5 =	vmul.f32 v5, v5  }
0x2d9: {  	v10 =	vadd.f32 v20, v10;
	v8 =	vsub.f32 v11, v8;
	v14 =	vmul.f32 v60, v60  }
0x2da: {  	v62 =	vmul.f32 v12, v12;
	v9 =	vadd.f32 v61, v9;
	v5 =	vadd.f32 v5, v6  }
0x2db: {  	v8 =	vmul.f32 v8, v8;
	v6 =	vsub.f32 v18, v15;
	v10 =	vadd.f32 v14, v10  }
0x2dc: {  	v7 =	vadd.f32 v62, v7  }
0x2dd: {  	v8 =	vadd.f32 v8, v9;
	v6 =	vmul.f32 v6, v6;
	v5 =	vadd.f32 v5, v10  }
0x2de: {  	v63 =	vld [tilespmem:s10+$0x19170]  }
0x2df: {  	v6 =	vadd.f32 v6, v7;
	v5 =	vadd.f32 v8, v5;
	_ =	sdelay $0x1  }
.Ltmp19:
0x2e0: {  	v5 =	vadd.f32 v6, v5;
	(pc) =	sbr.rel .LBB2_32-.Ltmp19, $4  }
0x2e1: {  	_ = 	snop  }
0x2e2: {  	vm0 =	vmmov $0x7fff;
	v5 =	vmin.f32 v63, v5  }
0x2e3: {  	v5 =	vsel vm0, v63, v5  }
0x2e4: {  	[tilespmem:s10+$0x19170] =	vst v5  }
.LBB2_33:
0x2e5: {  	_ =	sfence.sel $0x180000  }
0x2e6: {  	[bflag:$0x0] =	sbarrier.arrive $0xFFFF  }
0x2e7: {  	_ =	strace $0x90000047  }
0x2e8: {  	s0 =	stileid.u32;
	[bflag:$0x2] =	sbarrier.arrive $0xFFFF  }
0x2e9: {  	p0 =	sne.s32 s0, $0x0;
	s0 =	rddreg [dreg:$0x2]  }
0x2ea: {  	s0 =	sadd.s32 @!p0 $0x100000, s0  }
0x2eb: {  	[sflag:s0] =	ssyncadd.tile.s32 @!p0 $0x1;
	_ =	shalt  }
.Lfunc_end2:
_tile_overlayer_lowered:
.L_overlay_start_2:
0x2ec: {  	(tag) =	ssettag $0x2  }
0x2ed: {  	s0 =	rddreg [dreg:$0x0];
	s2 =	stileid.u32  }
0x2ee: {  	s1 =	rddreg [dreg:$0x1];
	p0 =	sne.s32 s2, $0x0  }
0x2ef: {  	s3 =	rddreg [dreg:$0x2];
	[bflag:$0x3] =	sbarrier.arrive $0xFFFF;
	s2 =	simm.s32 @!p0 $0x1C07  }
0x2f0: {  	[timem:s3], [sflag:s2] =	dma.local @!p0 [hbm:s0], s1  }
0x2f1: {  	s0 =	simm.s32 @!p0 $0x7  }
0x2f2: {  	_ =	swait.ge @!p0 [sflag:s0], s1  }
0x2f3: {  	s1 =	ssub.s32 @!p0 $0x0, s1;
	[sflag:s0] =	ssyncset.done @!p0 $0x0  }
0x2f4: {  	[sflag:s0] =	ssyncadd.s32 @!p0 s1  }
0x2f5: {  	[bflag:$0x3] =	sbarrier.arrive $0xFFFF  }
0x2f6: {  	_ =	shalt  }

</sc_bundles>
